<compile_context>
chip_gen: v7x
topology: tpu7x:2x2x1
jax: 0.10.2.dev20260603
libtpu: 0.0.44.dev20260713+nightly
codegen_flags: <defaults>
</compile_context>

<pallas_src>
import functools

import jax
import jax.numpy as jnp
from jax import lax
from jax.experimental import pallas as pl
from jax.experimental.pallas import tpu as pltpu
from jax.experimental.pallas import tpu_sc as plsc

N_ITEMS = 10000
N_HE = 5000
NNZ = 320000
D = 128

NC = 2
NS = 16
NW = NC * NS
CH = 128
NCHUNKS = NNZ // CH
CH_PER_W = NCHUNKS // NW
CH_REM = NCHUNKS - CH_PER_W * NW

H_PAD = 5120
N_PAD = 10240
WB = 160


def _spmm_sc(table_rows, s_pad, with_deg):
    rows_per_tile = s_pad // NS
    n_wb = rows_per_tile // WB
    dh_per_tile = H_PAD // NS
    di_per_tile = N_PAD // NS

    out_type = [jax.ShapeDtypeStruct((NC, s_pad, D), jnp.float32)]
    scratch = [
        pltpu.VMEM((CH,), jnp.int32),
        pltpu.VMEM((CH,), jnp.int32),
        pltpu.VMEM((CH, D), jnp.float32),
        pltpu.VMEM((WB, D), jnp.float32),
        pltpu.VMEM_SHARED((s_pad, D), jnp.float32),
        pltpu.SemaphoreType.DMA,
    ]
    if with_deg:
        out_type += [jax.ShapeDtypeStruct((NC * H_PAD,), jnp.float32),
                     jax.ShapeDtypeStruct((NC * N_PAD,), jnp.float32)]
        scratch += [
            pltpu.VMEM((CH,), jnp.float32),
            pltpu.VMEM((di_per_tile,), jnp.float32),
            pltpu.VMEM_SHARED((H_PAD,), jnp.float32),
            pltpu.VMEM_SHARED((N_PAD,), jnp.float32),
        ]

    mesh = plsc.VectorSubcoreMesh(core_axis_name="c", subcore_axis_name="s")

    def body(table, gidx, sidx, zeros2d, zeros1d, ones, *rest):
        if with_deg:
            (p_out, dh_out, di_out,
             gbuf, sbuf, rbuf, zbuf, acc, sem, obuf, dzbuf, dh_acc, di_acc) = rest
        else:
            (p_out, gbuf, sbuf, rbuf, zbuf, acc, sem) = rest
        c = lax.axis_index("c")
        s = lax.axis_index("s")
        wid = s * NC + c

        pltpu.sync_copy(zeros2d, zbuf)
        row0 = s * rows_per_tile
        for k in range(n_wb):
            pltpu.sync_copy(zbuf, acc.at[pl.ds(row0 + k * WB, WB), :])
        if with_deg:
            pltpu.sync_copy(ones, obuf)
            pltpu.sync_copy(zeros1d, dzbuf)
            pltpu.sync_copy(dzbuf.at[pl.ds(0, dh_per_tile)],
                            dh_acc.at[pl.ds(s * dh_per_tile, dh_per_tile)])
            pltpu.sync_copy(dzbuf.at[pl.ds(0, di_per_tile)],
                            di_acc.at[pl.ds(s * di_per_tile, di_per_tile)])
        plsc.subcore_barrier()

        def do_chunk(ch):
            pltpu.sync_copy(gidx.at[ch], gbuf)
            pltpu.sync_copy(sidx.at[ch], sbuf)
            pltpu.async_copy(table.at[gbuf], rbuf, sem).wait()
            pltpu.sync_copy(rbuf, acc.at[sbuf], add=True)
            if with_deg:
                pltpu.sync_copy(obuf, dh_acc.at[sbuf], add=True)
                pltpu.sync_copy(obuf, di_acc.at[gbuf], add=True)

        def loop_body(j, carry):
            do_chunk(wid * CH_PER_W + j)
            return carry

        lax.fori_loop(0, CH_PER_W, loop_body, 0)

        @pl.when(wid < CH_REM)
        def _():
            do_chunk(NW * CH_PER_W + wid)

        plsc.subcore_barrier()

        for k in range(n_wb):
            r0 = row0 + k * WB
            pltpu.sync_copy(acc.at[pl.ds(r0, WB), :], zbuf)
            pltpu.sync_copy(zbuf, p_out.at[c, pl.ds(r0, WB), :])
        if with_deg:
            hr0 = s * dh_per_tile
            pltpu.sync_copy(dh_acc.at[pl.ds(hr0, dh_per_tile)],
                            dzbuf.at[pl.ds(0, dh_per_tile)])
            pltpu.sync_copy(dzbuf.at[pl.ds(0, dh_per_tile)],
                            dh_out.at[pl.ds(c * H_PAD + hr0, dh_per_tile)])
            ir0 = s * di_per_tile
            pltpu.sync_copy(di_acc.at[pl.ds(ir0, di_per_tile)], dzbuf)
            pltpu.sync_copy(dzbuf, di_out.at[pl.ds(c * N_PAD + ir0, di_per_tile)])

    return pl.kernel(body, out_type=out_type, mesh=mesh,
                     scratch_types=scratch)


def _combine_tc(s_pad):
    blk = 512
    grid = (s_pad // blk,)

    def body(p_ref, d_ref, o_ref):
        deg = d_ref[0] + d_ref[1]
        dinv = jnp.where(deg > 0.0, 1.0 / jnp.where(deg > 0.0, deg, 1.0), 0.0)
        o_ref[...] = (p_ref[0] + p_ref[1]) * dinv

    return pl.pallas_call(
        body,
        grid=grid,
        in_specs=[
            pl.BlockSpec((2, blk, D), lambda i: (0, i, 0)),
            pl.BlockSpec((2, blk, 1), lambda i: (0, i, 0)),
        ],
        out_specs=pl.BlockSpec((blk, D), lambda i: (i, 0)),
        out_shape=jax.ShapeDtypeStruct((s_pad, D), jnp.float32),
    )


def _final_tc():
    blk = 400
    grid = (N_ITEMS // blk,)

    def body(x0_ref, x1_ref, p_ref, d_ref, o_ref):
        deg = d_ref[0] + d_ref[1]
        dinv = jnp.where(deg > 0.0, 1.0 / jnp.where(deg > 0.0, deg, 1.0), 0.0)
        x2 = (p_ref[0] + p_ref[1]) * dinv
        m = (x0_ref[...] + x1_ref[...] + x2) * (1.0 / 3.0)
        nrm = jnp.sqrt(jnp.sum(m * m, axis=1, keepdims=True))
        o_ref[...] = m / jnp.maximum(nrm, 1e-12)

    return pl.pallas_call(
        body,
        grid=grid,
        in_specs=[
            pl.BlockSpec((blk, D), lambda i: (i, 0)),
            pl.BlockSpec((blk, D), lambda i: (i, 0)),
            pl.BlockSpec((2, blk, D), lambda i: (0, i, 0)),
            pl.BlockSpec((2, blk, 1), lambda i: (0, i, 0)),
        ],
        out_specs=pl.BlockSpec((blk, D), lambda i: (i, 0)),
        out_shape=jax.ShapeDtypeStruct((N_ITEMS, D), jnp.float32),
    )


@jax.jit
def kernel(item_emb, bi_rows, bi_cols):
    gidx = bi_cols.reshape(NCHUNKS, CH)
    sidx = bi_rows.reshape(NCHUNKS, CH)
    zeros2d = jnp.zeros((WB, D), jnp.float32)
    zeros1d = jnp.zeros((N_PAD // NS,), jnp.float32)
    ones = jnp.ones((CH,), jnp.float32)

    mp1, dhp, dip = _spmm_sc(N_ITEMS, H_PAD, True)(
        item_emb, gidx, sidx, zeros2d, zeros1d, ones)
    dhp3 = dhp.reshape(NC, H_PAD, 1)
    dip3 = dip.reshape(NC, N_PAD, 1)
    msg1 = _combine_tc(H_PAD)(mp1, dhp3)

    (xp1,) = _spmm_sc(H_PAD, N_PAD, False)(
        msg1, sidx, gidx, zeros2d, zeros1d, ones)
    x1 = _combine_tc(N_PAD)(xp1, dip3)

    (mp2,) = _spmm_sc(N_PAD, H_PAD, False)(
        x1, gidx, sidx, zeros2d, zeros1d, ones)
    msg2 = _combine_tc(H_PAD)(mp2, dhp3)

    (xp2,) = _spmm_sc(H_PAD, N_PAD, False)(
        msg2, sidx, gidx, zeros2d, zeros1d, ones)

    return _final_tc()(item_emb, x1, xp2, dip3)

# --- scband reference (transcript-rebuilt; emitter-appended) ---
"""Pipeline reference for scband-hyper-graph-conv-net-53137335386354 (READ-ONLY COPY).

The authoritative reference and input builder live on the scoring server;
editing this copy changes nothing except your own understanding.
"""

import jax, jax.numpy as jnp
import numpy as np

N_ITEMS = 10000
N_HE = 5000
NNZ = 320000
D = 128
NUM_LAYER = 2


def setup_inputs(seed: int = 0) -> dict:
    key = jax.random.key(seed)
    k1, k2, k3 = jax.random.split(key, 3)
    item_emb = jax.random.normal(k1, (N_ITEMS, D), dtype=jnp.float32)
    bi_rows = jax.random.randint(k2, (NNZ,), 0, N_HE, dtype=jnp.int32)
    bi_cols = jax.random.randint(k3, (NNZ,), 0, N_ITEMS, dtype=jnp.int32)
    return {"item_emb": item_emb, "bi_rows": bi_rows, "bi_cols": bi_cols}


def reference(item_emb, bi_rows, bi_cols):
    # Degree normalization: deg_bi = row-sums of binary incidence B [H, N];
    # deg_ib = row-sums of B.T (i.e. column sums of B). inf -> 0 as in get_hyper_deg.
    ones = jnp.ones((NNZ,), dtype=jnp.float32)
    deg_h = jax.ops.segment_sum(ones, bi_rows, num_segments=N_HE)
    deg_i = jax.ops.segment_sum(ones, bi_cols, num_segments=N_ITEMS)
    d_inv_h = jnp.where(deg_h > 0, 1.0 / jnp.where(deg_h > 0, deg_h, 1.0), 0.0)
    d_inv_i = jnp.where(deg_i > 0, 1.0 / jnp.where(deg_i > 0, deg_i, 1.0), 0.0)

    feats = [item_emb]
    x = item_emb
    for _ in range(NUM_LAYER):
        # message_item_agg = (D_bi^-1 * B) @ x : gather by item col, segment-sum to hyperedge row
        gathered = jnp.take(x, bi_cols, axis=0)            # [NNZ, D]
        msg = jax.ops.segment_sum(gathered, bi_rows, num_segments=N_HE)
        msg = msg * d_inv_h[:, None]                        # [H, D]
        # propagate_item_emb = (D_ib^-1 * B.T) @ msg : gather by hyperedge, segment-sum to item
        gathered2 = jnp.take(msg, bi_rows, axis=0)          # [NNZ, D]
        x = jax.ops.segment_sum(gathered2, bi_cols, num_segments=N_ITEMS)
        x = x * d_inv_i[:, None]                            # [N, D]
        feats.append(x)

    mean_feat = jnp.mean(jnp.stack(feats, axis=0), axis=0)
    # F.normalize(..., p=2, dim=1, eps=1e-12)
    norm = jnp.linalg.norm(mean_feat, axis=1, keepdims=True)
    return mean_feat / jnp.maximum(norm, 1e-12)

if __name__ == "__main__":
    import jax
    _d = setup_inputs()
    print(jax.jit(kernel)(*tuple(_d.values())))

</pallas_src>

<mosaic_0001>
#map = affine_map<(d0, d1) -> (0, 0)>
#map1 = affine_map<(d0, d1) -> (0)>
#map2 = affine_map<(d0, d1) -> (0, 0, 0)>
module attributes {stable_mosaic.version = 14 : i64} {
  func.func @body(%arg0: i32, %arg1: i32, %arg2: memref<10000x128xf32, #tpu.memory_space<hbm>>, %arg3: memref<2500x128xi32, #tpu.memory_space<hbm>>, %arg4: memref<2500x128xi32, #tpu.memory_space<hbm>>, %arg5: memref<160x128xf32, #tpu.memory_space<hbm>>, %arg6: memref<640xf32, #tpu.memory_space<hbm>>, %arg7: memref<128xf32, #tpu.memory_space<hbm>>, %arg8: memref<2x5120x128xf32, #tpu.memory_space<hbm>>, %arg9: memref<10240xf32, #tpu.memory_space<hbm>>, %arg10: memref<20480xf32, #tpu.memory_space<hbm>>, %arg11: memref<128xi32, #tpu.memory_space<vmem>>, %arg12: memref<128xi32, #tpu.memory_space<vmem>>, %arg13: memref<128x128xf32, #tpu.memory_space<vmem>>, %arg14: memref<160x128xf32, #tpu.memory_space<vmem>>, %arg15: memref<5120x128xf32, #tpu.memory_space<vmem_shared>>, %arg16: memref<!tpu.dma_semaphore, #tpu.memory_space<semaphore_mem>>, %arg17: memref<128xf32, #tpu.memory_space<vmem>>, %arg18: memref<640xf32, #tpu.memory_space<vmem>>, %arg19: memref<5120xf32, #tpu.memory_space<vmem_shared>>, %arg20: memref<10240xf32, #tpu.memory_space<vmem_shared>>) attributes {dimension_semantics = [#tpu.dimension_semantics<core_parallel>, #tpu.dimension_semantics<subcore_parallel>], iteration_bounds = array<i64: 2, 16>, scalar_prefetch = 0 : i64, scratch_operands = 10 : i64, tpu.core_type = #tpu.core_type<sc_vector_subcore>, window_params = [{transform_indices = #map}, {transform_indices = #map}, {transform_indices = #map}, {transform_indices = #map}, {transform_indices = #map1}, {transform_indices = #map1}, {transform_indices = #map2}, {transform_indices = #map1}, {transform_indices = #map1}]} {
    %mul3A = arith.constant 2 : i32
    %mul3A_0 = arith.muli %arg1, %mul3A : i32
    %add3A = arith.addi %mul3A_0, %arg0 : i32
    "tpu.region"() ({
      %run_scoped3A = tpu.sem_alloc : memref<!tpu.dma_semaphore, #tpu.memory_space<semaphore_mem>>
      tpu.enqueue_dma source(%arg5 : memref<160x128xf32, #tpu.memory_space<hbm>>) target(%arg14 : memref<160x128xf32, #tpu.memory_space<vmem>>) target_semaphore(%run_scoped3A : memref<!tpu.dma_semaphore, #tpu.memory_space<semaphore_mem>>)
      tpu.wait_dma2 semaphore(%run_scoped3A : memref<!tpu.dma_semaphore, #tpu.memory_space<semaphore_mem>>) src(%arg5 : memref<160x128xf32, #tpu.memory_space<hbm>>) dst(%arg14 : memref<160x128xf32, #tpu.memory_space<vmem>>)
      tpu.yield
    }) : () -> ()
    %mul3A_1 = arith.constant 320 : i32
    %mul3A_2 = arith.muli %arg1, %mul3A_1 : i32
    %add3A_3 = arith.constant 0 : i32
    %add3A_4 = arith.addi %mul3A_2, %add3A_3 : i32
    "tpu.region"() ({
      %run_scoped3A = tpu.sem_alloc : memref<!tpu.dma_semaphore, #tpu.memory_space<semaphore_mem>>
      %dma_start3A = arith.constant 0 : i32
      %dma_start3A_33 = tpu.memref_slice %arg15[%add3A_4, %dma_start3A] : memref<5120x128xf32, #tpu.memory_space<vmem_shared>> -> memref<160x128xf32, #tpu.memory_space<vmem_shared>>
      %dma_start3A_34 = arith.constant 0 : i32
      %dma_start3A_35 = tpu.memref_slice %arg15[%add3A_4, %dma_start3A_34] : memref<5120x128xf32, #tpu.memory_space<vmem_shared>> -> memref<160x128xf32, #tpu.memory_space<vmem_shared>>
      tpu.enqueue_dma source(%arg14 : memref<160x128xf32, #tpu.memory_space<vmem>>) target(%dma_start3A_35 : memref<160x128xf32, #tpu.memory_space<vmem_shared>>) target_semaphore(%run_scoped3A : memref<!tpu.dma_semaphore, #tpu.memory_space<semaphore_mem>>)
      %dma_wait3A = arith.constant 0 : i32
      %dma_wait3A_36 = tpu.memref_slice %arg15[%add3A_4, %dma_wait3A] : memref<5120x128xf32, #tpu.memory_space<vmem_shared>> -> memref<160x128xf32, #tpu.memory_space<vmem_shared>>
      %dma_wait3A_37 = arith.constant 0 : i32
      %dma_wait3A_38 = tpu.memref_slice %arg15[%add3A_4, %dma_wait3A_37] : memref<5120x128xf32, #tpu.memory_space<vmem_shared>> -> memref<160x128xf32, #tpu.memory_space<vmem_shared>>
      tpu.wait_dma2 semaphore(%run_scoped3A : memref<!tpu.dma_semaphore, #tpu.memory_space<semaphore_mem>>) src(%arg14 : memref<160x128xf32, #tpu.memory_space<vmem>>) dst(%dma_wait3A_38 : memref<160x128xf32, #tpu.memory_space<vmem_shared>>)
      tpu.yield
    }) : () -> ()
    %add3A_5 = arith.constant 160 : i32
    %add3A_6 = arith.addi %mul3A_2, %add3A_5 : i32
    "tpu.region"() ({
      %run_scoped3A = tpu.sem_alloc : memref<!tpu.dma_semaphore, #tpu.memory_space<semaphore_mem>>
      %dma_start3A = arith.constant 0 : i32
      %dma_start3A_33 = tpu.memref_slice %arg15[%add3A_6, %dma_start3A] : memref<5120x128xf32, #tpu.memory_space<vmem_shared>> -> memref<160x128xf32, #tpu.memory_space<vmem_shared>>
      %dma_start3A_34 = arith.constant 0 : i32
      %dma_start3A_35 = tpu.memref_slice %arg15[%add3A_6, %dma_start3A_34] : memref<5120x128xf32, #tpu.memory_space<vmem_shared>> -> memref<160x128xf32, #tpu.memory_space<vmem_shared>>
      tpu.enqueue_dma source(%arg14 : memref<160x128xf32, #tpu.memory_space<vmem>>) target(%dma_start3A_35 : memref<160x128xf32, #tpu.memory_space<vmem_shared>>) target_semaphore(%run_scoped3A : memref<!tpu.dma_semaphore, #tpu.memory_space<semaphore_mem>>)
      %dma_wait3A = arith.constant 0 : i32
      %dma_wait3A_36 = tpu.memref_slice %arg15[%add3A_6, %dma_wait3A] : memref<5120x128xf32, #tpu.memory_space<vmem_shared>> -> memref<160x128xf32, #tpu.memory_space<vmem_shared>>
      %dma_wait3A_37 = arith.constant 0 : i32
      %dma_wait3A_38 = tpu.memref_slice %arg15[%add3A_6, %dma_wait3A_37] : memref<5120x128xf32, #tpu.memory_space<vmem_shared>> -> memref<160x128xf32, #tpu.memory_space<vmem_shared>>
      tpu.wait_dma2 semaphore(%run_scoped3A : memref<!tpu.dma_semaphore, #tpu.memory_space<semaphore_mem>>) src(%arg14 : memref<160x128xf32, #tpu.memory_space<vmem>>) dst(%dma_wait3A_38 : memref<160x128xf32, #tpu.memory_space<vmem_shared>>)
      tpu.yield
    }) : () -> ()
    "tpu.region"() ({
      %run_scoped3A = tpu.sem_alloc : memref<!tpu.dma_semaphore, #tpu.memory_space<semaphore_mem>>
      tpu.enqueue_dma source(%arg7 : memref<128xf32, #tpu.memory_space<hbm>>) target(%arg17 : memref<128xf32, #tpu.memory_space<vmem>>) target_semaphore(%run_scoped3A : memref<!tpu.dma_semaphore, #tpu.memory_space<semaphore_mem>>)
      tpu.wait_dma2 semaphore(%run_scoped3A : memref<!tpu.dma_semaphore, #tpu.memory_space<semaphore_mem>>) src(%arg7 : memref<128xf32, #tpu.memory_space<hbm>>) dst(%arg17 : memref<128xf32, #tpu.memory_space<vmem>>)
      tpu.yield
    }) : () -> ()
    "tpu.region"() ({
      %run_scoped3A = tpu.sem_alloc : memref<!tpu.dma_semaphore, #tpu.memory_space<semaphore_mem>>
      tpu.enqueue_dma source(%arg6 : memref<640xf32, #tpu.memory_space<hbm>>) target(%arg18 : memref<640xf32, #tpu.memory_space<vmem>>) target_semaphore(%run_scoped3A : memref<!tpu.dma_semaphore, #tpu.memory_space<semaphore_mem>>)
      tpu.wait_dma2 semaphore(%run_scoped3A : memref<!tpu.dma_semaphore, #tpu.memory_space<semaphore_mem>>) src(%arg6 : memref<640xf32, #tpu.memory_space<hbm>>) dst(%arg18 : memref<640xf32, #tpu.memory_space<vmem>>)
      tpu.yield
    }) : () -> ()
    %mul3A_7 = arith.constant 320 : i32
    %mul3A_8 = arith.muli %arg1, %mul3A_7 : i32
    "tpu.region"() ({
      %run_scoped3A = tpu.sem_alloc : memref<!tpu.dma_semaphore, #tpu.memory_space<semaphore_mem>>
      %dma_start3A = arith.constant 0 : i32
      %dma_start3A_33 = tpu.memref_slice %arg18[%dma_start3A] : memref<640xf32, #tpu.memory_space<vmem>> -> memref<320xf32, #tpu.memory_space<vmem>>
      %dma_start3A_34 = tpu.memref_slice %arg19[%mul3A_8] : memref<5120xf32, #tpu.memory_space<vmem_shared>> -> memref<320xf32, #tpu.memory_space<vmem_shared>>
      %dma_start3A_35 = tpu.memref_slice %arg19[%mul3A_8] : memref<5120xf32, #tpu.memory_space<vmem_shared>> -> memref<320xf32, #tpu.memory_space<vmem_shared>>
      %dma_start3A_36 = arith.constant 0 : i32
      %dma_start3A_37 = tpu.memref_slice %arg18[%dma_start3A_36] : memref<640xf32, #tpu.memory_space<vmem>> -> memref<320xf32, #tpu.memory_space<vmem>>
      tpu.enqueue_dma source(%dma_start3A_37 : memref<320xf32, #tpu.memory_space<vmem>>) target(%dma_start3A_35 : memref<320xf32, #tpu.memory_space<vmem_shared>>) target_semaphore(%run_scoped3A : memref<!tpu.dma_semaphore, #tpu.memory_space<semaphore_mem>>)
      %dma_wait3A = arith.constant 0 : i32
      %dma_wait3A_38 = tpu.memref_slice %arg18[%dma_wait3A] : memref<640xf32, #tpu.memory_space<vmem>> -> memref<320xf32, #tpu.memory_space<vmem>>
      %dma_wait3A_39 = tpu.memref_slice %arg19[%mul3A_8] : memref<5120xf32, #tpu.memory_space<vmem_shared>> -> memref<320xf32, #tpu.memory_space<vmem_shared>>
      %dma_wait3A_40 = tpu.memref_slice %arg19[%mul3A_8] : memref<5120xf32, #tpu.memory_space<vmem_shared>> -> memref<320xf32, #tpu.memory_space<vmem_shared>>
      %dma_wait3A_41 = arith.constant 0 : i32
      %dma_wait3A_42 = tpu.memref_slice %arg18[%dma_wait3A_41] : memref<640xf32, #tpu.memory_space<vmem>> -> memref<320xf32, #tpu.memory_space<vmem>>
      tpu.wait_dma2 semaphore(%run_scoped3A : memref<!tpu.dma_semaphore, #tpu.memory_space<semaphore_mem>>) src(%dma_wait3A_42 : memref<320xf32, #tpu.memory_space<vmem>>) dst(%dma_wait3A_40 : memref<320xf32, #tpu.memory_space<vmem_shared>>)
      tpu.yield
    }) : () -> ()
    %mul3A_9 = arith.constant 640 : i32
    %mul3A_10 = arith.muli %arg1, %mul3A_9 : i32
    "tpu.region"() ({
      %run_scoped3A = tpu.sem_alloc : memref<!tpu.dma_semaphore, #tpu.memory_space<semaphore_mem>>
      %dma_start3A = arith.constant 0 : i32
      %dma_start3A_33 = tpu.memref_slice %arg18[%dma_start3A] : memref<640xf32, #tpu.memory_space<vmem>> -> memref<640xf32, #tpu.memory_space<vmem>>
      %dma_start3A_34 = tpu.memref_slice %arg20[%mul3A_10] : memref<10240xf32, #tpu.memory_space<vmem_shared>> -> memref<640xf32, #tpu.memory_space<vmem_shared>>
      %dma_start3A_35 = tpu.memref_slice %arg20[%mul3A_10] : memref<10240xf32, #tpu.memory_space<vmem_shared>> -> memref<640xf32, #tpu.memory_space<vmem_shared>>
      %dma_start3A_36 = arith.constant 0 : i32
      %dma_start3A_37 = tpu.memref_slice %arg18[%dma_start3A_36] : memref<640xf32, #tpu.memory_space<vmem>> -> memref<640xf32, #tpu.memory_space<vmem>>
      tpu.enqueue_dma source(%dma_start3A_37 : memref<640xf32, #tpu.memory_space<vmem>>) target(%dma_start3A_35 : memref<640xf32, #tpu.memory_space<vmem_shared>>) target_semaphore(%run_scoped3A : memref<!tpu.dma_semaphore, #tpu.memory_space<semaphore_mem>>)
      %dma_wait3A = arith.constant 0 : i32
      %dma_wait3A_38 = tpu.memref_slice %arg18[%dma_wait3A] : memref<640xf32, #tpu.memory_space<vmem>> -> memref<640xf32, #tpu.memory_space<vmem>>
      %dma_wait3A_39 = tpu.memref_slice %arg20[%mul3A_10] : memref<10240xf32, #tpu.memory_space<vmem_shared>> -> memref<640xf32, #tpu.memory_space<vmem_shared>>
      %dma_wait3A_40 = tpu.memref_slice %arg20[%mul3A_10] : memref<10240xf32, #tpu.memory_space<vmem_shared>> -> memref<640xf32, #tpu.memory_space<vmem_shared>>
      %dma_wait3A_41 = arith.constant 0 : i32
      %dma_wait3A_42 = tpu.memref_slice %arg18[%dma_wait3A_41] : memref<640xf32, #tpu.memory_space<vmem>> -> memref<640xf32, #tpu.memory_space<vmem>>
      tpu.wait_dma2 semaphore(%run_scoped3A : memref<!tpu.dma_semaphore, #tpu.memory_space<semaphore_mem>>) src(%dma_wait3A_42 : memref<640xf32, #tpu.memory_space<vmem>>) dst(%dma_wait3A_40 : memref<640xf32, #tpu.memory_space<vmem_shared>>)
      tpu.yield
    }) : () -> ()
    %barrier3A = arith.constant 0 : index
    tpu.barrier barrier_id(%barrier3A)
    %scan3A = arith.constant 0 : i32
    %scan3A_11 = arith.constant 0 : i32
    %scan3A_12 = arith.constant 78 : i32
    %scan3A_13 = arith.addi %scan3A_11, %scan3A_12 : i32
    %scan3A_14 = arith.constant 1 : i32
    scf.for %scan3A_33 = %scan3A_11 to %scan3A_13 step %scan3A_14  : i32 {
      %mul3A_34 = arith.constant 78 : i32
      %mul3A_35 = arith.muli %add3A, %mul3A_34 : i32
      %add3A_36 = arith.addi %mul3A_35, %scan3A_33 : i32
      "tpu.region"() ({
        %run_scoped3A = tpu.sem_alloc : memref<!tpu.dma_semaphore, #tpu.memory_space<semaphore_mem>>
        %dma_start3A_41 = arith.constant 0 : i32
        %dma_start3A_42 = tpu.memref_slice %arg3[%add3A_36, %dma_start3A_41] : memref<2500x128xi32, #tpu.memory_space<hbm>> -> memref<1x128xi32, #tpu.memory_space<hbm>>
        %dma_start3A_43 = tpu.memref_squeeze %dma_start3A_42 : memref<1x128xi32, #tpu.memory_space<hbm>> -> memref<128xi32, #tpu.memory_space<hbm>>
        %dma_start3A_44 = arith.constant 0 : i32
        %dma_start3A_45 = tpu.memref_slice %arg3[%add3A_36, %dma_start3A_44] : memref<2500x128xi32, #tpu.memory_space<hbm>> -> memref<1x128xi32, #tpu.memory_space<hbm>>
        %dma_start3A_46 = tpu.memref_squeeze %dma_start3A_45 : memref<1x128xi32, #tpu.memory_space<hbm>> -> memref<128xi32, #tpu.memory_space<hbm>>
        tpu.enqueue_dma source(%dma_start3A_46 : memref<128xi32, #tpu.memory_space<hbm>>) target(%arg11 : memref<128xi32, #tpu.memory_space<vmem>>) target_semaphore(%run_scoped3A : memref<!tpu.dma_semaphore, #tpu.memory_space<semaphore_mem>>)
        %dma_wait3A_47 = arith.constant 0 : i32
        %dma_wait3A_48 = tpu.memref_slice %arg3[%add3A_36, %dma_wait3A_47] : memref<2500x128xi32, #tpu.memory_space<hbm>> -> memref<1x128xi32, #tpu.memory_space<hbm>>
        %dma_wait3A_49 = tpu.memref_squeeze %dma_wait3A_48 : memref<1x128xi32, #tpu.memory_space<hbm>> -> memref<128xi32, #tpu.memory_space<hbm>>
        %dma_wait3A_50 = arith.constant 0 : i32
        %dma_wait3A_51 = tpu.memref_slice %arg3[%add3A_36, %dma_wait3A_50] : memref<2500x128xi32, #tpu.memory_space<hbm>> -> memref<1x128xi32, #tpu.memory_space<hbm>>
        %dma_wait3A_52 = tpu.memref_squeeze %dma_wait3A_51 : memref<1x128xi32, #tpu.memory_space<hbm>> -> memref<128xi32, #tpu.memory_space<hbm>>
        tpu.wait_dma2 semaphore(%run_scoped3A : memref<!tpu.dma_semaphore, #tpu.memory_space<semaphore_mem>>) src(%dma_wait3A_52 : memref<128xi32, #tpu.memory_space<hbm>>) dst(%arg11 : memref<128xi32, #tpu.memory_space<vmem>>)
        tpu.yield
      }) : () -> ()
      "tpu.region"() ({
        %run_scoped3A = tpu.sem_alloc : memref<!tpu.dma_semaphore, #tpu.memory_space<semaphore_mem>>
        %dma_start3A_41 = arith.constant 0 : i32
        %dma_start3A_42 = tpu.memref_slice %arg4[%add3A_36, %dma_start3A_41] : memref<2500x128xi32, #tpu.memory_space<hbm>> -> memref<1x128xi32, #tpu.memory_space<hbm>>
        %dma_start3A_43 = tpu.memref_squeeze %dma_start3A_42 : memref<1x128xi32, #tpu.memory_space<hbm>> -> memref<128xi32, #tpu.memory_space<hbm>>
        %dma_start3A_44 = arith.constant 0 : i32
        %dma_start3A_45 = tpu.memref_slice %arg4[%add3A_36, %dma_start3A_44] : memref<2500x128xi32, #tpu.memory_space<hbm>> -> memref<1x128xi32, #tpu.memory_space<hbm>>
        %dma_start3A_46 = tpu.memref_squeeze %dma_start3A_45 : memref<1x128xi32, #tpu.memory_space<hbm>> -> memref<128xi32, #tpu.memory_space<hbm>>
        tpu.enqueue_dma source(%dma_start3A_46 : memref<128xi32, #tpu.memory_space<hbm>>) target(%arg12 : memref<128xi32, #tpu.memory_space<vmem>>) target_semaphore(%run_scoped3A : memref<!tpu.dma_semaphore, #tpu.memory_space<semaphore_mem>>)
        %dma_wait3A_47 = arith.constant 0 : i32
        %dma_wait3A_48 = tpu.memref_slice %arg4[%add3A_36, %dma_wait3A_47] : memref<2500x128xi32, #tpu.memory_space<hbm>> -> memref<1x128xi32, #tpu.memory_space<hbm>>
        %dma_wait3A_49 = tpu.memref_squeeze %dma_wait3A_48 : memref<1x128xi32, #tpu.memory_space<hbm>> -> memref<128xi32, #tpu.memory_space<hbm>>
        %dma_wait3A_50 = arith.constant 0 : i32
        %dma_wait3A_51 = tpu.memref_slice %arg4[%add3A_36, %dma_wait3A_50] : memref<2500x128xi32, #tpu.memory_space<hbm>> -> memref<1x128xi32, #tpu.memory_space<hbm>>
        %dma_wait3A_52 = tpu.memref_squeeze %dma_wait3A_51 : memref<1x128xi32, #tpu.memory_space<hbm>> -> memref<128xi32, #tpu.memory_space<hbm>>
        tpu.wait_dma2 semaphore(%run_scoped3A : memref<!tpu.dma_semaphore, #tpu.memory_space<semaphore_mem>>) src(%dma_wait3A_52 : memref<128xi32, #tpu.memory_space<hbm>>) dst(%arg12 : memref<128xi32, #tpu.memory_space<vmem>>)
        tpu.yield
      }) : () -> ()
      %dma_start3A = arith.constant 0 : i32
      %dma_start3A_37 = arith.constant 0 : i32
      %dma_start3A_38 = tpu.memref_slice %arg2[%dma_start3A, %dma_start3A_37] : memref<10000x128xf32, #tpu.memory_space<hbm>> -> memref<10000x128xf32, #tpu.memory_space<hbm>>
      tpu.enqueue_indirect_dma source(%dma_start3A_38 : memref<10000x128xf32, #tpu.memory_space<hbm>>) target(%arg13 : memref<128x128xf32, #tpu.memory_space<vmem>>) offsets(%arg11 : memref<128xi32, #tpu.memory_space<vmem>>) semaphore(%arg16 : memref<!tpu.dma_semaphore, #tpu.memory_space<semaphore_mem>>)
      %dma_wait3A = arith.constant 0 : i32
      %dma_wait3A_39 = arith.constant 0 : i32
      %dma_wait3A_40 = tpu.memref_slice %arg2[%dma_wait3A, %dma_wait3A_39] : memref<10000x128xf32, #tpu.memory_space<hbm>> -> memref<10000x128xf32, #tpu.memory_space<hbm>>
      tpu.wait_indirect_dma semaphore(%arg16 : memref<!tpu.dma_semaphore, #tpu.memory_space<semaphore_mem>>) src(%dma_wait3A_40 : memref<10000x128xf32, #tpu.memory_space<hbm>>) dst(%arg13 : memref<128x128xf32, #tpu.memory_space<vmem>>)
      "tpu.region"() ({
        %run_scoped3A = tpu.sem_alloc : memref<!tpu.dma_semaphore, #tpu.memory_space<semaphore_mem>>
        %dma_start3A_41 = arith.constant 0 : i32
        %dma_start3A_42 = arith.constant 0 : i32
        %dma_start3A_43 = tpu.memref_slice %arg15[%dma_start3A_41, %dma_start3A_42] : memref<5120x128xf32, #tpu.memory_space<vmem_shared>> -> memref<5120x128xf32, #tpu.memory_space<vmem_shared>>
        tpu.enqueue_indirect_dma source(%arg13 : memref<128x128xf32, #tpu.memory_space<vmem>>) target(%dma_start3A_43 : memref<5120x128xf32, #tpu.memory_space<vmem_shared>>) offsets(%arg12 : memref<128xi32, #tpu.memory_space<vmem>>) semaphore(%run_scoped3A : memref<!tpu.dma_semaphore, #tpu.memory_space<semaphore_mem>>) {add = true}
        %dma_wait3A_44 = arith.constant 0 : i32
        %dma_wait3A_45 = arith.constant 0 : i32
        %dma_wait3A_46 = tpu.memref_slice %arg15[%dma_wait3A_44, %dma_wait3A_45] : memref<5120x128xf32, #tpu.memory_space<vmem_shared>> -> memref<5120x128xf32, #tpu.memory_space<vmem_shared>>
        tpu.wait_indirect_dma semaphore(%run_scoped3A : memref<!tpu.dma_semaphore, #tpu.memory_space<semaphore_mem>>) src(%arg13 : memref<128x128xf32, #tpu.memory_space<vmem>>) dst(%dma_wait3A_46 : memref<5120x128xf32, #tpu.memory_space<vmem_shared>>)
        tpu.yield
      }) : () -> ()
      "tpu.region"() ({
        %run_scoped3A = tpu.sem_alloc : memref<!tpu.dma_semaphore, #tpu.memory_space<semaphore_mem>>
        %dma_start3A_41 = arith.constant 0 : i32
        %dma_start3A_42 = tpu.memref_slice %arg19[%dma_start3A_41] : memref<5120xf32, #tpu.memory_space<vmem_shared>> -> memref<5120xf32, #tpu.memory_space<vmem_shared>>
        tpu.enqueue_indirect_dma source(%arg17 : memref<128xf32, #tpu.memory_space<vmem>>) target(%dma_start3A_42 : memref<5120xf32, #tpu.memory_space<vmem_shared>>) offsets(%arg12 : memref<128xi32, #tpu.memory_space<vmem>>) semaphore(%run_scoped3A : memref<!tpu.dma_semaphore, #tpu.memory_space<semaphore_mem>>) {add = true}
        %dma_wait3A_43 = arith.constant 0 : i32
        %dma_wait3A_44 = tpu.memref_slice %arg19[%dma_wait3A_43] : memref<5120xf32, #tpu.memory_space<vmem_shared>> -> memref<5120xf32, #tpu.memory_space<vmem_shared>>
        tpu.wait_indirect_dma semaphore(%run_scoped3A : memref<!tpu.dma_semaphore, #tpu.memory_space<semaphore_mem>>) src(%arg17 : memref<128xf32, #tpu.memory_space<vmem>>) dst(%dma_wait3A_44 : memref<5120xf32, #tpu.memory_space<vmem_shared>>)
        tpu.yield
      }) : () -> ()
      "tpu.region"() ({
        %run_scoped3A = tpu.sem_alloc : memref<!tpu.dma_semaphore, #tpu.memory_space<semaphore_mem>>
        %dma_start3A_41 = arith.constant 0 : i32
        %dma_start3A_42 = tpu.memref_slice %arg20[%dma_start3A_41] : memref<10240xf32, #tpu.memory_space<vmem_shared>> -> memref<10240xf32, #tpu.memory_space<vmem_shared>>
        tpu.enqueue_indirect_dma source(%arg17 : memref<128xf32, #tpu.memory_space<vmem>>) target(%dma_start3A_42 : memref<10240xf32, #tpu.memory_space<vmem_shared>>) offsets(%arg11 : memref<128xi32, #tpu.memory_space<vmem>>) semaphore(%run_scoped3A : memref<!tpu.dma_semaphore, #tpu.memory_space<semaphore_mem>>) {add = true}
        %dma_wait3A_43 = arith.constant 0 : i32
        %dma_wait3A_44 = tpu.memref_slice %arg20[%dma_wait3A_43] : memref<10240xf32, #tpu.memory_space<vmem_shared>> -> memref<10240xf32, #tpu.memory_space<vmem_shared>>
        tpu.wait_indirect_dma semaphore(%run_scoped3A : memref<!tpu.dma_semaphore, #tpu.memory_space<semaphore_mem>>) src(%arg17 : memref<128xf32, #tpu.memory_space<vmem>>) dst(%dma_wait3A_44 : memref<10240xf32, #tpu.memory_space<vmem_shared>>)
        tpu.yield
      }) : () -> ()
    }
    %scan3A_15 = arith.constant 78 : i32
    %lt3A = arith.constant 4 : i32
    %lt3A_16 = arith.cmpi slt, %add3A, %lt3A : i32
    %convert_element_type3A = arith.extui %lt3A_16 : i1 to i32
    %cond3A = arith.constant 0 : i32
    %cond3A_17 = arith.cmpi ne, %convert_element_type3A, %cond3A : i32
    scf.if %cond3A_17 {
      %add3A_33 = arith.constant 2496 : i32
      %add3A_34 = arith.addi %add3A_33, %add3A : i32
      "tpu.region"() ({
        %run_scoped3A = tpu.sem_alloc : memref<!tpu.dma_semaphore, #tpu.memory_space<semaphore_mem>>
        %dma_start3A_39 = arith.constant 0 : i32
        %dma_start3A_40 = tpu.memref_slice %arg3[%add3A_34, %dma_start3A_39] : memref<2500x128xi32, #tpu.memory_space<hbm>> -> memref<1x128xi32, #tpu.memory_space<hbm>>
        %dma_start3A_41 = tpu.memref_squeeze %dma_start3A_40 : memref<1x128xi32, #tpu.memory_space<hbm>> -> memref<128xi32, #tpu.memory_space<hbm>>
        %dma_start3A_42 = arith.constant 0 : i32
        %dma_start3A_43 = tpu.memref_slice %arg3[%add3A_34, %dma_start3A_42] : memref<2500x128xi32, #tpu.memory_space<hbm>> -> memref<1x128xi32, #tpu.memory_space<hbm>>
        %dma_start3A_44 = tpu.memref_squeeze %dma_start3A_43 : memref<1x128xi32, #tpu.memory_space<hbm>> -> memref<128xi32, #tpu.memory_space<hbm>>
        tpu.enqueue_dma source(%dma_start3A_44 : memref<128xi32, #tpu.memory_space<hbm>>) target(%arg11 : memref<128xi32, #tpu.memory_space<vmem>>) target_semaphore(%run_scoped3A : memref<!tpu.dma_semaphore, #tpu.memory_space<semaphore_mem>>)
        %dma_wait3A_45 = arith.constant 0 : i32
        %dma_wait3A_46 = tpu.memref_slice %arg3[%add3A_34, %dma_wait3A_45] : memref<2500x128xi32, #tpu.memory_space<hbm>> -> memref<1x128xi32, #tpu.memory_space<hbm>>
        %dma_wait3A_47 = tpu.memref_squeeze %dma_wait3A_46 : memref<1x128xi32, #tpu.memory_space<hbm>> -> memref<128xi32, #tpu.memory_space<hbm>>
        %dma_wait3A_48 = arith.constant 0 : i32
        %dma_wait3A_49 = tpu.memref_slice %arg3[%add3A_34, %dma_wait3A_48] : memref<2500x128xi32, #tpu.memory_space<hbm>> -> memref<1x128xi32, #tpu.memory_space<hbm>>
        %dma_wait3A_50 = tpu.memref_squeeze %dma_wait3A_49 : memref<1x128xi32, #tpu.memory_space<hbm>> -> memref<128xi32, #tpu.memory_space<hbm>>
        tpu.wait_dma2 semaphore(%run_scoped3A : memref<!tpu.dma_semaphore, #tpu.memory_space<semaphore_mem>>) src(%dma_wait3A_50 : memref<128xi32, #tpu.memory_space<hbm>>) dst(%arg11 : memref<128xi32, #tpu.memory_space<vmem>>)
        tpu.yield
      }) : () -> ()
      "tpu.region"() ({
        %run_scoped3A = tpu.sem_alloc : memref<!tpu.dma_semaphore, #tpu.memory_space<semaphore_mem>>
        %dma_start3A_39 = arith.constant 0 : i32
        %dma_start3A_40 = tpu.memref_slice %arg4[%add3A_34, %dma_start3A_39] : memref<2500x128xi32, #tpu.memory_space<hbm>> -> memref<1x128xi32, #tpu.memory_space<hbm>>
        %dma_start3A_41 = tpu.memref_squeeze %dma_start3A_40 : memref<1x128xi32, #tpu.memory_space<hbm>> -> memref<128xi32, #tpu.memory_space<hbm>>
        %dma_start3A_42 = arith.constant 0 : i32
        %dma_start3A_43 = tpu.memref_slice %arg4[%add3A_34, %dma_start3A_42] : memref<2500x128xi32, #tpu.memory_space<hbm>> -> memref<1x128xi32, #tpu.memory_space<hbm>>
        %dma_start3A_44 = tpu.memref_squeeze %dma_start3A_43 : memref<1x128xi32, #tpu.memory_space<hbm>> -> memref<128xi32, #tpu.memory_space<hbm>>
        tpu.enqueue_dma source(%dma_start3A_44 : memref<128xi32, #tpu.memory_space<hbm>>) target(%arg12 : memref<128xi32, #tpu.memory_space<vmem>>) target_semaphore(%run_scoped3A : memref<!tpu.dma_semaphore, #tpu.memory_space<semaphore_mem>>)
        %dma_wait3A_45 = arith.constant 0 : i32
        %dma_wait3A_46 = tpu.memref_slice %arg4[%add3A_34, %dma_wait3A_45] : memref<2500x128xi32, #tpu.memory_space<hbm>> -> memref<1x128xi32, #tpu.memory_space<hbm>>
        %dma_wait3A_47 = tpu.memref_squeeze %dma_wait3A_46 : memref<1x128xi32, #tpu.memory_space<hbm>> -> memref<128xi32, #tpu.memory_space<hbm>>
        %dma_wait3A_48 = arith.constant 0 : i32
        %dma_wait3A_49 = tpu.memref_slice %arg4[%add3A_34, %dma_wait3A_48] : memref<2500x128xi32, #tpu.memory_space<hbm>> -> memref<1x128xi32, #tpu.memory_space<hbm>>
        %dma_wait3A_50 = tpu.memref_squeeze %dma_wait3A_49 : memref<1x128xi32, #tpu.memory_space<hbm>> -> memref<128xi32, #tpu.memory_space<hbm>>
        tpu.wait_dma2 semaphore(%run_scoped3A : memref<!tpu.dma_semaphore, #tpu.memory_space<semaphore_mem>>) src(%dma_wait3A_50 : memref<128xi32, #tpu.memory_space<hbm>>) dst(%arg12 : memref<128xi32, #tpu.memory_space<vmem>>)
        tpu.yield
      }) : () -> ()
      %dma_start3A = arith.constant 0 : i32
      %dma_start3A_35 = arith.constant 0 : i32
      %dma_start3A_36 = tpu.memref_slice %arg2[%dma_start3A, %dma_start3A_35] : memref<10000x128xf32, #tpu.memory_space<hbm>> -> memref<10000x128xf32, #tpu.memory_space<hbm>>
      tpu.enqueue_indirect_dma source(%dma_start3A_36 : memref<10000x128xf32, #tpu.memory_space<hbm>>) target(%arg13 : memref<128x128xf32, #tpu.memory_space<vmem>>) offsets(%arg11 : memref<128xi32, #tpu.memory_space<vmem>>) semaphore(%arg16 : memref<!tpu.dma_semaphore, #tpu.memory_space<semaphore_mem>>)
      %dma_wait3A = arith.constant 0 : i32
      %dma_wait3A_37 = arith.constant 0 : i32
      %dma_wait3A_38 = tpu.memref_slice %arg2[%dma_wait3A, %dma_wait3A_37] : memref<10000x128xf32, #tpu.memory_space<hbm>> -> memref<10000x128xf32, #tpu.memory_space<hbm>>
      tpu.wait_indirect_dma semaphore(%arg16 : memref<!tpu.dma_semaphore, #tpu.memory_space<semaphore_mem>>) src(%dma_wait3A_38 : memref<10000x128xf32, #tpu.memory_space<hbm>>) dst(%arg13 : memref<128x128xf32, #tpu.memory_space<vmem>>)
      "tpu.region"() ({
        %run_scoped3A = tpu.sem_alloc : memref<!tpu.dma_semaphore, #tpu.memory_space<semaphore_mem>>
        %dma_start3A_39 = arith.constant 0 : i32
        %dma_start3A_40 = arith.constant 0 : i32
        %dma_start3A_41 = tpu.memref_slice %arg15[%dma_start3A_39, %dma_start3A_40] : memref<5120x128xf32, #tpu.memory_space<vmem_shared>> -> memref<5120x128xf32, #tpu.memory_space<vmem_shared>>
        tpu.enqueue_indirect_dma source(%arg13 : memref<128x128xf32, #tpu.memory_space<vmem>>) target(%dma_start3A_41 : memref<5120x128xf32, #tpu.memory_space<vmem_shared>>) offsets(%arg12 : memref<128xi32, #tpu.memory_space<vmem>>) semaphore(%run_scoped3A : memref<!tpu.dma_semaphore, #tpu.memory_space<semaphore_mem>>) {add = true}
        %dma_wait3A_42 = arith.constant 0 : i32
        %dma_wait3A_43 = arith.constant 0 : i32
        %dma_wait3A_44 = tpu.memref_slice %arg15[%dma_wait3A_42, %dma_wait3A_43] : memref<5120x128xf32, #tpu.memory_space<vmem_shared>> -> memref<5120x128xf32, #tpu.memory_space<vmem_shared>>
        tpu.wait_indirect_dma semaphore(%run_scoped3A : memref<!tpu.dma_semaphore, #tpu.memory_space<semaphore_mem>>) src(%arg13 : memref<128x128xf32, #tpu.memory_space<vmem>>) dst(%dma_wait3A_44 : memref<5120x128xf32, #tpu.memory_space<vmem_shared>>)
        tpu.yield
      }) : () -> ()
      "tpu.region"() ({
        %run_scoped3A = tpu.sem_alloc : memref<!tpu.dma_semaphore, #tpu.memory_space<semaphore_mem>>
        %dma_start3A_39 = arith.constant 0 : i32
        %dma_start3A_40 = tpu.memref_slice %arg19[%dma_start3A_39] : memref<5120xf32, #tpu.memory_space<vmem_shared>> -> memref<5120xf32, #tpu.memory_space<vmem_shared>>
        tpu.enqueue_indirect_dma source(%arg17 : memref<128xf32, #tpu.memory_space<vmem>>) target(%dma_start3A_40 : memref<5120xf32, #tpu.memory_space<vmem_shared>>) offsets(%arg12 : memref<128xi32, #tpu.memory_space<vmem>>) semaphore(%run_scoped3A : memref<!tpu.dma_semaphore, #tpu.memory_space<semaphore_mem>>) {add = true}
        %dma_wait3A_41 = arith.constant 0 : i32
        %dma_wait3A_42 = tpu.memref_slice %arg19[%dma_wait3A_41] : memref<5120xf32, #tpu.memory_space<vmem_shared>> -> memref<5120xf32, #tpu.memory_space<vmem_shared>>
        tpu.wait_indirect_dma semaphore(%run_scoped3A : memref<!tpu.dma_semaphore, #tpu.memory_space<semaphore_mem>>) src(%arg17 : memref<128xf32, #tpu.memory_space<vmem>>) dst(%dma_wait3A_42 : memref<5120xf32, #tpu.memory_space<vmem_shared>>)
        tpu.yield
      }) : () -> ()
      "tpu.region"() ({
        %run_scoped3A = tpu.sem_alloc : memref<!tpu.dma_semaphore, #tpu.memory_space<semaphore_mem>>
        %dma_start3A_39 = arith.constant 0 : i32
        %dma_start3A_40 = tpu.memref_slice %arg20[%dma_start3A_39] : memref<10240xf32, #tpu.memory_space<vmem_shared>> -> memref<10240xf32, #tpu.memory_space<vmem_shared>>
        tpu.enqueue_indirect_dma source(%arg17 : memref<128xf32, #tpu.memory_space<vmem>>) target(%dma_start3A_40 : memref<10240xf32, #tpu.memory_space<vmem_shared>>) offsets(%arg11 : memref<128xi32, #tpu.memory_space<vmem>>) semaphore(%run_scoped3A : memref<!tpu.dma_semaphore, #tpu.memory_space<semaphore_mem>>) {add = true}
        %dma_wait3A_41 = arith.constant 0 : i32
        %dma_wait3A_42 = tpu.memref_slice %arg20[%dma_wait3A_41] : memref<10240xf32, #tpu.memory_space<vmem_shared>> -> memref<10240xf32, #tpu.memory_space<vmem_shared>>
        tpu.wait_indirect_dma semaphore(%run_scoped3A : memref<!tpu.dma_semaphore, #tpu.memory_space<semaphore_mem>>) src(%arg17 : memref<128xf32, #tpu.memory_space<vmem>>) dst(%dma_wait3A_42 : memref<10240xf32, #tpu.memory_space<vmem_shared>>)
        tpu.yield
      }) : () -> ()
    } else {
    }
    %barrier3A_18 = arith.constant 0 : index
    tpu.barrier barrier_id(%barrier3A_18)
    %add3A_19 = arith.constant 0 : i32
    %add3A_20 = arith.addi %mul3A_2, %add3A_19 : i32
    "tpu.region"() ({
      %run_scoped3A = tpu.sem_alloc : memref<!tpu.dma_semaphore, #tpu.memory_space<semaphore_mem>>
      %dma_start3A = arith.constant 0 : i32
      %dma_start3A_33 = tpu.memref_slice %arg15[%add3A_20, %dma_start3A] : memref<5120x128xf32, #tpu.memory_space<vmem_shared>> -> memref<160x128xf32, #tpu.memory_space<vmem_shared>>
      %dma_start3A_34 = arith.constant 0 : i32
      %dma_start3A_35 = tpu.memref_slice %arg15[%add3A_20, %dma_start3A_34] : memref<5120x128xf32, #tpu.memory_space<vmem_shared>> -> memref<160x128xf32, #tpu.memory_space<vmem_shared>>
      tpu.enqueue_dma source(%dma_start3A_35 : memref<160x128xf32, #tpu.memory_space<vmem_shared>>) target(%arg14 : memref<160x128xf32, #tpu.memory_space<vmem>>) target_semaphore(%run_scoped3A : memref<!tpu.dma_semaphore, #tpu.memory_space<semaphore_mem>>)
      %dma_wait3A = arith.constant 0 : i32
      %dma_wait3A_36 = tpu.memref_slice %arg15[%add3A_20, %dma_wait3A] : memref<5120x128xf32, #tpu.memory_space<vmem_shared>> -> memref<160x128xf32, #tpu.memory_space<vmem_shared>>
      %dma_wait3A_37 = arith.constant 0 : i32
      %dma_wait3A_38 = tpu.memref_slice %arg15[%add3A_20, %dma_wait3A_37] : memref<5120x128xf32, #tpu.memory_space<vmem_shared>> -> memref<160x128xf32, #tpu.memory_space<vmem_shared>>
      tpu.wait_dma2 semaphore(%run_scoped3A : memref<!tpu.dma_semaphore, #tpu.memory_space<semaphore_mem>>) src(%dma_wait3A_38 : memref<160x128xf32, #tpu.memory_space<vmem_shared>>) dst(%arg14 : memref<160x128xf32, #tpu.memory_space<vmem>>)
      tpu.yield
    }) : () -> ()
    "tpu.region"() ({
      %run_scoped3A = tpu.sem_alloc : memref<!tpu.dma_semaphore, #tpu.memory_space<semaphore_mem>>
      %dma_start3A = arith.constant 0 : i32
      %dma_start3A_33 = tpu.memref_slice %arg8[%arg0, %add3A_20, %dma_start3A] : memref<2x5120x128xf32, #tpu.memory_space<hbm>> -> memref<1x160x128xf32, #tpu.memory_space<hbm>>
      %dma_start3A_34 = tpu.memref_squeeze %dma_start3A_33 : memref<1x160x128xf32, #tpu.memory_space<hbm>> -> memref<160x128xf32, #tpu.memory_space<hbm>>
      %dma_start3A_35 = arith.constant 0 : i32
      %dma_start3A_36 = tpu.memref_slice %arg8[%arg0, %add3A_20, %dma_start3A_35] : memref<2x5120x128xf32, #tpu.memory_space<hbm>> -> memref<1x160x128xf32, #tpu.memory_space<hbm>>
      %dma_start3A_37 = tpu.memref_squeeze %dma_start3A_36 : memref<1x160x128xf32, #tpu.memory_space<hbm>> -> memref<160x128xf32, #tpu.memory_space<hbm>>
      tpu.enqueue_dma source(%arg14 : memref<160x128xf32, #tpu.memory_space<vmem>>) target(%dma_start3A_37 : memref<160x128xf32, #tpu.memory_space<hbm>>) target_semaphore(%run_scoped3A : memref<!tpu.dma_semaphore, #tpu.memory_space<semaphore_mem>>)
      %dma_wait3A = arith.constant 0 : i32
      %dma_wait3A_38 = tpu.memref_slice %arg8[%arg0, %add3A_20, %dma_wait3A] : memref<2x5120x128xf32, #tpu.memory_space<hbm>> -> memref<1x160x128xf32, #tpu.memory_space<hbm>>
      %dma_wait3A_39 = tpu.memref_squeeze %dma_wait3A_38 : memref<1x160x128xf32, #tpu.memory_space<hbm>> -> memref<160x128xf32, #tpu.memory_space<hbm>>
      %dma_wait3A_40 = arith.constant 0 : i32
      %dma_wait3A_41 = tpu.memref_slice %arg8[%arg0, %add3A_20, %dma_wait3A_40] : memref<2x5120x128xf32, #tpu.memory_space<hbm>> -> memref<1x160x128xf32, #tpu.memory_space<hbm>>
      %dma_wait3A_42 = tpu.memref_squeeze %dma_wait3A_41 : memref<1x160x128xf32, #tpu.memory_space<hbm>> -> memref<160x128xf32, #tpu.memory_space<hbm>>
      tpu.wait_dma2 semaphore(%run_scoped3A : memref<!tpu.dma_semaphore, #tpu.memory_space<semaphore_mem>>) src(%arg14 : memref<160x128xf32, #tpu.memory_space<vmem>>) dst(%dma_wait3A_42 : memref<160x128xf32, #tpu.memory_space<hbm>>)
      tpu.yield
    }) : () -> ()
    %add3A_21 = arith.constant 160 : i32
    %add3A_22 = arith.addi %mul3A_2, %add3A_21 : i32
    "tpu.region"() ({
      %run_scoped3A = tpu.sem_alloc : memref<!tpu.dma_semaphore, #tpu.memory_space<semaphore_mem>>
      %dma_start3A = arith.constant 0 : i32
      %dma_start3A_33 = tpu.memref_slice %arg15[%add3A_22, %dma_start3A] : memref<5120x128xf32, #tpu.memory_space<vmem_shared>> -> memref<160x128xf32, #tpu.memory_space<vmem_shared>>
      %dma_start3A_34 = arith.constant 0 : i32
      %dma_start3A_35 = tpu.memref_slice %arg15[%add3A_22, %dma_start3A_34] : memref<5120x128xf32, #tpu.memory_space<vmem_shared>> -> memref<160x128xf32, #tpu.memory_space<vmem_shared>>
      tpu.enqueue_dma source(%dma_start3A_35 : memref<160x128xf32, #tpu.memory_space<vmem_shared>>) target(%arg14 : memref<160x128xf32, #tpu.memory_space<vmem>>) target_semaphore(%run_scoped3A : memref<!tpu.dma_semaphore, #tpu.memory_space<semaphore_mem>>)
      %dma_wait3A = arith.constant 0 : i32
      %dma_wait3A_36 = tpu.memref_slice %arg15[%add3A_22, %dma_wait3A] : memref<5120x128xf32, #tpu.memory_space<vmem_shared>> -> memref<160x128xf32, #tpu.memory_space<vmem_shared>>
      %dma_wait3A_37 = arith.constant 0 : i32
      %dma_wait3A_38 = tpu.memref_slice %arg15[%add3A_22, %dma_wait3A_37] : memref<5120x128xf32, #tpu.memory_space<vmem_shared>> -> memref<160x128xf32, #tpu.memory_space<vmem_shared>>
      tpu.wait_dma2 semaphore(%run_scoped3A : memref<!tpu.dma_semaphore, #tpu.memory_space<semaphore_mem>>) src(%dma_wait3A_38 : memref<160x128xf32, #tpu.memory_space<vmem_shared>>) dst(%arg14 : memref<160x128xf32, #tpu.memory_space<vmem>>)
      tpu.yield
    }) : () -> ()
    "tpu.region"() ({
      %run_scoped3A = tpu.sem_alloc : memref<!tpu.dma_semaphore, #tpu.memory_space<semaphore_mem>>
      %dma_start3A = arith.constant 0 : i32
      %dma_start3A_33 = tpu.memref_slice %arg8[%arg0, %add3A_22, %dma_start3A] : memref<2x5120x128xf32, #tpu.memory_space<hbm>> -> memref<1x160x128xf32, #tpu.memory_space<hbm>>
      %dma_start3A_34 = tpu.memref_squeeze %dma_start3A_33 : memref<1x160x128xf32, #tpu.memory_space<hbm>> -> memref<160x128xf32, #tpu.memory_space<hbm>>
      %dma_start3A_35 = arith.constant 0 : i32
      %dma_start3A_36 = tpu.memref_slice %arg8[%arg0, %add3A_22, %dma_start3A_35] : memref<2x5120x128xf32, #tpu.memory_space<hbm>> -> memref<1x160x128xf32, #tpu.memory_space<hbm>>
      %dma_start3A_37 = tpu.memref_squeeze %dma_start3A_36 : memref<1x160x128xf32, #tpu.memory_space<hbm>> -> memref<160x128xf32, #tpu.memory_space<hbm>>
      tpu.enqueue_dma source(%arg14 : memref<160x128xf32, #tpu.memory_space<vmem>>) target(%dma_start3A_37 : memref<160x128xf32, #tpu.memory_space<hbm>>) target_semaphore(%run_scoped3A : memref<!tpu.dma_semaphore, #tpu.memory_space<semaphore_mem>>)
      %dma_wait3A = arith.constant 0 : i32
      %dma_wait3A_38 = tpu.memref_slice %arg8[%arg0, %add3A_22, %dma_wait3A] : memref<2x5120x128xf32, #tpu.memory_space<hbm>> -> memref<1x160x128xf32, #tpu.memory_space<hbm>>
      %dma_wait3A_39 = tpu.memref_squeeze %dma_wait3A_38 : memref<1x160x128xf32, #tpu.memory_space<hbm>> -> memref<160x128xf32, #tpu.memory_space<hbm>>
      %dma_wait3A_40 = arith.constant 0 : i32
      %dma_wait3A_41 = tpu.memref_slice %arg8[%arg0, %add3A_22, %dma_wait3A_40] : memref<2x5120x128xf32, #tpu.memory_space<hbm>> -> memref<1x160x128xf32, #tpu.memory_space<hbm>>
      %dma_wait3A_42 = tpu.memref_squeeze %dma_wait3A_41 : memref<1x160x128xf32, #tpu.memory_space<hbm>> -> memref<160x128xf32, #tpu.memory_space<hbm>>
      tpu.wait_dma2 semaphore(%run_scoped3A : memref<!tpu.dma_semaphore, #tpu.memory_space<semaphore_mem>>) src(%arg14 : memref<160x128xf32, #tpu.memory_space<vmem>>) dst(%dma_wait3A_42 : memref<160x128xf32, #tpu.memory_space<hbm>>)
      tpu.yield
    }) : () -> ()
    %mul3A_23 = arith.constant 320 : i32
    %mul3A_24 = arith.muli %arg1, %mul3A_23 : i32
    "tpu.region"() ({
      %run_scoped3A = tpu.sem_alloc : memref<!tpu.dma_semaphore, #tpu.memory_space<semaphore_mem>>
      %dma_start3A = arith.constant 0 : i32
      %dma_start3A_33 = tpu.memref_slice %arg18[%dma_start3A] : memref<640xf32, #tpu.memory_space<vmem>> -> memref<320xf32, #tpu.memory_space<vmem>>
      %dma_start3A_34 = tpu.memref_slice %arg19[%mul3A_24] : memref<5120xf32, #tpu.memory_space<vmem_shared>> -> memref<320xf32, #tpu.memory_space<vmem_shared>>
      %dma_start3A_35 = arith.constant 0 : i32
      %dma_start3A_36 = tpu.memref_slice %arg18[%dma_start3A_35] : memref<640xf32, #tpu.memory_space<vmem>> -> memref<320xf32, #tpu.memory_space<vmem>>
      %dma_start3A_37 = tpu.memref_slice %arg19[%mul3A_24] : memref<5120xf32, #tpu.memory_space<vmem_shared>> -> memref<320xf32, #tpu.memory_space<vmem_shared>>
      tpu.enqueue_dma source(%dma_start3A_37 : memref<320xf32, #tpu.memory_space<vmem_shared>>) target(%dma_start3A_36 : memref<320xf32, #tpu.memory_space<vmem>>) target_semaphore(%run_scoped3A : memref<!tpu.dma_semaphore, #tpu.memory_space<semaphore_mem>>)
      %dma_wait3A = arith.constant 0 : i32
      %dma_wait3A_38 = tpu.memref_slice %arg18[%dma_wait3A] : memref<640xf32, #tpu.memory_space<vmem>> -> memref<320xf32, #tpu.memory_space<vmem>>
      %dma_wait3A_39 = tpu.memref_slice %arg19[%mul3A_24] : memref<5120xf32, #tpu.memory_space<vmem_shared>> -> memref<320xf32, #tpu.memory_space<vmem_shared>>
      %dma_wait3A_40 = arith.constant 0 : i32
      %dma_wait3A_41 = tpu.memref_slice %arg18[%dma_wait3A_40] : memref<640xf32, #tpu.memory_space<vmem>> -> memref<320xf32, #tpu.memory_space<vmem>>
      %dma_wait3A_42 = tpu.memref_slice %arg19[%mul3A_24] : memref<5120xf32, #tpu.memory_space<vmem_shared>> -> memref<320xf32, #tpu.memory_space<vmem_shared>>
      tpu.wait_dma2 semaphore(%run_scoped3A : memref<!tpu.dma_semaphore, #tpu.memory_space<semaphore_mem>>) src(%dma_wait3A_42 : memref<320xf32, #tpu.memory_space<vmem_shared>>) dst(%dma_wait3A_41 : memref<320xf32, #tpu.memory_space<vmem>>)
      tpu.yield
    }) : () -> ()
    %mul3A_25 = arith.constant 5120 : i32
    %mul3A_26 = arith.muli %arg0, %mul3A_25 : i32
    %add3A_27 = arith.addi %mul3A_26, %mul3A_24 : i32
    "tpu.region"() ({
      %run_scoped3A = tpu.sem_alloc : memref<!tpu.dma_semaphore, #tpu.memory_space<semaphore_mem>>
      %dma_start3A = arith.constant 0 : i32
      %dma_start3A_33 = tpu.memref_slice %arg18[%dma_start3A] : memref<640xf32, #tpu.memory_space<vmem>> -> memref<320xf32, #tpu.memory_space<vmem>>
      %dma_start3A_34 = tpu.memref_slice %arg9[%add3A_27] : memref<10240xf32, #tpu.memory_space<hbm>> -> memref<320xf32, #tpu.memory_space<hbm>>
      %dma_start3A_35 = tpu.memref_slice %arg9[%add3A_27] : memref<10240xf32, #tpu.memory_space<hbm>> -> memref<320xf32, #tpu.memory_space<hbm>>
      %dma_start3A_36 = arith.constant 0 : i32
      %dma_start3A_37 = tpu.memref_slice %arg18[%dma_start3A_36] : memref<640xf32, #tpu.memory_space<vmem>> -> memref<320xf32, #tpu.memory_space<vmem>>
      tpu.enqueue_dma source(%dma_start3A_37 : memref<320xf32, #tpu.memory_space<vmem>>) target(%dma_start3A_35 : memref<320xf32, #tpu.memory_space<hbm>>) target_semaphore(%run_scoped3A : memref<!tpu.dma_semaphore, #tpu.memory_space<semaphore_mem>>)
      %dma_wait3A = arith.constant 0 : i32
      %dma_wait3A_38 = tpu.memref_slice %arg18[%dma_wait3A] : memref<640xf32, #tpu.memory_space<vmem>> -> memref<320xf32, #tpu.memory_space<vmem>>
      %dma_wait3A_39 = tpu.memref_slice %arg9[%add3A_27] : memref<10240xf32, #tpu.memory_space<hbm>> -> memref<320xf32, #tpu.memory_space<hbm>>
      %dma_wait3A_40 = tpu.memref_slice %arg9[%add3A_27] : memref<10240xf32, #tpu.memory_space<hbm>> -> memref<320xf32, #tpu.memory_space<hbm>>
      %dma_wait3A_41 = arith.constant 0 : i32
      %dma_wait3A_42 = tpu.memref_slice %arg18[%dma_wait3A_41] : memref<640xf32, #tpu.memory_space<vmem>> -> memref<320xf32, #tpu.memory_space<vmem>>
      tpu.wait_dma2 semaphore(%run_scoped3A : memref<!tpu.dma_semaphore, #tpu.memory_space<semaphore_mem>>) src(%dma_wait3A_42 : memref<320xf32, #tpu.memory_space<vmem>>) dst(%dma_wait3A_40 : memref<320xf32, #tpu.memory_space<hbm>>)
      tpu.yield
    }) : () -> ()
    %mul3A_28 = arith.constant 640 : i32
    %mul3A_29 = arith.muli %arg1, %mul3A_28 : i32
    "tpu.region"() ({
      %run_scoped3A = tpu.sem_alloc : memref<!tpu.dma_semaphore, #tpu.memory_space<semaphore_mem>>
      %dma_start3A = tpu.memref_slice %arg20[%mul3A_29] : memref<10240xf32, #tpu.memory_space<vmem_shared>> -> memref<640xf32, #tpu.memory_space<vmem_shared>>
      %dma_start3A_33 = tpu.memref_slice %arg20[%mul3A_29] : memref<10240xf32, #tpu.memory_space<vmem_shared>> -> memref<640xf32, #tpu.memory_space<vmem_shared>>
      tpu.enqueue_dma source(%dma_start3A_33 : memref<640xf32, #tpu.memory_space<vmem_shared>>) target(%arg18 : memref<640xf32, #tpu.memory_space<vmem>>) target_semaphore(%run_scoped3A : memref<!tpu.dma_semaphore, #tpu.memory_space<semaphore_mem>>)
      %dma_wait3A = tpu.memref_slice %arg20[%mul3A_29] : memref<10240xf32, #tpu.memory_space<vmem_shared>> -> memref<640xf32, #tpu.memory_space<vmem_shared>>
      %dma_wait3A_34 = tpu.memref_slice %arg20[%mul3A_29] : memref<10240xf32, #tpu.memory_space<vmem_shared>> -> memref<640xf32, #tpu.memory_space<vmem_shared>>
      tpu.wait_dma2 semaphore(%run_scoped3A : memref<!tpu.dma_semaphore, #tpu.memory_space<semaphore_mem>>) src(%dma_wait3A_34 : memref<640xf32, #tpu.memory_space<vmem_shared>>) dst(%arg18 : memref<640xf32, #tpu.memory_space<vmem>>)
      tpu.yield
    }) : () -> ()
    %mul3A_30 = arith.constant 10240 : i32
    %mul3A_31 = arith.muli %arg0, %mul3A_30 : i32
    %add3A_32 = arith.addi %mul3A_31, %mul3A_29 : i32
    "tpu.region"() ({
      %run_scoped3A = tpu.sem_alloc : memref<!tpu.dma_semaphore, #tpu.memory_space<semaphore_mem>>
      %dma_start3A = tpu.memref_slice %arg10[%add3A_32] : memref<20480xf32, #tpu.memory_space<hbm>> -> memref<640xf32, #tpu.memory_space<hbm>>
      %dma_start3A_33 = tpu.memref_slice %arg10[%add3A_32] : memref<20480xf32, #tpu.memory_space<hbm>> -> memref<640xf32, #tpu.memory_space<hbm>>
      tpu.enqueue_dma source(%arg18 : memref<640xf32, #tpu.memory_space<vmem>>) target(%dma_start3A_33 : memref<640xf32, #tpu.memory_space<hbm>>) target_semaphore(%run_scoped3A : memref<!tpu.dma_semaphore, #tpu.memory_space<semaphore_mem>>)
      %dma_wait3A = tpu.memref_slice %arg10[%add3A_32] : memref<20480xf32, #tpu.memory_space<hbm>> -> memref<640xf32, #tpu.memory_space<hbm>>
      %dma_wait3A_34 = tpu.memref_slice %arg10[%add3A_32] : memref<20480xf32, #tpu.memory_space<hbm>> -> memref<640xf32, #tpu.memory_space<hbm>>
      tpu.wait_dma2 semaphore(%run_scoped3A : memref<!tpu.dma_semaphore, #tpu.memory_space<semaphore_mem>>) src(%arg18 : memref<640xf32, #tpu.memory_space<vmem>>) dst(%dma_wait3A_34 : memref<640xf32, #tpu.memory_space<hbm>>)
      tpu.yield
    }) : () -> ()
    return
  }
}

#map = affine_map<(d0, d1) -> (0, 0)>
#map1 = affine_map<(d0, d1) -> (0)>
#map2 = affine_map<(d0, d1) -> (0, 0, 0)>
module attributes {stable_mosaic.version = 14 : i64} {
  func.func @body(%arg0: i32, %arg1: i32, %arg2: memref<10240x128xf32, #tpu.memory_space<hbm>>, %arg3: memref<2500x128xi32, #tpu.memory_space<hbm>>, %arg4: memref<2500x128xi32, #tpu.memory_space<hbm>>, %arg5: memref<160x128xf32, #tpu.memory_space<hbm>>, %arg6: memref<640xf32, #tpu.memory_space<hbm>>, %arg7: memref<128xf32, #tpu.memory_space<hbm>>, %arg8: memref<2x5120x128xf32, #tpu.memory_space<hbm>>, %arg9: memref<128xi32, #tpu.memory_space<vmem>>, %arg10: memref<128xi32, #tpu.memory_space<vmem>>, %arg11: memref<128x128xf32, #tpu.memory_space<vmem>>, %arg12: memref<160x128xf32, #tpu.memory_space<vmem>>, %arg13: memref<5120x128xf32, #tpu.memory_space<vmem_shared>>, %arg14: memref<!tpu.dma_semaphore, #tpu.memory_space<semaphore_mem>>) attributes {dimension_semantics = [#tpu.dimension_semantics<core_parallel>, #tpu.dimension_semantics<subcore_parallel>], iteration_bounds = array<i64: 2, 16>, scalar_prefetch = 0 : i64, scratch_operands = 6 : i64, tpu.core_type = #tpu.core_type<sc_vector_subcore>, window_params = [{transform_indices = #map}, {transform_indices = #map}, {transform_indices = #map}, {transform_indices = #map}, {transform_indices = #map1}, {transform_indices = #map1}, {transform_indices = #map2}]} {
    %mul3A = arith.constant 2 : i32
    %mul3A_0 = arith.muli %arg1, %mul3A : i32
    %add3A = arith.addi %mul3A_0, %arg0 : i32
    "tpu.region"() ({
      %run_scoped3A = tpu.sem_alloc : memref<!tpu.dma_semaphore, #tpu.memory_space<semaphore_mem>>
      tpu.enqueue_dma source(%arg5 : memref<160x128xf32, #tpu.memory_space<hbm>>) target(%arg12 : memref<160x128xf32, #tpu.memory_space<vmem>>) target_semaphore(%run_scoped3A : memref<!tpu.dma_semaphore, #tpu.memory_space<semaphore_mem>>)
      tpu.wait_dma2 semaphore(%run_scoped3A : memref<!tpu.dma_semaphore, #tpu.memory_space<semaphore_mem>>) src(%arg5 : memref<160x128xf32, #tpu.memory_space<hbm>>) dst(%arg12 : memref<160x128xf32, #tpu.memory_space<vmem>>)
      tpu.yield
    }) : () -> ()
    %mul3A_1 = arith.constant 320 : i32
    %mul3A_2 = arith.muli %arg1, %mul3A_1 : i32
    %add3A_3 = arith.constant 0 : i32
    %add3A_4 = arith.addi %mul3A_2, %add3A_3 : i32
    "tpu.region"() ({
      %run_scoped3A = tpu.sem_alloc : memref<!tpu.dma_semaphore, #tpu.memory_space<semaphore_mem>>
      %dma_start3A = arith.constant 0 : i32
      %dma_start3A_19 = tpu.memref_slice %arg13[%add3A_4, %dma_start3A] : memref<5120x128xf32, #tpu.memory_space<vmem_shared>> -> memref<160x128xf32, #tpu.memory_space<vmem_shared>>
      %dma_start3A_20 = arith.constant 0 : i32
      %dma_start3A_21 = tpu.memref_slice %arg13[%add3A_4, %dma_start3A_20] : memref<5120x128xf32, #tpu.memory_space<vmem_shared>> -> memref<160x128xf32, #tpu.memory_space<vmem_shared>>
      tpu.enqueue_dma source(%arg12 : memref<160x128xf32, #tpu.memory_space<vmem>>) target(%dma_start3A_21 : memref<160x128xf32, #tpu.memory_space<vmem_shared>>) target_semaphore(%run_scoped3A : memref<!tpu.dma_semaphore, #tpu.memory_space<semaphore_mem>>)
      %dma_wait3A = arith.constant 0 : i32
      %dma_wait3A_22 = tpu.memref_slice %arg13[%add3A_4, %dma_wait3A] : memref<5120x128xf32, #tpu.memory_space<vmem_shared>> -> memref<160x128xf32, #tpu.memory_space<vmem_shared>>
      %dma_wait3A_23 = arith.constant 0 : i32
      %dma_wait3A_24 = tpu.memref_slice %arg13[%add3A_4, %dma_wait3A_23] : memref<5120x128xf32, #tpu.memory_space<vmem_shared>> -> memref<160x128xf32, #tpu.memory_space<vmem_shared>>
      tpu.wait_dma2 semaphore(%run_scoped3A : memref<!tpu.dma_semaphore, #tpu.memory_space<semaphore_mem>>) src(%arg12 : memref<160x128xf32, #tpu.memory_space<vmem>>) dst(%dma_wait3A_24 : memref<160x128xf32, #tpu.memory_space<vmem_shared>>)
      tpu.yield
    }) : () -> ()
    %add3A_5 = arith.constant 160 : i32
    %add3A_6 = arith.addi %mul3A_2, %add3A_5 : i32
    "tpu.region"() ({
      %run_scoped3A = tpu.sem_alloc : memref<!tpu.dma_semaphore, #tpu.memory_space<semaphore_mem>>
      %dma_start3A = arith.constant 0 : i32
      %dma_start3A_19 = tpu.memref_slice %arg13[%add3A_6, %dma_start3A] : memref<5120x128xf32, #tpu.memory_space<vmem_shared>> -> memref<160x128xf32, #tpu.memory_space<vmem_shared>>
      %dma_start3A_20 = arith.constant 0 : i32
      %dma_start3A_21 = tpu.memref_slice %arg13[%add3A_6, %dma_start3A_20] : memref<5120x128xf32, #tpu.memory_space<vmem_shared>> -> memref<160x128xf32, #tpu.memory_space<vmem_shared>>
      tpu.enqueue_dma source(%arg12 : memref<160x128xf32, #tpu.memory_space<vmem>>) target(%dma_start3A_21 : memref<160x128xf32, #tpu.memory_space<vmem_shared>>) target_semaphore(%run_scoped3A : memref<!tpu.dma_semaphore, #tpu.memory_space<semaphore_mem>>)
      %dma_wait3A = arith.constant 0 : i32
      %dma_wait3A_22 = tpu.memref_slice %arg13[%add3A_6, %dma_wait3A] : memref<5120x128xf32, #tpu.memory_space<vmem_shared>> -> memref<160x128xf32, #tpu.memory_space<vmem_shared>>
      %dma_wait3A_23 = arith.constant 0 : i32
      %dma_wait3A_24 = tpu.memref_slice %arg13[%add3A_6, %dma_wait3A_23] : memref<5120x128xf32, #tpu.memory_space<vmem_shared>> -> memref<160x128xf32, #tpu.memory_space<vmem_shared>>
      tpu.wait_dma2 semaphore(%run_scoped3A : memref<!tpu.dma_semaphore, #tpu.memory_space<semaphore_mem>>) src(%arg12 : memref<160x128xf32, #tpu.memory_space<vmem>>) dst(%dma_wait3A_24 : memref<160x128xf32, #tpu.memory_space<vmem_shared>>)
      tpu.yield
    }) : () -> ()
    %barrier3A = arith.constant 0 : index
    tpu.barrier barrier_id(%barrier3A)
    %scan3A = arith.constant 0 : i32
    %scan3A_7 = arith.constant 0 : i32
    %scan3A_8 = arith.constant 78 : i32
    %scan3A_9 = arith.addi %scan3A_7, %scan3A_8 : i32
    %scan3A_10 = arith.constant 1 : i32
    scf.for %scan3A_19 = %scan3A_7 to %scan3A_9 step %scan3A_10  : i32 {
      %mul3A_20 = arith.constant 78 : i32
      %mul3A_21 = arith.muli %add3A, %mul3A_20 : i32
      %add3A_22 = arith.addi %mul3A_21, %scan3A_19 : i32
      "tpu.region"() ({
        %run_scoped3A = tpu.sem_alloc : memref<!tpu.dma_semaphore, #tpu.memory_space<semaphore_mem>>
        %dma_start3A_27 = arith.constant 0 : i32
        %dma_start3A_28 = tpu.memref_slice %arg3[%add3A_22, %dma_start3A_27] : memref<2500x128xi32, #tpu.memory_space<hbm>> -> memref<1x128xi32, #tpu.memory_space<hbm>>
        %dma_start3A_29 = tpu.memref_squeeze %dma_start3A_28 : memref<1x128xi32, #tpu.memory_space<hbm>> -> memref<128xi32, #tpu.memory_space<hbm>>
        %dma_start3A_30 = arith.constant 0 : i32
        %dma_start3A_31 = tpu.memref_slice %arg3[%add3A_22, %dma_start3A_30] : memref<2500x128xi32, #tpu.memory_space<hbm>> -> memref<1x128xi32, #tpu.memory_space<hbm>>
        %dma_start3A_32 = tpu.memref_squeeze %dma_start3A_31 : memref<1x128xi32, #tpu.memory_space<hbm>> -> memref<128xi32, #tpu.memory_space<hbm>>
        tpu.enqueue_dma source(%dma_start3A_32 : memref<128xi32, #tpu.memory_space<hbm>>) target(%arg9 : memref<128xi32, #tpu.memory_space<vmem>>) target_semaphore(%run_scoped3A : memref<!tpu.dma_semaphore, #tpu.memory_space<semaphore_mem>>)
        %dma_wait3A_33 = arith.constant 0 : i32
        %dma_wait3A_34 = tpu.memref_slice %arg3[%add3A_22, %dma_wait3A_33] : memref<2500x128xi32, #tpu.memory_space<hbm>> -> memref<1x128xi32, #tpu.memory_space<hbm>>
        %dma_wait3A_35 = tpu.memref_squeeze %dma_wait3A_34 : memref<1x128xi32, #tpu.memory_space<hbm>> -> memref<128xi32, #tpu.memory_space<hbm>>
        %dma_wait3A_36 = arith.constant 0 : i32
        %dma_wait3A_37 = tpu.memref_slice %arg3[%add3A_22, %dma_wait3A_36] : memref<2500x128xi32, #tpu.memory_space<hbm>> -> memref<1x128xi32, #tpu.memory_space<hbm>>
        %dma_wait3A_38 = tpu.memref_squeeze %dma_wait3A_37 : memref<1x128xi32, #tpu.memory_space<hbm>> -> memref<128xi32, #tpu.memory_space<hbm>>
        tpu.wait_dma2 semaphore(%run_scoped3A : memref<!tpu.dma_semaphore, #tpu.memory_space<semaphore_mem>>) src(%dma_wait3A_38 : memref<128xi32, #tpu.memory_space<hbm>>) dst(%arg9 : memref<128xi32, #tpu.memory_space<vmem>>)
        tpu.yield
      }) : () -> ()
      "tpu.region"() ({
        %run_scoped3A = tpu.sem_alloc : memref<!tpu.dma_semaphore, #tpu.memory_space<semaphore_mem>>
        %dma_start3A_27 = arith.constant 0 : i32
        %dma_start3A_28 = tpu.memref_slice %arg4[%add3A_22, %dma_start3A_27] : memref<2500x128xi32, #tpu.memory_space<hbm>> -> memref<1x128xi32, #tpu.memory_space<hbm>>
        %dma_start3A_29 = tpu.memref_squeeze %dma_start3A_28 : memref<1x128xi32, #tpu.memory_space<hbm>> -> memref<128xi32, #tpu.memory_space<hbm>>
        %dma_start3A_30 = arith.constant 0 : i32
        %dma_start3A_31 = tpu.memref_slice %arg4[%add3A_22, %dma_start3A_30] : memref<2500x128xi32, #tpu.memory_space<hbm>> -> memref<1x128xi32, #tpu.memory_space<hbm>>
        %dma_start3A_32 = tpu.memref_squeeze %dma_start3A_31 : memref<1x128xi32, #tpu.memory_space<hbm>> -> memref<128xi32, #tpu.memory_space<hbm>>
        tpu.enqueue_dma source(%dma_start3A_32 : memref<128xi32, #tpu.memory_space<hbm>>) target(%arg10 : memref<128xi32, #tpu.memory_space<vmem>>) target_semaphore(%run_scoped3A : memref<!tpu.dma_semaphore, #tpu.memory_space<semaphore_mem>>)
        %dma_wait3A_33 = arith.constant 0 : i32
        %dma_wait3A_34 = tpu.memref_slice %arg4[%add3A_22, %dma_wait3A_33] : memref<2500x128xi32, #tpu.memory_space<hbm>> -> memref<1x128xi32, #tpu.memory_space<hbm>>
        %dma_wait3A_35 = tpu.memref_squeeze %dma_wait3A_34 : memref<1x128xi32, #tpu.memory_space<hbm>> -> memref<128xi32, #tpu.memory_space<hbm>>
        %dma_wait3A_36 = arith.constant 0 : i32
        %dma_wait3A_37 = tpu.memref_slice %arg4[%add3A_22, %dma_wait3A_36] : memref<2500x128xi32, #tpu.memory_space<hbm>> -> memref<1x128xi32, #tpu.memory_space<hbm>>
        %dma_wait3A_38 = tpu.memref_squeeze %dma_wait3A_37 : memref<1x128xi32, #tpu.memory_space<hbm>> -> memref<128xi32, #tpu.memory_space<hbm>>
        tpu.wait_dma2 semaphore(%run_scoped3A : memref<!tpu.dma_semaphore, #tpu.memory_space<semaphore_mem>>) src(%dma_wait3A_38 : memref<128xi32, #tpu.memory_space<hbm>>) dst(%arg10 : memref<128xi32, #tpu.memory_space<vmem>>)
        tpu.yield
      }) : () -> ()
      %dma_start3A = arith.constant 0 : i32
      %dma_start3A_23 = arith.constant 0 : i32
      %dma_start3A_24 = tpu.memref_slice %arg2[%dma_start3A, %dma_start3A_23] : memref<10240x128xf32, #tpu.memory_space<hbm>> -> memref<10240x128xf32, #tpu.memory_space<hbm>>
      tpu.enqueue_indirect_dma source(%dma_start3A_24 : memref<10240x128xf32, #tpu.memory_space<hbm>>) target(%arg11 : memref<128x128xf32, #tpu.memory_space<vmem>>) offsets(%arg9 : memref<128xi32, #tpu.memory_space<vmem>>) semaphore(%arg14 : memref<!tpu.dma_semaphore, #tpu.memory_space<semaphore_mem>>)
      %dma_wait3A = arith.constant 0 : i32
      %dma_wait3A_25 = arith.constant 0 : i32
      %dma_wait3A_26 = tpu.memref_slice %arg2[%dma_wait3A, %dma_wait3A_25] : memref<10240x128xf32, #tpu.memory_space<hbm>> -> memref<10240x128xf32, #tpu.memory_space<hbm>>
      tpu.wait_indirect_dma semaphore(%arg14 : memref<!tpu.dma_semaphore, #tpu.memory_space<semaphore_mem>>) src(%dma_wait3A_26 : memref<10240x128xf32, #tpu.memory_space<hbm>>) dst(%arg11 : memref<128x128xf32, #tpu.memory_space<vmem>>)
      "tpu.region"() ({
        %run_scoped3A = tpu.sem_alloc : memref<!tpu.dma_semaphore, #tpu.memory_space<semaphore_mem>>
        %dma_start3A_27 = arith.constant 0 : i32
        %dma_start3A_28 = arith.constant 0 : i32
        %dma_start3A_29 = tpu.memref_slice %arg13[%dma_start3A_27, %dma_start3A_28] : memref<5120x128xf32, #tpu.memory_space<vmem_shared>> -> memref<5120x128xf32, #tpu.memory_space<vmem_shared>>
        tpu.enqueue_indirect_dma source(%arg11 : memref<128x128xf32, #tpu.memory_space<vmem>>) target(%dma_start3A_29 : memref<5120x128xf32, #tpu.memory_space<vmem_shared>>) offsets(%arg10 : memref<128xi32, #tpu.memory_space<vmem>>) semaphore(%run_scoped3A : memref<!tpu.dma_semaphore, #tpu.memory_space<semaphore_mem>>) {add = true}
        %dma_wait3A_30 = arith.constant 0 : i32
        %dma_wait3A_31 = arith.constant 0 : i32
        %dma_wait3A_32 = tpu.memref_slice %arg13[%dma_wait3A_30, %dma_wait3A_31] : memref<5120x128xf32, #tpu.memory_space<vmem_shared>> -> memref<5120x128xf32, #tpu.memory_space<vmem_shared>>
        tpu.wait_indirect_dma semaphore(%run_scoped3A : memref<!tpu.dma_semaphore, #tpu.memory_space<semaphore_mem>>) src(%arg11 : memref<128x128xf32, #tpu.memory_space<vmem>>) dst(%dma_wait3A_32 : memref<5120x128xf32, #tpu.memory_space<vmem_shared>>)
        tpu.yield
      }) : () -> ()
    }
    %scan3A_11 = arith.constant 78 : i32
    %lt3A = arith.constant 4 : i32
    %lt3A_12 = arith.cmpi slt, %add3A, %lt3A : i32
    %convert_element_type3A = arith.extui %lt3A_12 : i1 to i32
    %cond3A = arith.constant 0 : i32
    %cond3A_13 = arith.cmpi ne, %convert_element_type3A, %cond3A : i32
    scf.if %cond3A_13 {
      %add3A_19 = arith.constant 2496 : i32
      %add3A_20 = arith.addi %add3A_19, %add3A : i32
      "tpu.region"() ({
        %run_scoped3A = tpu.sem_alloc : memref<!tpu.dma_semaphore, #tpu.memory_space<semaphore_mem>>
        %dma_start3A_25 = arith.constant 0 : i32
        %dma_start3A_26 = tpu.memref_slice %arg3[%add3A_20, %dma_start3A_25] : memref<2500x128xi32, #tpu.memory_space<hbm>> -> memref<1x128xi32, #tpu.memory_space<hbm>>
        %dma_start3A_27 = tpu.memref_squeeze %dma_start3A_26 : memref<1x128xi32, #tpu.memory_space<hbm>> -> memref<128xi32, #tpu.memory_space<hbm>>
        %dma_start3A_28 = arith.constant 0 : i32
        %dma_start3A_29 = tpu.memref_slice %arg3[%add3A_20, %dma_start3A_28] : memref<2500x128xi32, #tpu.memory_space<hbm>> -> memref<1x128xi32, #tpu.memory_space<hbm>>
        %dma_start3A_30 = tpu.memref_squeeze %dma_start3A_29 : memref<1x128xi32, #tpu.memory_space<hbm>> -> memref<128xi32, #tpu.memory_space<hbm>>
        tpu.enqueue_dma source(%dma_start3A_30 : memref<128xi32, #tpu.memory_space<hbm>>) target(%arg9 : memref<128xi32, #tpu.memory_space<vmem>>) target_semaphore(%run_scoped3A : memref<!tpu.dma_semaphore, #tpu.memory_space<semaphore_mem>>)
        %dma_wait3A_31 = arith.constant 0 : i32
        %dma_wait3A_32 = tpu.memref_slice %arg3[%add3A_20, %dma_wait3A_31] : memref<2500x128xi32, #tpu.memory_space<hbm>> -> memref<1x128xi32, #tpu.memory_space<hbm>>
        %dma_wait3A_33 = tpu.memref_squeeze %dma_wait3A_32 : memref<1x128xi32, #tpu.memory_space<hbm>> -> memref<128xi32, #tpu.memory_space<hbm>>
        %dma_wait3A_34 = arith.constant 0 : i32
        %dma_wait3A_35 = tpu.memref_slice %arg3[%add3A_20, %dma_wait3A_34] : memref<2500x128xi32, #tpu.memory_space<hbm>> -> memref<1x128xi32, #tpu.memory_space<hbm>>
        %dma_wait3A_36 = tpu.memref_squeeze %dma_wait3A_35 : memref<1x128xi32, #tpu.memory_space<hbm>> -> memref<128xi32, #tpu.memory_space<hbm>>
        tpu.wait_dma2 semaphore(%run_scoped3A : memref<!tpu.dma_semaphore, #tpu.memory_space<semaphore_mem>>) src(%dma_wait3A_36 : memref<128xi32, #tpu.memory_space<hbm>>) dst(%arg9 : memref<128xi32, #tpu.memory_space<vmem>>)
        tpu.yield
      }) : () -> ()
      "tpu.region"() ({
        %run_scoped3A = tpu.sem_alloc : memref<!tpu.dma_semaphore, #tpu.memory_space<semaphore_mem>>
        %dma_start3A_25 = arith.constant 0 : i32
        %dma_start3A_26 = tpu.memref_slice %arg4[%add3A_20, %dma_start3A_25] : memref<2500x128xi32, #tpu.memory_space<hbm>> -> memref<1x128xi32, #tpu.memory_space<hbm>>
        %dma_start3A_27 = tpu.memref_squeeze %dma_start3A_26 : memref<1x128xi32, #tpu.memory_space<hbm>> -> memref<128xi32, #tpu.memory_space<hbm>>
        %dma_start3A_28 = arith.constant 0 : i32
        %dma_start3A_29 = tpu.memref_slice %arg4[%add3A_20, %dma_start3A_28] : memref<2500x128xi32, #tpu.memory_space<hbm>> -> memref<1x128xi32, #tpu.memory_space<hbm>>
        %dma_start3A_30 = tpu.memref_squeeze %dma_start3A_29 : memref<1x128xi32, #tpu.memory_space<hbm>> -> memref<128xi32, #tpu.memory_space<hbm>>
        tpu.enqueue_dma source(%dma_start3A_30 : memref<128xi32, #tpu.memory_space<hbm>>) target(%arg10 : memref<128xi32, #tpu.memory_space<vmem>>) target_semaphore(%run_scoped3A : memref<!tpu.dma_semaphore, #tpu.memory_space<semaphore_mem>>)
        %dma_wait3A_31 = arith.constant 0 : i32
        %dma_wait3A_32 = tpu.memref_slice %arg4[%add3A_20, %dma_wait3A_31] : memref<2500x128xi32, #tpu.memory_space<hbm>> -> memref<1x128xi32, #tpu.memory_space<hbm>>
        %dma_wait3A_33 = tpu.memref_squeeze %dma_wait3A_32 : memref<1x128xi32, #tpu.memory_space<hbm>> -> memref<128xi32, #tpu.memory_space<hbm>>
        %dma_wait3A_34 = arith.constant 0 : i32
        %dma_wait3A_35 = tpu.memref_slice %arg4[%add3A_20, %dma_wait3A_34] : memref<2500x128xi32, #tpu.memory_space<hbm>> -> memref<1x128xi32, #tpu.memory_space<hbm>>
        %dma_wait3A_36 = tpu.memref_squeeze %dma_wait3A_35 : memref<1x128xi32, #tpu.memory_space<hbm>> -> memref<128xi32, #tpu.memory_space<hbm>>
        tpu.wait_dma2 semaphore(%run_scoped3A : memref<!tpu.dma_semaphore, #tpu.memory_space<semaphore_mem>>) src(%dma_wait3A_36 : memref<128xi32, #tpu.memory_space<hbm>>) dst(%arg10 : memref<128xi32, #tpu.memory_space<vmem>>)
        tpu.yield
      }) : () -> ()
      %dma_start3A = arith.constant 0 : i32
      %dma_start3A_21 = arith.constant 0 : i32
      %dma_start3A_22 = tpu.memref_slice %arg2[%dma_start3A, %dma_start3A_21] : memref<10240x128xf32, #tpu.memory_space<hbm>> -> memref<10240x128xf32, #tpu.memory_space<hbm>>
      tpu.enqueue_indirect_dma source(%dma_start3A_22 : memref<10240x128xf32, #tpu.memory_space<hbm>>) target(%arg11 : memref<128x128xf32, #tpu.memory_space<vmem>>) offsets(%arg9 : memref<128xi32, #tpu.memory_space<vmem>>) semaphore(%arg14 : memref<!tpu.dma_semaphore, #tpu.memory_space<semaphore_mem>>)
      %dma_wait3A = arith.constant 0 : i32
      %dma_wait3A_23 = arith.constant 0 : i32
      %dma_wait3A_24 = tpu.memref_slice %arg2[%dma_wait3A, %dma_wait3A_23] : memref<10240x128xf32, #tpu.memory_space<hbm>> -> memref<10240x128xf32, #tpu.memory_space<hbm>>
      tpu.wait_indirect_dma semaphore(%arg14 : memref<!tpu.dma_semaphore, #tpu.memory_space<semaphore_mem>>) src(%dma_wait3A_24 : memref<10240x128xf32, #tpu.memory_space<hbm>>) dst(%arg11 : memref<128x128xf32, #tpu.memory_space<vmem>>)
      "tpu.region"() ({
        %run_scoped3A = tpu.sem_alloc : memref<!tpu.dma_semaphore, #tpu.memory_space<semaphore_mem>>
        %dma_start3A_25 = arith.constant 0 : i32
        %dma_start3A_26 = arith.constant 0 : i32
        %dma_start3A_27 = tpu.memref_slice %arg13[%dma_start3A_25, %dma_start3A_26] : memref<5120x128xf32, #tpu.memory_space<vmem_shared>> -> memref<5120x128xf32, #tpu.memory_space<vmem_shared>>
        tpu.enqueue_indirect_dma source(%arg11 : memref<128x128xf32, #tpu.memory_space<vmem>>) target(%dma_start3A_27 : memref<5120x128xf32, #tpu.memory_space<vmem_shared>>) offsets(%arg10 : memref<128xi32, #tpu.memory_space<vmem>>) semaphore(%run_scoped3A : memref<!tpu.dma_semaphore, #tpu.memory_space<semaphore_mem>>) {add = true}
        %dma_wait3A_28 = arith.constant 0 : i32
        %dma_wait3A_29 = arith.constant 0 : i32
        %dma_wait3A_30 = tpu.memref_slice %arg13[%dma_wait3A_28, %dma_wait3A_29] : memref<5120x128xf32, #tpu.memory_space<vmem_shared>> -> memref<5120x128xf32, #tpu.memory_space<vmem_shared>>
        tpu.wait_indirect_dma semaphore(%run_scoped3A : memref<!tpu.dma_semaphore, #tpu.memory_space<semaphore_mem>>) src(%arg11 : memref<128x128xf32, #tpu.memory_space<vmem>>) dst(%dma_wait3A_30 : memref<5120x128xf32, #tpu.memory_space<vmem_shared>>)
        tpu.yield
      }) : () -> ()
    } else {
    }
    %barrier3A_14 = arith.constant 0 : index
    tpu.barrier barrier_id(%barrier3A_14)
    %add3A_15 = arith.constant 0 : i32
    %add3A_16 = arith.addi %mul3A_2, %add3A_15 : i32
    "tpu.region"() ({
      %run_scoped3A = tpu.sem_alloc : memref<!tpu.dma_semaphore, #tpu.memory_space<semaphore_mem>>
      %dma_start3A = arith.constant 0 : i32
      %dma_start3A_19 = tpu.memref_slice %arg13[%add3A_16, %dma_start3A] : memref<5120x128xf32, #tpu.memory_space<vmem_shared>> -> memref<160x128xf32, #tpu.memory_space<vmem_shared>>
      %dma_start3A_20 = arith.constant 0 : i32
      %dma_start3A_21 = tpu.memref_slice %arg13[%add3A_16, %dma_start3A_20] : memref<5120x128xf32, #tpu.memory_space<vmem_shared>> -> memref<160x128xf32, #tpu.memory_space<vmem_shared>>
      tpu.enqueue_dma source(%dma_start3A_21 : memref<160x128xf32, #tpu.memory_space<vmem_shared>>) target(%arg12 : memref<160x128xf32, #tpu.memory_space<vmem>>) target_semaphore(%run_scoped3A : memref<!tpu.dma_semaphore, #tpu.memory_space<semaphore_mem>>)
      %dma_wait3A = arith.constant 0 : i32
      %dma_wait3A_22 = tpu.memref_slice %arg13[%add3A_16, %dma_wait3A] : memref<5120x128xf32, #tpu.memory_space<vmem_shared>> -> memref<160x128xf32, #tpu.memory_space<vmem_shared>>
      %dma_wait3A_23 = arith.constant 0 : i32
      %dma_wait3A_24 = tpu.memref_slice %arg13[%add3A_16, %dma_wait3A_23] : memref<5120x128xf32, #tpu.memory_space<vmem_shared>> -> memref<160x128xf32, #tpu.memory_space<vmem_shared>>
      tpu.wait_dma2 semaphore(%run_scoped3A : memref<!tpu.dma_semaphore, #tpu.memory_space<semaphore_mem>>) src(%dma_wait3A_24 : memref<160x128xf32, #tpu.memory_space<vmem_shared>>) dst(%arg12 : memref<160x128xf32, #tpu.memory_space<vmem>>)
      tpu.yield
    }) : () -> ()
    "tpu.region"() ({
      %run_scoped3A = tpu.sem_alloc : memref<!tpu.dma_semaphore, #tpu.memory_space<semaphore_mem>>
      %dma_start3A = arith.constant 0 : i32
      %dma_start3A_19 = tpu.memref_slice %arg8[%arg0, %add3A_16, %dma_start3A] : memref<2x5120x128xf32, #tpu.memory_space<hbm>> -> memref<1x160x128xf32, #tpu.memory_space<hbm>>
      %dma_start3A_20 = tpu.memref_squeeze %dma_start3A_19 : memref<1x160x128xf32, #tpu.memory_space<hbm>> -> memref<160x128xf32, #tpu.memory_space<hbm>>
      %dma_start3A_21 = arith.constant 0 : i32
      %dma_start3A_22 = tpu.memref_slice %arg8[%arg0, %add3A_16, %dma_start3A_21] : memref<2x5120x128xf32, #tpu.memory_space<hbm>> -> memref<1x160x128xf32, #tpu.memory_space<hbm>>
      %dma_start3A_23 = tpu.memref_squeeze %dma_start3A_22 : memref<1x160x128xf32, #tpu.memory_space<hbm>> -> memref<160x128xf32, #tpu.memory_space<hbm>>
      tpu.enqueue_dma source(%arg12 : memref<160x128xf32, #tpu.memory_space<vmem>>) target(%dma_start3A_23 : memref<160x128xf32, #tpu.memory_space<hbm>>) target_semaphore(%run_scoped3A : memref<!tpu.dma_semaphore, #tpu.memory_space<semaphore_mem>>)
      %dma_wait3A = arith.constant 0 : i32
      %dma_wait3A_24 = tpu.memref_slice %arg8[%arg0, %add3A_16, %dma_wait3A] : memref<2x5120x128xf32, #tpu.memory_space<hbm>> -> memref<1x160x128xf32, #tpu.memory_space<hbm>>
      %dma_wait3A_25 = tpu.memref_squeeze %dma_wait3A_24 : memref<1x160x128xf32, #tpu.memory_space<hbm>> -> memref<160x128xf32, #tpu.memory_space<hbm>>
      %dma_wait3A_26 = arith.constant 0 : i32
      %dma_wait3A_27 = tpu.memref_slice %arg8[%arg0, %add3A_16, %dma_wait3A_26] : memref<2x5120x128xf32, #tpu.memory_space<hbm>> -> memref<1x160x128xf32, #tpu.memory_space<hbm>>
      %dma_wait3A_28 = tpu.memref_squeeze %dma_wait3A_27 : memref<1x160x128xf32, #tpu.memory_space<hbm>> -> memref<160x128xf32, #tpu.memory_space<hbm>>
      tpu.wait_dma2 semaphore(%run_scoped3A : memref<!tpu.dma_semaphore, #tpu.memory_space<semaphore_mem>>) src(%arg12 : memref<160x128xf32, #tpu.memory_space<vmem>>) dst(%dma_wait3A_28 : memref<160x128xf32, #tpu.memory_space<hbm>>)
      tpu.yield
    }) : () -> ()
    %add3A_17 = arith.constant 160 : i32
    %add3A_18 = arith.addi %mul3A_2, %add3A_17 : i32
    "tpu.region"() ({
      %run_scoped3A = tpu.sem_alloc : memref<!tpu.dma_semaphore, #tpu.memory_space<semaphore_mem>>
      %dma_start3A = arith.constant 0 : i32
      %dma_start3A_19 = tpu.memref_slice %arg13[%add3A_18, %dma_start3A] : memref<5120x128xf32, #tpu.memory_space<vmem_shared>> -> memref<160x128xf32, #tpu.memory_space<vmem_shared>>
      %dma_start3A_20 = arith.constant 0 : i32
      %dma_start3A_21 = tpu.memref_slice %arg13[%add3A_18, %dma_start3A_20] : memref<5120x128xf32, #tpu.memory_space<vmem_shared>> -> memref<160x128xf32, #tpu.memory_space<vmem_shared>>
      tpu.enqueue_dma source(%dma_start3A_21 : memref<160x128xf32, #tpu.memory_space<vmem_shared>>) target(%arg12 : memref<160x128xf32, #tpu.memory_space<vmem>>) target_semaphore(%run_scoped3A : memref<!tpu.dma_semaphore, #tpu.memory_space<semaphore_mem>>)
      %dma_wait3A = arith.constant 0 : i32
      %dma_wait3A_22 = tpu.memref_slice %arg13[%add3A_18, %dma_wait3A] : memref<5120x128xf32, #tpu.memory_space<vmem_shared>> -> memref<160x128xf32, #tpu.memory_space<vmem_shared>>
      %dma_wait3A_23 = arith.constant 0 : i32
      %dma_wait3A_24 = tpu.memref_slice %arg13[%add3A_18, %dma_wait3A_23] : memref<5120x128xf32, #tpu.memory_space<vmem_shared>> -> memref<160x128xf32, #tpu.memory_space<vmem_shared>>
      tpu.wait_dma2 semaphore(%run_scoped3A : memref<!tpu.dma_semaphore, #tpu.memory_space<semaphore_mem>>) src(%dma_wait3A_24 : memref<160x128xf32, #tpu.memory_space<vmem_shared>>) dst(%arg12 : memref<160x128xf32, #tpu.memory_space<vmem>>)
      tpu.yield
    }) : () -> ()
    "tpu.region"() ({
      %run_scoped3A = tpu.sem_alloc : memref<!tpu.dma_semaphore, #tpu.memory_space<semaphore_mem>>
      %dma_start3A = arith.constant 0 : i32
      %dma_start3A_19 = tpu.memref_slice %arg8[%arg0, %add3A_18, %dma_start3A] : memref<2x5120x128xf32, #tpu.memory_space<hbm>> -> memref<1x160x128xf32, #tpu.memory_space<hbm>>
      %dma_start3A_20 = tpu.memref_squeeze %dma_start3A_19 : memref<1x160x128xf32, #tpu.memory_space<hbm>> -> memref<160x128xf32, #tpu.memory_space<hbm>>
      %dma_start3A_21 = arith.constant 0 : i32
      %dma_start3A_22 = tpu.memref_slice %arg8[%arg0, %add3A_18, %dma_start3A_21] : memref<2x5120x128xf32, #tpu.memory_space<hbm>> -> memref<1x160x128xf32, #tpu.memory_space<hbm>>
      %dma_start3A_23 = tpu.memref_squeeze %dma_start3A_22 : memref<1x160x128xf32, #tpu.memory_space<hbm>> -> memref<160x128xf32, #tpu.memory_space<hbm>>
      tpu.enqueue_dma source(%arg12 : memref<160x128xf32, #tpu.memory_space<vmem>>) target(%dma_start3A_23 : memref<160x128xf32, #tpu.memory_space<hbm>>) target_semaphore(%run_scoped3A : memref<!tpu.dma_semaphore, #tpu.memory_space<semaphore_mem>>)
      %dma_wait3A = arith.constant 0 : i32
      %dma_wait3A_24 = tpu.memref_slice %arg8[%arg0, %add3A_18, %dma_wait3A] : memref<2x5120x128xf32, #tpu.memory_space<hbm>> -> memref<1x160x128xf32, #tpu.memory_space<hbm>>
      %dma_wait3A_25 = tpu.memref_squeeze %dma_wait3A_24 : memref<1x160x128xf32, #tpu.memory_space<hbm>> -> memref<160x128xf32, #tpu.memory_space<hbm>>
      %dma_wait3A_26 = arith.constant 0 : i32
      %dma_wait3A_27 = tpu.memref_slice %arg8[%arg0, %add3A_18, %dma_wait3A_26] : memref<2x5120x128xf32, #tpu.memory_space<hbm>> -> memref<1x160x128xf32, #tpu.memory_space<hbm>>
      %dma_wait3A_28 = tpu.memref_squeeze %dma_wait3A_27 : memref<1x160x128xf32, #tpu.memory_space<hbm>> -> memref<160x128xf32, #tpu.memory_space<hbm>>
      tpu.wait_dma2 semaphore(%run_scoped3A : memref<!tpu.dma_semaphore, #tpu.memory_space<semaphore_mem>>) src(%arg12 : memref<160x128xf32, #tpu.memory_space<vmem>>) dst(%dma_wait3A_28 : memref<160x128xf32, #tpu.memory_space<hbm>>)
      tpu.yield
    }) : () -> ()
    return
  }
}

#map = affine_map<(d0, d1) -> (0, 0)>
#map1 = affine_map<(d0, d1) -> (0)>
#map2 = affine_map<(d0, d1) -> (0, 0, 0)>
module attributes {stable_mosaic.version = 14 : i64} {
  func.func @body(%arg0: i32, %arg1: i32, %arg2: memref<5120x128xf32, #tpu.memory_space<hbm>>, %arg3: memref<2500x128xi32, #tpu.memory_space<hbm>>, %arg4: memref<2500x128xi32, #tpu.memory_space<hbm>>, %arg5: memref<160x128xf32, #tpu.memory_space<hbm>>, %arg6: memref<640xf32, #tpu.memory_space<hbm>>, %arg7: memref<128xf32, #tpu.memory_space<hbm>>, %arg8: memref<2x10240x128xf32, #tpu.memory_space<hbm>>, %arg9: memref<128xi32, #tpu.memory_space<vmem>>, %arg10: memref<128xi32, #tpu.memory_space<vmem>>, %arg11: memref<128x128xf32, #tpu.memory_space<vmem>>, %arg12: memref<160x128xf32, #tpu.memory_space<vmem>>, %arg13: memref<10240x128xf32, #tpu.memory_space<vmem_shared>>, %arg14: memref<!tpu.dma_semaphore, #tpu.memory_space<semaphore_mem>>) attributes {dimension_semantics = [#tpu.dimension_semantics<core_parallel>, #tpu.dimension_semantics<subcore_parallel>], iteration_bounds = array<i64: 2, 16>, scalar_prefetch = 0 : i64, scratch_operands = 6 : i64, tpu.core_type = #tpu.core_type<sc_vector_subcore>, window_params = [{transform_indices = #map}, {transform_indices = #map}, {transform_indices = #map}, {transform_indices = #map}, {transform_indices = #map1}, {transform_indices = #map1}, {transform_indices = #map2}]} {
    %mul3A = arith.constant 2 : i32
    %mul3A_0 = arith.muli %arg1, %mul3A : i32
    %add3A = arith.addi %mul3A_0, %arg0 : i32
    "tpu.region"() ({
      %run_scoped3A = tpu.sem_alloc : memref<!tpu.dma_semaphore, #tpu.memory_space<semaphore_mem>>
      tpu.enqueue_dma source(%arg5 : memref<160x128xf32, #tpu.memory_space<hbm>>) target(%arg12 : memref<160x128xf32, #tpu.memory_space<vmem>>) target_semaphore(%run_scoped3A : memref<!tpu.dma_semaphore, #tpu.memory_space<semaphore_mem>>)
      tpu.wait_dma2 semaphore(%run_scoped3A : memref<!tpu.dma_semaphore, #tpu.memory_space<semaphore_mem>>) src(%arg5 : memref<160x128xf32, #tpu.memory_space<hbm>>) dst(%arg12 : memref<160x128xf32, #tpu.memory_space<vmem>>)
      tpu.yield
    }) : () -> ()
    %mul3A_1 = arith.constant 640 : i32
    %mul3A_2 = arith.muli %arg1, %mul3A_1 : i32
    %add3A_3 = arith.constant 0 : i32
    %add3A_4 = arith.addi %mul3A_2, %add3A_3 : i32
    "tpu.region"() ({
      %run_scoped3A = tpu.sem_alloc : memref<!tpu.dma_semaphore, #tpu.memory_space<semaphore_mem>>
      %dma_start3A = arith.constant 0 : i32
      %dma_start3A_27 = tpu.memref_slice %arg13[%add3A_4, %dma_start3A] : memref<10240x128xf32, #tpu.memory_space<vmem_shared>> -> memref<160x128xf32, #tpu.memory_space<vmem_shared>>
      %dma_start3A_28 = arith.constant 0 : i32
      %dma_start3A_29 = tpu.memref_slice %arg13[%add3A_4, %dma_start3A_28] : memref<10240x128xf32, #tpu.memory_space<vmem_shared>> -> memref<160x128xf32, #tpu.memory_space<vmem_shared>>
      tpu.enqueue_dma source(%arg12 : memref<160x128xf32, #tpu.memory_space<vmem>>) target(%dma_start3A_29 : memref<160x128xf32, #tpu.memory_space<vmem_shared>>) target_semaphore(%run_scoped3A : memref<!tpu.dma_semaphore, #tpu.memory_space<semaphore_mem>>)
      %dma_wait3A = arith.constant 0 : i32
      %dma_wait3A_30 = tpu.memref_slice %arg13[%add3A_4, %dma_wait3A] : memref<10240x128xf32, #tpu.memory_space<vmem_shared>> -> memref<160x128xf32, #tpu.memory_space<vmem_shared>>
      %dma_wait3A_31 = arith.constant 0 : i32
      %dma_wait3A_32 = tpu.memref_slice %arg13[%add3A_4, %dma_wait3A_31] : memref<10240x128xf32, #tpu.memory_space<vmem_shared>> -> memref<160x128xf32, #tpu.memory_space<vmem_shared>>
      tpu.wait_dma2 semaphore(%run_scoped3A : memref<!tpu.dma_semaphore, #tpu.memory_space<semaphore_mem>>) src(%arg12 : memref<160x128xf32, #tpu.memory_space<vmem>>) dst(%dma_wait3A_32 : memref<160x128xf32, #tpu.memory_space<vmem_shared>>)
      tpu.yield
    }) : () -> ()
    %add3A_5 = arith.constant 160 : i32
    %add3A_6 = arith.addi %mul3A_2, %add3A_5 : i32
    "tpu.region"() ({
      %run_scoped3A = tpu.sem_alloc : memref<!tpu.dma_semaphore, #tpu.memory_space<semaphore_mem>>
      %dma_start3A = arith.constant 0 : i32
      %dma_start3A_27 = tpu.memref_slice %arg13[%add3A_6, %dma_start3A] : memref<10240x128xf32, #tpu.memory_space<vmem_shared>> -> memref<160x128xf32, #tpu.memory_space<vmem_shared>>
      %dma_start3A_28 = arith.constant 0 : i32
      %dma_start3A_29 = tpu.memref_slice %arg13[%add3A_6, %dma_start3A_28] : memref<10240x128xf32, #tpu.memory_space<vmem_shared>> -> memref<160x128xf32, #tpu.memory_space<vmem_shared>>
      tpu.enqueue_dma source(%arg12 : memref<160x128xf32, #tpu.memory_space<vmem>>) target(%dma_start3A_29 : memref<160x128xf32, #tpu.memory_space<vmem_shared>>) target_semaphore(%run_scoped3A : memref<!tpu.dma_semaphore, #tpu.memory_space<semaphore_mem>>)
      %dma_wait3A = arith.constant 0 : i32
      %dma_wait3A_30 = tpu.memref_slice %arg13[%add3A_6, %dma_wait3A] : memref<10240x128xf32, #tpu.memory_space<vmem_shared>> -> memref<160x128xf32, #tpu.memory_space<vmem_shared>>
      %dma_wait3A_31 = arith.constant 0 : i32
      %dma_wait3A_32 = tpu.memref_slice %arg13[%add3A_6, %dma_wait3A_31] : memref<10240x128xf32, #tpu.memory_space<vmem_shared>> -> memref<160x128xf32, #tpu.memory_space<vmem_shared>>
      tpu.wait_dma2 semaphore(%run_scoped3A : memref<!tpu.dma_semaphore, #tpu.memory_space<semaphore_mem>>) src(%arg12 : memref<160x128xf32, #tpu.memory_space<vmem>>) dst(%dma_wait3A_32 : memref<160x128xf32, #tpu.memory_space<vmem_shared>>)
      tpu.yield
    }) : () -> ()
    %add3A_7 = arith.constant 320 : i32
    %add3A_8 = arith.addi %mul3A_2, %add3A_7 : i32
    "tpu.region"() ({
      %run_scoped3A = tpu.sem_alloc : memref<!tpu.dma_semaphore, #tpu.memory_space<semaphore_mem>>
      %dma_start3A = arith.constant 0 : i32
      %dma_start3A_27 = tpu.memref_slice %arg13[%add3A_8, %dma_start3A] : memref<10240x128xf32, #tpu.memory_space<vmem_shared>> -> memref<160x128xf32, #tpu.memory_space<vmem_shared>>
      %dma_start3A_28 = arith.constant 0 : i32
      %dma_start3A_29 = tpu.memref_slice %arg13[%add3A_8, %dma_start3A_28] : memref<10240x128xf32, #tpu.memory_space<vmem_shared>> -> memref<160x128xf32, #tpu.memory_space<vmem_shared>>
      tpu.enqueue_dma source(%arg12 : memref<160x128xf32, #tpu.memory_space<vmem>>) target(%dma_start3A_29 : memref<160x128xf32, #tpu.memory_space<vmem_shared>>) target_semaphore(%run_scoped3A : memref<!tpu.dma_semaphore, #tpu.memory_space<semaphore_mem>>)
      %dma_wait3A = arith.constant 0 : i32
      %dma_wait3A_30 = tpu.memref_slice %arg13[%add3A_8, %dma_wait3A] : memref<10240x128xf32, #tpu.memory_space<vmem_shared>> -> memref<160x128xf32, #tpu.memory_space<vmem_shared>>
      %dma_wait3A_31 = arith.constant 0 : i32
      %dma_wait3A_32 = tpu.memref_slice %arg13[%add3A_8, %dma_wait3A_31] : memref<10240x128xf32, #tpu.memory_space<vmem_shared>> -> memref<160x128xf32, #tpu.memory_space<vmem_shared>>
      tpu.wait_dma2 semaphore(%run_scoped3A : memref<!tpu.dma_semaphore, #tpu.memory_space<semaphore_mem>>) src(%arg12 : memref<160x128xf32, #tpu.memory_space<vmem>>) dst(%dma_wait3A_32 : memref<160x128xf32, #tpu.memory_space<vmem_shared>>)
      tpu.yield
    }) : () -> ()
    %add3A_9 = arith.constant 480 : i32
    %add3A_10 = arith.addi %mul3A_2, %add3A_9 : i32
    "tpu.region"() ({
      %run_scoped3A = tpu.sem_alloc : memref<!tpu.dma_semaphore, #tpu.memory_space<semaphore_mem>>
      %dma_start3A = arith.constant 0 : i32
      %dma_start3A_27 = tpu.memref_slice %arg13[%add3A_10, %dma_start3A] : memref<10240x128xf32, #tpu.memory_space<vmem_shared>> -> memref<160x128xf32, #tpu.memory_space<vmem_shared>>
      %dma_start3A_28 = arith.constant 0 : i32
      %dma_start3A_29 = tpu.memref_slice %arg13[%add3A_10, %dma_start3A_28] : memref<10240x128xf32, #tpu.memory_space<vmem_shared>> -> memref<160x128xf32, #tpu.memory_space<vmem_shared>>
      tpu.enqueue_dma source(%arg12 : memref<160x128xf32, #tpu.memory_space<vmem>>) target(%dma_start3A_29 : memref<160x128xf32, #tpu.memory_space<vmem_shared>>) target_semaphore(%run_scoped3A : memref<!tpu.dma_semaphore, #tpu.memory_space<semaphore_mem>>)
      %dma_wait3A = arith.constant 0 : i32
      %dma_wait3A_30 = tpu.memref_slice %arg13[%add3A_10, %dma_wait3A] : memref<10240x128xf32, #tpu.memory_space<vmem_shared>> -> memref<160x128xf32, #tpu.memory_space<vmem_shared>>
      %dma_wait3A_31 = arith.constant 0 : i32
      %dma_wait3A_32 = tpu.memref_slice %arg13[%add3A_10, %dma_wait3A_31] : memref<10240x128xf32, #tpu.memory_space<vmem_shared>> -> memref<160x128xf32, #tpu.memory_space<vmem_shared>>
      tpu.wait_dma2 semaphore(%run_scoped3A : memref<!tpu.dma_semaphore, #tpu.memory_space<semaphore_mem>>) src(%arg12 : memref<160x128xf32, #tpu.memory_space<vmem>>) dst(%dma_wait3A_32 : memref<160x128xf32, #tpu.memory_space<vmem_shared>>)
      tpu.yield
    }) : () -> ()
    %barrier3A = arith.constant 0 : index
    tpu.barrier barrier_id(%barrier3A)
    %scan3A = arith.constant 0 : i32
    %scan3A_11 = arith.constant 0 : i32
    %scan3A_12 = arith.constant 78 : i32
    %scan3A_13 = arith.addi %scan3A_11, %scan3A_12 : i32
    %scan3A_14 = arith.constant 1 : i32
    scf.for %scan3A_27 = %scan3A_11 to %scan3A_13 step %scan3A_14  : i32 {
      %mul3A_28 = arith.constant 78 : i32
      %mul3A_29 = arith.muli %add3A, %mul3A_28 : i32
      %add3A_30 = arith.addi %mul3A_29, %scan3A_27 : i32
      "tpu.region"() ({
        %run_scoped3A = tpu.sem_alloc : memref<!tpu.dma_semaphore, #tpu.memory_space<semaphore_mem>>
        %dma_start3A_35 = arith.constant 0 : i32
        %dma_start3A_36 = tpu.memref_slice %arg3[%add3A_30, %dma_start3A_35] : memref<2500x128xi32, #tpu.memory_space<hbm>> -> memref<1x128xi32, #tpu.memory_space<hbm>>
        %dma_start3A_37 = tpu.memref_squeeze %dma_start3A_36 : memref<1x128xi32, #tpu.memory_space<hbm>> -> memref<128xi32, #tpu.memory_space<hbm>>
        %dma_start3A_38 = arith.constant 0 : i32
        %dma_start3A_39 = tpu.memref_slice %arg3[%add3A_30, %dma_start3A_38] : memref<2500x128xi32, #tpu.memory_space<hbm>> -> memref<1x128xi32, #tpu.memory_space<hbm>>
        %dma_start3A_40 = tpu.memref_squeeze %dma_start3A_39 : memref<1x128xi32, #tpu.memory_space<hbm>> -> memref<128xi32, #tpu.memory_space<hbm>>
        tpu.enqueue_dma source(%dma_start3A_40 : memref<128xi32, #tpu.memory_space<hbm>>) target(%arg9 : memref<128xi32, #tpu.memory_space<vmem>>) target_semaphore(%run_scoped3A : memref<!tpu.dma_semaphore, #tpu.memory_space<semaphore_mem>>)
        %dma_wait3A_41 = arith.constant 0 : i32
        %dma_wait3A_42 = tpu.memref_slice %arg3[%add3A_30, %dma_wait3A_41] : memref<2500x128xi32, #tpu.memory_space<hbm>> -> memref<1x128xi32, #tpu.memory_space<hbm>>
        %dma_wait3A_43 = tpu.memref_squeeze %dma_wait3A_42 : memref<1x128xi32, #tpu.memory_space<hbm>> -> memref<128xi32, #tpu.memory_space<hbm>>
        %dma_wait3A_44 = arith.constant 0 : i32
        %dma_wait3A_45 = tpu.memref_slice %arg3[%add3A_30, %dma_wait3A_44] : memref<2500x128xi32, #tpu.memory_space<hbm>> -> memref<1x128xi32, #tpu.memory_space<hbm>>
        %dma_wait3A_46 = tpu.memref_squeeze %dma_wait3A_45 : memref<1x128xi32, #tpu.memory_space<hbm>> -> memref<128xi32, #tpu.memory_space<hbm>>
        tpu.wait_dma2 semaphore(%run_scoped3A : memref<!tpu.dma_semaphore, #tpu.memory_space<semaphore_mem>>) src(%dma_wait3A_46 : memref<128xi32, #tpu.memory_space<hbm>>) dst(%arg9 : memref<128xi32, #tpu.memory_space<vmem>>)
        tpu.yield
      }) : () -> ()
      "tpu.region"() ({
        %run_scoped3A = tpu.sem_alloc : memref<!tpu.dma_semaphore, #tpu.memory_space<semaphore_mem>>
        %dma_start3A_35 = arith.constant 0 : i32
        %dma_start3A_36 = tpu.memref_slice %arg4[%add3A_30, %dma_start3A_35] : memref<2500x128xi32, #tpu.memory_space<hbm>> -> memref<1x128xi32, #tpu.memory_space<hbm>>
        %dma_start3A_37 = tpu.memref_squeeze %dma_start3A_36 : memref<1x128xi32, #tpu.memory_space<hbm>> -> memref<128xi32, #tpu.memory_space<hbm>>
        %dma_start3A_38 = arith.constant 0 : i32
        %dma_start3A_39 = tpu.memref_slice %arg4[%add3A_30, %dma_start3A_38] : memref<2500x128xi32, #tpu.memory_space<hbm>> -> memref<1x128xi32, #tpu.memory_space<hbm>>
        %dma_start3A_40 = tpu.memref_squeeze %dma_start3A_39 : memref<1x128xi32, #tpu.memory_space<hbm>> -> memref<128xi32, #tpu.memory_space<hbm>>
        tpu.enqueue_dma source(%dma_start3A_40 : memref<128xi32, #tpu.memory_space<hbm>>) target(%arg10 : memref<128xi32, #tpu.memory_space<vmem>>) target_semaphore(%run_scoped3A : memref<!tpu.dma_semaphore, #tpu.memory_space<semaphore_mem>>)
        %dma_wait3A_41 = arith.constant 0 : i32
        %dma_wait3A_42 = tpu.memref_slice %arg4[%add3A_30, %dma_wait3A_41] : memref<2500x128xi32, #tpu.memory_space<hbm>> -> memref<1x128xi32, #tpu.memory_space<hbm>>
        %dma_wait3A_43 = tpu.memref_squeeze %dma_wait3A_42 : memref<1x128xi32, #tpu.memory_space<hbm>> -> memref<128xi32, #tpu.memory_space<hbm>>
        %dma_wait3A_44 = arith.constant 0 : i32
        %dma_wait3A_45 = tpu.memref_slice %arg4[%add3A_30, %dma_wait3A_44] : memref<2500x128xi32, #tpu.memory_space<hbm>> -> memref<1x128xi32, #tpu.memory_space<hbm>>
        %dma_wait3A_46 = tpu.memref_squeeze %dma_wait3A_45 : memref<1x128xi32, #tpu.memory_space<hbm>> -> memref<128xi32, #tpu.memory_space<hbm>>
        tpu.wait_dma2 semaphore(%run_scoped3A : memref<!tpu.dma_semaphore, #tpu.memory_space<semaphore_mem>>) src(%dma_wait3A_46 : memref<128xi32, #tpu.memory_space<hbm>>) dst(%arg10 : memref<128xi32, #tpu.memory_space<vmem>>)
        tpu.yield
      }) : () -> ()
      %dma_start3A = arith.constant 0 : i32
      %dma_start3A_31 = arith.constant 0 : i32
      %dma_start3A_32 = tpu.memref_slice %arg2[%dma_start3A, %dma_start3A_31] : memref<5120x128xf32, #tpu.memory_space<hbm>> -> memref<5120x128xf32, #tpu.memory_space<hbm>>
      tpu.enqueue_indirect_dma source(%dma_start3A_32 : memref<5120x128xf32, #tpu.memory_space<hbm>>) target(%arg11 : memref<128x128xf32, #tpu.memory_space<vmem>>) offsets(%arg9 : memref<128xi32, #tpu.memory_space<vmem>>) semaphore(%arg14 : memref<!tpu.dma_semaphore, #tpu.memory_space<semaphore_mem>>)
      %dma_wait3A = arith.constant 0 : i32
      %dma_wait3A_33 = arith.constant 0 : i32
      %dma_wait3A_34 = tpu.memref_slice %arg2[%dma_wait3A, %dma_wait3A_33] : memref<5120x128xf32, #tpu.memory_space<hbm>> -> memref<5120x128xf32, #tpu.memory_space<hbm>>
      tpu.wait_indirect_dma semaphore(%arg14 : memref<!tpu.dma_semaphore, #tpu.memory_space<semaphore_mem>>) src(%dma_wait3A_34 : memref<5120x128xf32, #tpu.memory_space<hbm>>) dst(%arg11 : memref<128x128xf32, #tpu.memory_space<vmem>>)
      "tpu.region"() ({
        %run_scoped3A = tpu.sem_alloc : memref<!tpu.dma_semaphore, #tpu.memory_space<semaphore_mem>>
        %dma_start3A_35 = arith.constant 0 : i32
        %dma_start3A_36 = arith.constant 0 : i32
        %dma_start3A_37 = tpu.memref_slice %arg13[%dma_start3A_35, %dma_start3A_36] : memref<10240x128xf32, #tpu.memory_space<vmem_shared>> -> memref<10240x128xf32, #tpu.memory_space<vmem_shared>>
        tpu.enqueue_indirect_dma source(%arg11 : memref<128x128xf32, #tpu.memory_space<vmem>>) target(%dma_start3A_37 : memref<10240x128xf32, #tpu.memory_space<vmem_shared>>) offsets(%arg10 : memref<128xi32, #tpu.memory_space<vmem>>) semaphore(%run_scoped3A : memref<!tpu.dma_semaphore, #tpu.memory_space<semaphore_mem>>) {add = true}
        %dma_wait3A_38 = arith.constant 0 : i32
        %dma_wait3A_39 = arith.constant 0 : i32
        %dma_wait3A_40 = tpu.memref_slice %arg13[%dma_wait3A_38, %dma_wait3A_39] : memref<10240x128xf32, #tpu.memory_space<vmem_shared>> -> memref<10240x128xf32, #tpu.memory_space<vmem_shared>>
        tpu.wait_indirect_dma semaphore(%run_scoped3A : memref<!tpu.dma_semaphore, #tpu.memory_space<semaphore_mem>>) src(%arg11 : memref<128x128xf32, #tpu.memory_space<vmem>>) dst(%dma_wait3A_40 : memref<10240x128xf32, #tpu.memory_space<vmem_shared>>)
        tpu.yield
      }) : () -> ()
    }
    %scan3A_15 = arith.constant 78 : i32
    %lt3A = arith.constant 4 : i32
    %lt3A_16 = arith.cmpi slt, %add3A, %lt3A : i32
    %convert_element_type3A = arith.extui %lt3A_16 : i1 to i32
    %cond3A = arith.constant 0 : i32
    %cond3A_17 = arith.cmpi ne, %convert_element_type3A, %cond3A : i32
    scf.if %cond3A_17 {
      %add3A_27 = arith.constant 2496 : i32
      %add3A_28 = arith.addi %add3A_27, %add3A : i32
      "tpu.region"() ({
        %run_scoped3A = tpu.sem_alloc : memref<!tpu.dma_semaphore, #tpu.memory_space<semaphore_mem>>
        %dma_start3A_33 = arith.constant 0 : i32
        %dma_start3A_34 = tpu.memref_slice %arg3[%add3A_28, %dma_start3A_33] : memref<2500x128xi32, #tpu.memory_space<hbm>> -> memref<1x128xi32, #tpu.memory_space<hbm>>
        %dma_start3A_35 = tpu.memref_squeeze %dma_start3A_34 : memref<1x128xi32, #tpu.memory_space<hbm>> -> memref<128xi32, #tpu.memory_space<hbm>>
        %dma_start3A_36 = arith.constant 0 : i32
        %dma_start3A_37 = tpu.memref_slice %arg3[%add3A_28, %dma_start3A_36] : memref<2500x128xi32, #tpu.memory_space<hbm>> -> memref<1x128xi32, #tpu.memory_space<hbm>>
        %dma_start3A_38 = tpu.memref_squeeze %dma_start3A_37 : memref<1x128xi32, #tpu.memory_space<hbm>> -> memref<128xi32, #tpu.memory_space<hbm>>
        tpu.enqueue_dma source(%dma_start3A_38 : memref<128xi32, #tpu.memory_space<hbm>>) target(%arg9 : memref<128xi32, #tpu.memory_space<vmem>>) target_semaphore(%run_scoped3A : memref<!tpu.dma_semaphore, #tpu.memory_space<semaphore_mem>>)
        %dma_wait3A_39 = arith.constant 0 : i32
        %dma_wait3A_40 = tpu.memref_slice %arg3[%add3A_28, %dma_wait3A_39] : memref<2500x128xi32, #tpu.memory_space<hbm>> -> memref<1x128xi32, #tpu.memory_space<hbm>>
        %dma_wait3A_41 = tpu.memref_squeeze %dma_wait3A_40 : memref<1x128xi32, #tpu.memory_space<hbm>> -> memref<128xi32, #tpu.memory_space<hbm>>
        %dma_wait3A_42 = arith.constant 0 : i32
        %dma_wait3A_43 = tpu.memref_slice %arg3[%add3A_28, %dma_wait3A_42] : memref<2500x128xi32, #tpu.memory_space<hbm>> -> memref<1x128xi32, #tpu.memory_space<hbm>>
        %dma_wait3A_44 = tpu.memref_squeeze %dma_wait3A_43 : memref<1x128xi32, #tpu.memory_space<hbm>> -> memref<128xi32, #tpu.memory_space<hbm>>
        tpu.wait_dma2 semaphore(%run_scoped3A : memref<!tpu.dma_semaphore, #tpu.memory_space<semaphore_mem>>) src(%dma_wait3A_44 : memref<128xi32, #tpu.memory_space<hbm>>) dst(%arg9 : memref<128xi32, #tpu.memory_space<vmem>>)
        tpu.yield
      }) : () -> ()
      "tpu.region"() ({
        %run_scoped3A = tpu.sem_alloc : memref<!tpu.dma_semaphore, #tpu.memory_space<semaphore_mem>>
        %dma_start3A_33 = arith.constant 0 : i32
        %dma_start3A_34 = tpu.memref_slice %arg4[%add3A_28, %dma_start3A_33] : memref<2500x128xi32, #tpu.memory_space<hbm>> -> memref<1x128xi32, #tpu.memory_space<hbm>>
        %dma_start3A_35 = tpu.memref_squeeze %dma_start3A_34 : memref<1x128xi32, #tpu.memory_space<hbm>> -> memref<128xi32, #tpu.memory_space<hbm>>
        %dma_start3A_36 = arith.constant 0 : i32
        %dma_start3A_37 = tpu.memref_slice %arg4[%add3A_28, %dma_start3A_36] : memref<2500x128xi32, #tpu.memory_space<hbm>> -> memref<1x128xi32, #tpu.memory_space<hbm>>
        %dma_start3A_38 = tpu.memref_squeeze %dma_start3A_37 : memref<1x128xi32, #tpu.memory_space<hbm>> -> memref<128xi32, #tpu.memory_space<hbm>>
        tpu.enqueue_dma source(%dma_start3A_38 : memref<128xi32, #tpu.memory_space<hbm>>) target(%arg10 : memref<128xi32, #tpu.memory_space<vmem>>) target_semaphore(%run_scoped3A : memref<!tpu.dma_semaphore, #tpu.memory_space<semaphore_mem>>)
        %dma_wait3A_39 = arith.constant 0 : i32
        %dma_wait3A_40 = tpu.memref_slice %arg4[%add3A_28, %dma_wait3A_39] : memref<2500x128xi32, #tpu.memory_space<hbm>> -> memref<1x128xi32, #tpu.memory_space<hbm>>
        %dma_wait3A_41 = tpu.memref_squeeze %dma_wait3A_40 : memref<1x128xi32, #tpu.memory_space<hbm>> -> memref<128xi32, #tpu.memory_space<hbm>>
        %dma_wait3A_42 = arith.constant 0 : i32
        %dma_wait3A_43 = tpu.memref_slice %arg4[%add3A_28, %dma_wait3A_42] : memref<2500x128xi32, #tpu.memory_space<hbm>> -> memref<1x128xi32, #tpu.memory_space<hbm>>
        %dma_wait3A_44 = tpu.memref_squeeze %dma_wait3A_43 : memref<1x128xi32, #tpu.memory_space<hbm>> -> memref<128xi32, #tpu.memory_space<hbm>>
        tpu.wait_dma2 semaphore(%run_scoped3A : memref<!tpu.dma_semaphore, #tpu.memory_space<semaphore_mem>>) src(%dma_wait3A_44 : memref<128xi32, #tpu.memory_space<hbm>>) dst(%arg10 : memref<128xi32, #tpu.memory_space<vmem>>)
        tpu.yield
      }) : () -> ()
      %dma_start3A = arith.constant 0 : i32
      %dma_start3A_29 = arith.constant 0 : i32
      %dma_start3A_30 = tpu.memref_slice %arg2[%dma_start3A, %dma_start3A_29] : memref<5120x128xf32, #tpu.memory_space<hbm>> -> memref<5120x128xf32, #tpu.memory_space<hbm>>
      tpu.enqueue_indirect_dma source(%dma_start3A_30 : memref<5120x128xf32, #tpu.memory_space<hbm>>) target(%arg11 : memref<128x128xf32, #tpu.memory_space<vmem>>) offsets(%arg9 : memref<128xi32, #tpu.memory_space<vmem>>) semaphore(%arg14 : memref<!tpu.dma_semaphore, #tpu.memory_space<semaphore_mem>>)
      %dma_wait3A = arith.constant 0 : i32
      %dma_wait3A_31 = arith.constant 0 : i32
      %dma_wait3A_32 = tpu.memref_slice %arg2[%dma_wait3A, %dma_wait3A_31] : memref<5120x128xf32, #tpu.memory_space<hbm>> -> memref<5120x128xf32, #tpu.memory_space<hbm>>
      tpu.wait_indirect_dma semaphore(%arg14 : memref<!tpu.dma_semaphore, #tpu.memory_space<semaphore_mem>>) src(%dma_wait3A_32 : memref<5120x128xf32, #tpu.memory_space<hbm>>) dst(%arg11 : memref<128x128xf32, #tpu.memory_space<vmem>>)
      "tpu.region"() ({
        %run_scoped3A = tpu.sem_alloc : memref<!tpu.dma_semaphore, #tpu.memory_space<semaphore_mem>>
        %dma_start3A_33 = arith.constant 0 : i32
        %dma_start3A_34 = arith.constant 0 : i32
        %dma_start3A_35 = tpu.memref_slice %arg13[%dma_start3A_33, %dma_start3A_34] : memref<10240x128xf32, #tpu.memory_space<vmem_shared>> -> memref<10240x128xf32, #tpu.memory_space<vmem_shared>>
        tpu.enqueue_indirect_dma source(%arg11 : memref<128x128xf32, #tpu.memory_space<vmem>>) target(%dma_start3A_35 : memref<10240x128xf32, #tpu.memory_space<vmem_shared>>) offsets(%arg10 : memref<128xi32, #tpu.memory_space<vmem>>) semaphore(%run_scoped3A : memref<!tpu.dma_semaphore, #tpu.memory_space<semaphore_mem>>) {add = true}
        %dma_wait3A_36 = arith.constant 0 : i32
        %dma_wait3A_37 = arith.constant 0 : i32
        %dma_wait3A_38 = tpu.memref_slice %arg13[%dma_wait3A_36, %dma_wait3A_37] : memref<10240x128xf32, #tpu.memory_space<vmem_shared>> -> memref<10240x128xf32, #tpu.memory_space<vmem_shared>>
        tpu.wait_indirect_dma semaphore(%run_scoped3A : memref<!tpu.dma_semaphore, #tpu.memory_space<semaphore_mem>>) src(%arg11 : memref<128x128xf32, #tpu.memory_space<vmem>>) dst(%dma_wait3A_38 : memref<10240x128xf32, #tpu.memory_space<vmem_shared>>)
        tpu.yield
      }) : () -> ()
    } else {
    }
    %barrier3A_18 = arith.constant 0 : index
    tpu.barrier barrier_id(%barrier3A_18)
    %add3A_19 = arith.constant 0 : i32
    %add3A_20 = arith.addi %mul3A_2, %add3A_19 : i32
    "tpu.region"() ({
      %run_scoped3A = tpu.sem_alloc : memref<!tpu.dma_semaphore, #tpu.memory_space<semaphore_mem>>
      %dma_start3A = arith.constant 0 : i32
      %dma_start3A_27 = tpu.memref_slice %arg13[%add3A_20, %dma_start3A] : memref<10240x128xf32, #tpu.memory_space<vmem_shared>> -> memref<160x128xf32, #tpu.memory_space<vmem_shared>>
      %dma_start3A_28 = arith.constant 0 : i32
      %dma_start3A_29 = tpu.memref_slice %arg13[%add3A_20, %dma_start3A_28] : memref<10240x128xf32, #tpu.memory_space<vmem_shared>> -> memref<160x128xf32, #tpu.memory_space<vmem_shared>>
      tpu.enqueue_dma source(%dma_start3A_29 : memref<160x128xf32, #tpu.memory_space<vmem_shared>>) target(%arg12 : memref<160x128xf32, #tpu.memory_space<vmem>>) target_semaphore(%run_scoped3A : memref<!tpu.dma_semaphore, #tpu.memory_space<semaphore_mem>>)
      %dma_wait3A = arith.constant 0 : i32
      %dma_wait3A_30 = tpu.memref_slice %arg13[%add3A_20, %dma_wait3A] : memref<10240x128xf32, #tpu.memory_space<vmem_shared>> -> memref<160x128xf32, #tpu.memory_space<vmem_shared>>
      %dma_wait3A_31 = arith.constant 0 : i32
      %dma_wait3A_32 = tpu.memref_slice %arg13[%add3A_20, %dma_wait3A_31] : memref<10240x128xf32, #tpu.memory_space<vmem_shared>> -> memref<160x128xf32, #tpu.memory_space<vmem_shared>>
      tpu.wait_dma2 semaphore(%run_scoped3A : memref<!tpu.dma_semaphore, #tpu.memory_space<semaphore_mem>>) src(%dma_wait3A_32 : memref<160x128xf32, #tpu.memory_space<vmem_shared>>) dst(%arg12 : memref<160x128xf32, #tpu.memory_space<vmem>>)
      tpu.yield
    }) : () -> ()
    "tpu.region"() ({
      %run_scoped3A = tpu.sem_alloc : memref<!tpu.dma_semaphore, #tpu.memory_space<semaphore_mem>>
      %dma_start3A = arith.constant 0 : i32
      %dma_start3A_27 = tpu.memref_slice %arg8[%arg0, %add3A_20, %dma_start3A] : memref<2x10240x128xf32, #tpu.memory_space<hbm>> -> memref<1x160x128xf32, #tpu.memory_space<hbm>>
      %dma_start3A_28 = tpu.memref_squeeze %dma_start3A_27 : memref<1x160x128xf32, #tpu.memory_space<hbm>> -> memref<160x128xf32, #tpu.memory_space<hbm>>
      %dma_start3A_29 = arith.constant 0 : i32
      %dma_start3A_30 = tpu.memref_slice %arg8[%arg0, %add3A_20, %dma_start3A_29] : memref<2x10240x128xf32, #tpu.memory_space<hbm>> -> memref<1x160x128xf32, #tpu.memory_space<hbm>>
      %dma_start3A_31 = tpu.memref_squeeze %dma_start3A_30 : memref<1x160x128xf32, #tpu.memory_space<hbm>> -> memref<160x128xf32, #tpu.memory_space<hbm>>
      tpu.enqueue_dma source(%arg12 : memref<160x128xf32, #tpu.memory_space<vmem>>) target(%dma_start3A_31 : memref<160x128xf32, #tpu.memory_space<hbm>>) target_semaphore(%run_scoped3A : memref<!tpu.dma_semaphore, #tpu.memory_space<semaphore_mem>>)
      %dma_wait3A = arith.constant 0 : i32
      %dma_wait3A_32 = tpu.memref_slice %arg8[%arg0, %add3A_20, %dma_wait3A] : memref<2x10240x128xf32, #tpu.memory_space<hbm>> -> memref<1x160x128xf32, #tpu.memory_space<hbm>>
      %dma_wait3A_33 = tpu.memref_squeeze %dma_wait3A_32 : memref<1x160x128xf32, #tpu.memory_space<hbm>> -> memref<160x128xf32, #tpu.memory_space<hbm>>
      %dma_wait3A_34 = arith.constant 0 : i32
      %dma_wait3A_35 = tpu.memref_slice %arg8[%arg0, %add3A_20, %dma_wait3A_34] : memref<2x10240x128xf32, #tpu.memory_space<hbm>> -> memref<1x160x128xf32, #tpu.memory_space<hbm>>
      %dma_wait3A_36 = tpu.memref_squeeze %dma_wait3A_35 : memref<1x160x128xf32, #tpu.memory_space<hbm>> -> memref<160x128xf32, #tpu.memory_space<hbm>>
      tpu.wait_dma2 semaphore(%run_scoped3A : memref<!tpu.dma_semaphore, #tpu.memory_space<semaphore_mem>>) src(%arg12 : memref<160x128xf32, #tpu.memory_space<vmem>>) dst(%dma_wait3A_36 : memref<160x128xf32, #tpu.memory_space<hbm>>)
      tpu.yield
    }) : () -> ()
    %add3A_21 = arith.constant 160 : i32
    %add3A_22 = arith.addi %mul3A_2, %add3A_21 : i32
    "tpu.region"() ({
      %run_scoped3A = tpu.sem_alloc : memref<!tpu.dma_semaphore, #tpu.memory_space<semaphore_mem>>
      %dma_start3A = arith.constant 0 : i32
      %dma_start3A_27 = tpu.memref_slice %arg13[%add3A_22, %dma_start3A] : memref<10240x128xf32, #tpu.memory_space<vmem_shared>> -> memref<160x128xf32, #tpu.memory_space<vmem_shared>>
      %dma_start3A_28 = arith.constant 0 : i32
      %dma_start3A_29 = tpu.memref_slice %arg13[%add3A_22, %dma_start3A_28] : memref<10240x128xf32, #tpu.memory_space<vmem_shared>> -> memref<160x128xf32, #tpu.memory_space<vmem_shared>>
      tpu.enqueue_dma source(%dma_start3A_29 : memref<160x128xf32, #tpu.memory_space<vmem_shared>>) target(%arg12 : memref<160x128xf32, #tpu.memory_space<vmem>>) target_semaphore(%run_scoped3A : memref<!tpu.dma_semaphore, #tpu.memory_space<semaphore_mem>>)
      %dma_wait3A = arith.constant 0 : i32
      %dma_wait3A_30 = tpu.memref_slice %arg13[%add3A_22, %dma_wait3A] : memref<10240x128xf32, #tpu.memory_space<vmem_shared>> -> memref<160x128xf32, #tpu.memory_space<vmem_shared>>
      %dma_wait3A_31 = arith.constant 0 : i32
      %dma_wait3A_32 = tpu.memref_slice %arg13[%add3A_22, %dma_wait3A_31] : memref<10240x128xf32, #tpu.memory_space<vmem_shared>> -> memref<160x128xf32, #tpu.memory_space<vmem_shared>>
      tpu.wait_dma2 semaphore(%run_scoped3A : memref<!tpu.dma_semaphore, #tpu.memory_space<semaphore_mem>>) src(%dma_wait3A_32 : memref<160x128xf32, #tpu.memory_space<vmem_shared>>) dst(%arg12 : memref<160x128xf32, #tpu.memory_space<vmem>>)
      tpu.yield
    }) : () -> ()
    "tpu.region"() ({
      %run_scoped3A = tpu.sem_alloc : memref<!tpu.dma_semaphore, #tpu.memory_space<semaphore_mem>>
      %dma_start3A = arith.constant 0 : i32
      %dma_start3A_27 = tpu.memref_slice %arg8[%arg0, %add3A_22, %dma_start3A] : memref<2x10240x128xf32, #tpu.memory_space<hbm>> -> memref<1x160x128xf32, #tpu.memory_space<hbm>>
      %dma_start3A_28 = tpu.memref_squeeze %dma_start3A_27 : memref<1x160x128xf32, #tpu.memory_space<hbm>> -> memref<160x128xf32, #tpu.memory_space<hbm>>
      %dma_start3A_29 = arith.constant 0 : i32
      %dma_start3A_30 = tpu.memref_slice %arg8[%arg0, %add3A_22, %dma_start3A_29] : memref<2x10240x128xf32, #tpu.memory_space<hbm>> -> memref<1x160x128xf32, #tpu.memory_space<hbm>>
      %dma_start3A_31 = tpu.memref_squeeze %dma_start3A_30 : memref<1x160x128xf32, #tpu.memory_space<hbm>> -> memref<160x128xf32, #tpu.memory_space<hbm>>
      tpu.enqueue_dma source(%arg12 : memref<160x128xf32, #tpu.memory_space<vmem>>) target(%dma_start3A_31 : memref<160x128xf32, #tpu.memory_space<hbm>>) target_semaphore(%run_scoped3A : memref<!tpu.dma_semaphore, #tpu.memory_space<semaphore_mem>>)
      %dma_wait3A = arith.constant 0 : i32
      %dma_wait3A_32 = tpu.memref_slice %arg8[%arg0, %add3A_22, %dma_wait3A] : memref<2x10240x128xf32, #tpu.memory_space<hbm>> -> memref<1x160x128xf32, #tpu.memory_space<hbm>>
      %dma_wait3A_33 = tpu.memref_squeeze %dma_wait3A_32 : memref<1x160x128xf32, #tpu.memory_space<hbm>> -> memref<160x128xf32, #tpu.memory_space<hbm>>
      %dma_wait3A_34 = arith.constant 0 : i32
      %dma_wait3A_35 = tpu.memref_slice %arg8[%arg0, %add3A_22, %dma_wait3A_34] : memref<2x10240x128xf32, #tpu.memory_space<hbm>> -> memref<1x160x128xf32, #tpu.memory_space<hbm>>
      %dma_wait3A_36 = tpu.memref_squeeze %dma_wait3A_35 : memref<1x160x128xf32, #tpu.memory_space<hbm>> -> memref<160x128xf32, #tpu.memory_space<hbm>>
      tpu.wait_dma2 semaphore(%run_scoped3A : memref<!tpu.dma_semaphore, #tpu.memory_space<semaphore_mem>>) src(%arg12 : memref<160x128xf32, #tpu.memory_space<vmem>>) dst(%dma_wait3A_36 : memref<160x128xf32, #tpu.memory_space<hbm>>)
      tpu.yield
    }) : () -> ()
    %add3A_23 = arith.constant 320 : i32
    %add3A_24 = arith.addi %mul3A_2, %add3A_23 : i32
    "tpu.region"() ({
      %run_scoped3A = tpu.sem_alloc : memref<!tpu.dma_semaphore, #tpu.memory_space<semaphore_mem>>
      %dma_start3A = arith.constant 0 : i32
      %dma_start3A_27 = tpu.memref_slice %arg13[%add3A_24, %dma_start3A] : memref<10240x128xf32, #tpu.memory_space<vmem_shared>> -> memref<160x128xf32, #tpu.memory_space<vmem_shared>>
      %dma_start3A_28 = arith.constant 0 : i32
      %dma_start3A_29 = tpu.memref_slice %arg13[%add3A_24, %dma_start3A_28] : memref<10240x128xf32, #tpu.memory_space<vmem_shared>> -> memref<160x128xf32, #tpu.memory_space<vmem_shared>>
      tpu.enqueue_dma source(%dma_start3A_29 : memref<160x128xf32, #tpu.memory_space<vmem_shared>>) target(%arg12 : memref<160x128xf32, #tpu.memory_space<vmem>>) target_semaphore(%run_scoped3A : memref<!tpu.dma_semaphore, #tpu.memory_space<semaphore_mem>>)
      %dma_wait3A = arith.constant 0 : i32
      %dma_wait3A_30 = tpu.memref_slice %arg13[%add3A_24, %dma_wait3A] : memref<10240x128xf32, #tpu.memory_space<vmem_shared>> -> memref<160x128xf32, #tpu.memory_space<vmem_shared>>
      %dma_wait3A_31 = arith.constant 0 : i32
      %dma_wait3A_32 = tpu.memref_slice %arg13[%add3A_24, %dma_wait3A_31] : memref<10240x128xf32, #tpu.memory_space<vmem_shared>> -> memref<160x128xf32, #tpu.memory_space<vmem_shared>>
      tpu.wait_dma2 semaphore(%run_scoped3A : memref<!tpu.dma_semaphore, #tpu.memory_space<semaphore_mem>>) src(%dma_wait3A_32 : memref<160x128xf32, #tpu.memory_space<vmem_shared>>) dst(%arg12 : memref<160x128xf32, #tpu.memory_space<vmem>>)
      tpu.yield
    }) : () -> ()
    "tpu.region"() ({
      %run_scoped3A = tpu.sem_alloc : memref<!tpu.dma_semaphore, #tpu.memory_space<semaphore_mem>>
      %dma_start3A = arith.constant 0 : i32
      %dma_start3A_27 = tpu.memref_slice %arg8[%arg0, %add3A_24, %dma_start3A] : memref<2x10240x128xf32, #tpu.memory_space<hbm>> -> memref<1x160x128xf32, #tpu.memory_space<hbm>>
      %dma_start3A_28 = tpu.memref_squeeze %dma_start3A_27 : memref<1x160x128xf32, #tpu.memory_space<hbm>> -> memref<160x128xf32, #tpu.memory_space<hbm>>
      %dma_start3A_29 = arith.constant 0 : i32
      %dma_start3A_30 = tpu.memref_slice %arg8[%arg0, %add3A_24, %dma_start3A_29] : memref<2x10240x128xf32, #tpu.memory_space<hbm>> -> memref<1x160x128xf32, #tpu.memory_space<hbm>>
      %dma_start3A_31 = tpu.memref_squeeze %dma_start3A_30 : memref<1x160x128xf32, #tpu.memory_space<hbm>> -> memref<160x128xf32, #tpu.memory_space<hbm>>
      tpu.enqueue_dma source(%arg12 : memref<160x128xf32, #tpu.memory_space<vmem>>) target(%dma_start3A_31 : memref<160x128xf32, #tpu.memory_space<hbm>>) target_semaphore(%run_scoped3A : memref<!tpu.dma_semaphore, #tpu.memory_space<semaphore_mem>>)
      %dma_wait3A = arith.constant 0 : i32
      %dma_wait3A_32 = tpu.memref_slice %arg8[%arg0, %add3A_24, %dma_wait3A] : memref<2x10240x128xf32, #tpu.memory_space<hbm>> -> memref<1x160x128xf32, #tpu.memory_space<hbm>>
      %dma_wait3A_33 = tpu.memref_squeeze %dma_wait3A_32 : memref<1x160x128xf32, #tpu.memory_space<hbm>> -> memref<160x128xf32, #tpu.memory_space<hbm>>
      %dma_wait3A_34 = arith.constant 0 : i32
      %dma_wait3A_35 = tpu.memref_slice %arg8[%arg0, %add3A_24, %dma_wait3A_34] : memref<2x10240x128xf32, #tpu.memory_space<hbm>> -> memref<1x160x128xf32, #tpu.memory_space<hbm>>
      %dma_wait3A_36 = tpu.memref_squeeze %dma_wait3A_35 : memref<1x160x128xf32, #tpu.memory_space<hbm>> -> memref<160x128xf32, #tpu.memory_space<hbm>>
      tpu.wait_dma2 semaphore(%run_scoped3A : memref<!tpu.dma_semaphore, #tpu.memory_space<semaphore_mem>>) src(%arg12 : memref<160x128xf32, #tpu.memory_space<vmem>>) dst(%dma_wait3A_36 : memref<160x128xf32, #tpu.memory_space<hbm>>)
      tpu.yield
    }) : () -> ()
    %add3A_25 = arith.constant 480 : i32
    %add3A_26 = arith.addi %mul3A_2, %add3A_25 : i32
    "tpu.region"() ({
      %run_scoped3A = tpu.sem_alloc : memref<!tpu.dma_semaphore, #tpu.memory_space<semaphore_mem>>
      %dma_start3A = arith.constant 0 : i32
      %dma_start3A_27 = tpu.memref_slice %arg13[%add3A_26, %dma_start3A] : memref<10240x128xf32, #tpu.memory_space<vmem_shared>> -> memref<160x128xf32, #tpu.memory_space<vmem_shared>>
      %dma_start3A_28 = arith.constant 0 : i32
      %dma_start3A_29 = tpu.memref_slice %arg13[%add3A_26, %dma_start3A_28] : memref<10240x128xf32, #tpu.memory_space<vmem_shared>> -> memref<160x128xf32, #tpu.memory_space<vmem_shared>>
      tpu.enqueue_dma source(%dma_start3A_29 : memref<160x128xf32, #tpu.memory_space<vmem_shared>>) target(%arg12 : memref<160x128xf32, #tpu.memory_space<vmem>>) target_semaphore(%run_scoped3A : memref<!tpu.dma_semaphore, #tpu.memory_space<semaphore_mem>>)
      %dma_wait3A = arith.constant 0 : i32
      %dma_wait3A_30 = tpu.memref_slice %arg13[%add3A_26, %dma_wait3A] : memref<10240x128xf32, #tpu.memory_space<vmem_shared>> -> memref<160x128xf32, #tpu.memory_space<vmem_shared>>
      %dma_wait3A_31 = arith.constant 0 : i32
      %dma_wait3A_32 = tpu.memref_slice %arg13[%add3A_26, %dma_wait3A_31] : memref<10240x128xf32, #tpu.memory_space<vmem_shared>> -> memref<160x128xf32, #tpu.memory_space<vmem_shared>>
      tpu.wait_dma2 semaphore(%run_scoped3A : memref<!tpu.dma_semaphore, #tpu.memory_space<semaphore_mem>>) src(%dma_wait3A_32 : memref<160x128xf32, #tpu.memory_space<vmem_shared>>) dst(%arg12 : memref<160x128xf32, #tpu.memory_space<vmem>>)
      tpu.yield
    }) : () -> ()
    "tpu.region"() ({
      %run_scoped3A = tpu.sem_alloc : memref<!tpu.dma_semaphore, #tpu.memory_space<semaphore_mem>>
      %dma_start3A = arith.constant 0 : i32
      %dma_start3A_27 = tpu.memref_slice %arg8[%arg0, %add3A_26, %dma_start3A] : memref<2x10240x128xf32, #tpu.memory_space<hbm>> -> memref<1x160x128xf32, #tpu.memory_space<hbm>>
      %dma_start3A_28 = tpu.memref_squeeze %dma_start3A_27 : memref<1x160x128xf32, #tpu.memory_space<hbm>> -> memref<160x128xf32, #tpu.memory_space<hbm>>
      %dma_start3A_29 = arith.constant 0 : i32
      %dma_start3A_30 = tpu.memref_slice %arg8[%arg0, %add3A_26, %dma_start3A_29] : memref<2x10240x128xf32, #tpu.memory_space<hbm>> -> memref<1x160x128xf32, #tpu.memory_space<hbm>>
      %dma_start3A_31 = tpu.memref_squeeze %dma_start3A_30 : memref<1x160x128xf32, #tpu.memory_space<hbm>> -> memref<160x128xf32, #tpu.memory_space<hbm>>
      tpu.enqueue_dma source(%arg12 : memref<160x128xf32, #tpu.memory_space<vmem>>) target(%dma_start3A_31 : memref<160x128xf32, #tpu.memory_space<hbm>>) target_semaphore(%run_scoped3A : memref<!tpu.dma_semaphore, #tpu.memory_space<semaphore_mem>>)
      %dma_wait3A = arith.constant 0 : i32
      %dma_wait3A_32 = tpu.memref_slice %arg8[%arg0, %add3A_26, %dma_wait3A] : memref<2x10240x128xf32, #tpu.memory_space<hbm>> -> memref<1x160x128xf32, #tpu.memory_space<hbm>>
      %dma_wait3A_33 = tpu.memref_squeeze %dma_wait3A_32 : memref<1x160x128xf32, #tpu.memory_space<hbm>> -> memref<160x128xf32, #tpu.memory_space<hbm>>
      %dma_wait3A_34 = arith.constant 0 : i32
      %dma_wait3A_35 = tpu.memref_slice %arg8[%arg0, %add3A_26, %dma_wait3A_34] : memref<2x10240x128xf32, #tpu.memory_space<hbm>> -> memref<1x160x128xf32, #tpu.memory_space<hbm>>
      %dma_wait3A_36 = tpu.memref_squeeze %dma_wait3A_35 : memref<1x160x128xf32, #tpu.memory_space<hbm>> -> memref<160x128xf32, #tpu.memory_space<hbm>>
      tpu.wait_dma2 semaphore(%run_scoped3A : memref<!tpu.dma_semaphore, #tpu.memory_space<semaphore_mem>>) src(%arg12 : memref<160x128xf32, #tpu.memory_space<vmem>>) dst(%dma_wait3A_36 : memref<160x128xf32, #tpu.memory_space<hbm>>)
      tpu.yield
    }) : () -> ()
    return
  }
}

#map = affine_map<(d0, d1) -> (0, 0)>
#map1 = affine_map<(d0, d1) -> (0)>
#map2 = affine_map<(d0, d1) -> (0, 0, 0)>
module attributes {stable_mosaic.version = 14 : i64} {
  func.func @body(%arg0: i32, %arg1: i32, %arg2: memref<5120x128xf32, #tpu.memory_space<hbm>>, %arg3: memref<2500x128xi32, #tpu.memory_space<hbm>>, %arg4: memref<2500x128xi32, #tpu.memory_space<hbm>>, %arg5: memref<160x128xf32, #tpu.memory_space<hbm>>, %arg6: memref<640xf32, #tpu.memory_space<hbm>>, %arg7: memref<128xf32, #tpu.memory_space<hbm>>, %arg8: memref<2x10240x128xf32, #tpu.memory_space<hbm>>, %arg9: memref<128xi32, #tpu.memory_space<vmem>>, %arg10: memref<128xi32, #tpu.memory_space<vmem>>, %arg11: memref<128x128xf32, #tpu.memory_space<vmem>>, %arg12: memref<160x128xf32, #tpu.memory_space<vmem>>, %arg13: memref<10240x128xf32, #tpu.memory_space<vmem_shared>>, %arg14: memref<!tpu.dma_semaphore, #tpu.memory_space<semaphore_mem>>) attributes {dimension_semantics = [#tpu.dimension_semantics<core_parallel>, #tpu.dimension_semantics<subcore_parallel>], iteration_bounds = array<i64: 2, 16>, scalar_prefetch = 0 : i64, scratch_operands = 6 : i64, tpu.core_type = #tpu.core_type<sc_vector_subcore>, window_params = [{transform_indices = #map}, {transform_indices = #map}, {transform_indices = #map}, {transform_indices = #map}, {transform_indices = #map1}, {transform_indices = #map1}, {transform_indices = #map2}]} {
    %mul3A = arith.constant 2 : i32
    %mul3A_0 = arith.muli %arg1, %mul3A : i32
    %add3A = arith.addi %mul3A_0, %arg0 : i32
    "tpu.region"() ({
      %run_scoped3A = tpu.sem_alloc : memref<!tpu.dma_semaphore, #tpu.memory_space<semaphore_mem>>
      tpu.enqueue_dma source(%arg5 : memref<160x128xf32, #tpu.memory_space<hbm>>) target(%arg12 : memref<160x128xf32, #tpu.memory_space<vmem>>) target_semaphore(%run_scoped3A : memref<!tpu.dma_semaphore, #tpu.memory_space<semaphore_mem>>)
      tpu.wait_dma2 semaphore(%run_scoped3A : memref<!tpu.dma_semaphore, #tpu.memory_space<semaphore_mem>>) src(%arg5 : memref<160x128xf32, #tpu.memory_space<hbm>>) dst(%arg12 : memref<160x128xf32, #tpu.memory_space<vmem>>)
      tpu.yield
    }) : () -> ()
    %mul3A_1 = arith.constant 640 : i32
    %mul3A_2 = arith.muli %arg1, %mul3A_1 : i32
    %add3A_3 = arith.constant 0 : i32
    %add3A_4 = arith.addi %mul3A_2, %add3A_3 : i32
    "tpu.region"() ({
      %run_scoped3A = tpu.sem_alloc : memref<!tpu.dma_semaphore, #tpu.memory_space<semaphore_mem>>
      %dma_start3A = arith.constant 0 : i32
      %dma_start3A_27 = tpu.memref_slice %arg13[%add3A_4, %dma_start3A] : memref<10240x128xf32, #tpu.memory_space<vmem_shared>> -> memref<160x128xf32, #tpu.memory_space<vmem_shared>>
      %dma_start3A_28 = arith.constant 0 : i32
      %dma_start3A_29 = tpu.memref_slice %arg13[%add3A_4, %dma_start3A_28] : memref<10240x128xf32, #tpu.memory_space<vmem_shared>> -> memref<160x128xf32, #tpu.memory_space<vmem_shared>>
      tpu.enqueue_dma source(%arg12 : memref<160x128xf32, #tpu.memory_space<vmem>>) target(%dma_start3A_29 : memref<160x128xf32, #tpu.memory_space<vmem_shared>>) target_semaphore(%run_scoped3A : memref<!tpu.dma_semaphore, #tpu.memory_space<semaphore_mem>>)
      %dma_wait3A = arith.constant 0 : i32
      %dma_wait3A_30 = tpu.memref_slice %arg13[%add3A_4, %dma_wait3A] : memref<10240x128xf32, #tpu.memory_space<vmem_shared>> -> memref<160x128xf32, #tpu.memory_space<vmem_shared>>
      %dma_wait3A_31 = arith.constant 0 : i32
      %dma_wait3A_32 = tpu.memref_slice %arg13[%add3A_4, %dma_wait3A_31] : memref<10240x128xf32, #tpu.memory_space<vmem_shared>> -> memref<160x128xf32, #tpu.memory_space<vmem_shared>>
      tpu.wait_dma2 semaphore(%run_scoped3A : memref<!tpu.dma_semaphore, #tpu.memory_space<semaphore_mem>>) src(%arg12 : memref<160x128xf32, #tpu.memory_space<vmem>>) dst(%dma_wait3A_32 : memref<160x128xf32, #tpu.memory_space<vmem_shared>>)
      tpu.yield
    }) : () -> ()
    %add3A_5 = arith.constant 160 : i32
    %add3A_6 = arith.addi %mul3A_2, %add3A_5 : i32
    "tpu.region"() ({
      %run_scoped3A = tpu.sem_alloc : memref<!tpu.dma_semaphore, #tpu.memory_space<semaphore_mem>>
      %dma_start3A = arith.constant 0 : i32
      %dma_start3A_27 = tpu.memref_slice %arg13[%add3A_6, %dma_start3A] : memref<10240x128xf32, #tpu.memory_space<vmem_shared>> -> memref<160x128xf32, #tpu.memory_space<vmem_shared>>
      %dma_start3A_28 = arith.constant 0 : i32
      %dma_start3A_29 = tpu.memref_slice %arg13[%add3A_6, %dma_start3A_28] : memref<10240x128xf32, #tpu.memory_space<vmem_shared>> -> memref<160x128xf32, #tpu.memory_space<vmem_shared>>
      tpu.enqueue_dma source(%arg12 : memref<160x128xf32, #tpu.memory_space<vmem>>) target(%dma_start3A_29 : memref<160x128xf32, #tpu.memory_space<vmem_shared>>) target_semaphore(%run_scoped3A : memref<!tpu.dma_semaphore, #tpu.memory_space<semaphore_mem>>)
      %dma_wait3A = arith.constant 0 : i32
      %dma_wait3A_30 = tpu.memref_slice %arg13[%add3A_6, %dma_wait3A] : memref<10240x128xf32, #tpu.memory_space<vmem_shared>> -> memref<160x128xf32, #tpu.memory_space<vmem_shared>>
      %dma_wait3A_31 = arith.constant 0 : i32
      %dma_wait3A_32 = tpu.memref_slice %arg13[%add3A_6, %dma_wait3A_31] : memref<10240x128xf32, #tpu.memory_space<vmem_shared>> -> memref<160x128xf32, #tpu.memory_space<vmem_shared>>
      tpu.wait_dma2 semaphore(%run_scoped3A : memref<!tpu.dma_semaphore, #tpu.memory_space<semaphore_mem>>) src(%arg12 : memref<160x128xf32, #tpu.memory_space<vmem>>) dst(%dma_wait3A_32 : memref<160x128xf32, #tpu.memory_space<vmem_shared>>)
      tpu.yield
    }) : () -> ()
    %add3A_7 = arith.constant 320 : i32
    %add3A_8 = arith.addi %mul3A_2, %add3A_7 : i32
    "tpu.region"() ({
      %run_scoped3A = tpu.sem_alloc : memref<!tpu.dma_semaphore, #tpu.memory_space<semaphore_mem>>
      %dma_start3A = arith.constant 0 : i32
      %dma_start3A_27 = tpu.memref_slice %arg13[%add3A_8, %dma_start3A] : memref<10240x128xf32, #tpu.memory_space<vmem_shared>> -> memref<160x128xf32, #tpu.memory_space<vmem_shared>>
      %dma_start3A_28 = arith.constant 0 : i32
      %dma_start3A_29 = tpu.memref_slice %arg13[%add3A_8, %dma_start3A_28] : memref<10240x128xf32, #tpu.memory_space<vmem_shared>> -> memref<160x128xf32, #tpu.memory_space<vmem_shared>>
      tpu.enqueue_dma source(%arg12 : memref<160x128xf32, #tpu.memory_space<vmem>>) target(%dma_start3A_29 : memref<160x128xf32, #tpu.memory_space<vmem_shared>>) target_semaphore(%run_scoped3A : memref<!tpu.dma_semaphore, #tpu.memory_space<semaphore_mem>>)
      %dma_wait3A = arith.constant 0 : i32
      %dma_wait3A_30 = tpu.memref_slice %arg13[%add3A_8, %dma_wait3A] : memref<10240x128xf32, #tpu.memory_space<vmem_shared>> -> memref<160x128xf32, #tpu.memory_space<vmem_shared>>
      %dma_wait3A_31 = arith.constant 0 : i32
      %dma_wait3A_32 = tpu.memref_slice %arg13[%add3A_8, %dma_wait3A_31] : memref<10240x128xf32, #tpu.memory_space<vmem_shared>> -> memref<160x128xf32, #tpu.memory_space<vmem_shared>>
      tpu.wait_dma2 semaphore(%run_scoped3A : memref<!tpu.dma_semaphore, #tpu.memory_space<semaphore_mem>>) src(%arg12 : memref<160x128xf32, #tpu.memory_space<vmem>>) dst(%dma_wait3A_32 : memref<160x128xf32, #tpu.memory_space<vmem_shared>>)
      tpu.yield
    }) : () -> ()
    %add3A_9 = arith.constant 480 : i32
    %add3A_10 = arith.addi %mul3A_2, %add3A_9 : i32
    "tpu.region"() ({
      %run_scoped3A = tpu.sem_alloc : memref<!tpu.dma_semaphore, #tpu.memory_space<semaphore_mem>>
      %dma_start3A = arith.constant 0 : i32
      %dma_start3A_27 = tpu.memref_slice %arg13[%add3A_10, %dma_start3A] : memref<10240x128xf32, #tpu.memory_space<vmem_shared>> -> memref<160x128xf32, #tpu.memory_space<vmem_shared>>
      %dma_start3A_28 = arith.constant 0 : i32
      %dma_start3A_29 = tpu.memref_slice %arg13[%add3A_10, %dma_start3A_28] : memref<10240x128xf32, #tpu.memory_space<vmem_shared>> -> memref<160x128xf32, #tpu.memory_space<vmem_shared>>
      tpu.enqueue_dma source(%arg12 : memref<160x128xf32, #tpu.memory_space<vmem>>) target(%dma_start3A_29 : memref<160x128xf32, #tpu.memory_space<vmem_shared>>) target_semaphore(%run_scoped3A : memref<!tpu.dma_semaphore, #tpu.memory_space<semaphore_mem>>)
      %dma_wait3A = arith.constant 0 : i32
      %dma_wait3A_30 = tpu.memref_slice %arg13[%add3A_10, %dma_wait3A] : memref<10240x128xf32, #tpu.memory_space<vmem_shared>> -> memref<160x128xf32, #tpu.memory_space<vmem_shared>>
      %dma_wait3A_31 = arith.constant 0 : i32
      %dma_wait3A_32 = tpu.memref_slice %arg13[%add3A_10, %dma_wait3A_31] : memref<10240x128xf32, #tpu.memory_space<vmem_shared>> -> memref<160x128xf32, #tpu.memory_space<vmem_shared>>
      tpu.wait_dma2 semaphore(%run_scoped3A : memref<!tpu.dma_semaphore, #tpu.memory_space<semaphore_mem>>) src(%arg12 : memref<160x128xf32, #tpu.memory_space<vmem>>) dst(%dma_wait3A_32 : memref<160x128xf32, #tpu.memory_space<vmem_shared>>)
      tpu.yield
    }) : () -> ()
    %barrier3A = arith.constant 0 : index
    tpu.barrier barrier_id(%barrier3A)
    %scan3A = arith.constant 0 : i32
    %scan3A_11 = arith.constant 0 : i32
    %scan3A_12 = arith.constant 78 : i32
    %scan3A_13 = arith.addi %scan3A_11, %scan3A_12 : i32
    %scan3A_14 = arith.constant 1 : i32
    scf.for %scan3A_27 = %scan3A_11 to %scan3A_13 step %scan3A_14  : i32 {
      %mul3A_28 = arith.constant 78 : i32
      %mul3A_29 = arith.muli %add3A, %mul3A_28 : i32
      %add3A_30 = arith.addi %mul3A_29, %scan3A_27 : i32
      "tpu.region"() ({
        %run_scoped3A = tpu.sem_alloc : memref<!tpu.dma_semaphore, #tpu.memory_space<semaphore_mem>>
        %dma_start3A_35 = arith.constant 0 : i32
        %dma_start3A_36 = tpu.memref_slice %arg3[%add3A_30, %dma_start3A_35] : memref<2500x128xi32, #tpu.memory_space<hbm>> -> memref<1x128xi32, #tpu.memory_space<hbm>>
        %dma_start3A_37 = tpu.memref_squeeze %dma_start3A_36 : memref<1x128xi32, #tpu.memory_space<hbm>> -> memref<128xi32, #tpu.memory_space<hbm>>
        %dma_start3A_38 = arith.constant 0 : i32
        %dma_start3A_39 = tpu.memref_slice %arg3[%add3A_30, %dma_start3A_38] : memref<2500x128xi32, #tpu.memory_space<hbm>> -> memref<1x128xi32, #tpu.memory_space<hbm>>
        %dma_start3A_40 = tpu.memref_squeeze %dma_start3A_39 : memref<1x128xi32, #tpu.memory_space<hbm>> -> memref<128xi32, #tpu.memory_space<hbm>>
        tpu.enqueue_dma source(%dma_start3A_40 : memref<128xi32, #tpu.memory_space<hbm>>) target(%arg9 : memref<128xi32, #tpu.memory_space<vmem>>) target_semaphore(%run_scoped3A : memref<!tpu.dma_semaphore, #tpu.memory_space<semaphore_mem>>)
        %dma_wait3A_41 = arith.constant 0 : i32
        %dma_wait3A_42 = tpu.memref_slice %arg3[%add3A_30, %dma_wait3A_41] : memref<2500x128xi32, #tpu.memory_space<hbm>> -> memref<1x128xi32, #tpu.memory_space<hbm>>
        %dma_wait3A_43 = tpu.memref_squeeze %dma_wait3A_42 : memref<1x128xi32, #tpu.memory_space<hbm>> -> memref<128xi32, #tpu.memory_space<hbm>>
        %dma_wait3A_44 = arith.constant 0 : i32
        %dma_wait3A_45 = tpu.memref_slice %arg3[%add3A_30, %dma_wait3A_44] : memref<2500x128xi32, #tpu.memory_space<hbm>> -> memref<1x128xi32, #tpu.memory_space<hbm>>
        %dma_wait3A_46 = tpu.memref_squeeze %dma_wait3A_45 : memref<1x128xi32, #tpu.memory_space<hbm>> -> memref<128xi32, #tpu.memory_space<hbm>>
        tpu.wait_dma2 semaphore(%run_scoped3A : memref<!tpu.dma_semaphore, #tpu.memory_space<semaphore_mem>>) src(%dma_wait3A_46 : memref<128xi32, #tpu.memory_space<hbm>>) dst(%arg9 : memref<128xi32, #tpu.memory_space<vmem>>)
        tpu.yield
      }) : () -> ()
      "tpu.region"() ({
        %run_scoped3A = tpu.sem_alloc : memref<!tpu.dma_semaphore, #tpu.memory_space<semaphore_mem>>
        %dma_start3A_35 = arith.constant 0 : i32
        %dma_start3A_36 = tpu.memref_slice %arg4[%add3A_30, %dma_start3A_35] : memref<2500x128xi32, #tpu.memory_space<hbm>> -> memref<1x128xi32, #tpu.memory_space<hbm>>
        %dma_start3A_37 = tpu.memref_squeeze %dma_start3A_36 : memref<1x128xi32, #tpu.memory_space<hbm>> -> memref<128xi32, #tpu.memory_space<hbm>>
        %dma_start3A_38 = arith.constant 0 : i32
        %dma_start3A_39 = tpu.memref_slice %arg4[%add3A_30, %dma_start3A_38] : memref<2500x128xi32, #tpu.memory_space<hbm>> -> memref<1x128xi32, #tpu.memory_space<hbm>>
        %dma_start3A_40 = tpu.memref_squeeze %dma_start3A_39 : memref<1x128xi32, #tpu.memory_space<hbm>> -> memref<128xi32, #tpu.memory_space<hbm>>
        tpu.enqueue_dma source(%dma_start3A_40 : memref<128xi32, #tpu.memory_space<hbm>>) target(%arg10 : memref<128xi32, #tpu.memory_space<vmem>>) target_semaphore(%run_scoped3A : memref<!tpu.dma_semaphore, #tpu.memory_space<semaphore_mem>>)
        %dma_wait3A_41 = arith.constant 0 : i32
        %dma_wait3A_42 = tpu.memref_slice %arg4[%add3A_30, %dma_wait3A_41] : memref<2500x128xi32, #tpu.memory_space<hbm>> -> memref<1x128xi32, #tpu.memory_space<hbm>>
        %dma_wait3A_43 = tpu.memref_squeeze %dma_wait3A_42 : memref<1x128xi32, #tpu.memory_space<hbm>> -> memref<128xi32, #tpu.memory_space<hbm>>
        %dma_wait3A_44 = arith.constant 0 : i32
        %dma_wait3A_45 = tpu.memref_slice %arg4[%add3A_30, %dma_wait3A_44] : memref<2500x128xi32, #tpu.memory_space<hbm>> -> memref<1x128xi32, #tpu.memory_space<hbm>>
        %dma_wait3A_46 = tpu.memref_squeeze %dma_wait3A_45 : memref<1x128xi32, #tpu.memory_space<hbm>> -> memref<128xi32, #tpu.memory_space<hbm>>
        tpu.wait_dma2 semaphore(%run_scoped3A : memref<!tpu.dma_semaphore, #tpu.memory_space<semaphore_mem>>) src(%dma_wait3A_46 : memref<128xi32, #tpu.memory_space<hbm>>) dst(%arg10 : memref<128xi32, #tpu.memory_space<vmem>>)
        tpu.yield
      }) : () -> ()
      %dma_start3A = arith.constant 0 : i32
      %dma_start3A_31 = arith.constant 0 : i32
      %dma_start3A_32 = tpu.memref_slice %arg2[%dma_start3A, %dma_start3A_31] : memref<5120x128xf32, #tpu.memory_space<hbm>> -> memref<5120x128xf32, #tpu.memory_space<hbm>>
      tpu.enqueue_indirect_dma source(%dma_start3A_32 : memref<5120x128xf32, #tpu.memory_space<hbm>>) target(%arg11 : memref<128x128xf32, #tpu.memory_space<vmem>>) offsets(%arg9 : memref<128xi32, #tpu.memory_space<vmem>>) semaphore(%arg14 : memref<!tpu.dma_semaphore, #tpu.memory_space<semaphore_mem>>)
      %dma_wait3A = arith.constant 0 : i32
      %dma_wait3A_33 = arith.constant 0 : i32
      %dma_wait3A_34 = tpu.memref_slice %arg2[%dma_wait3A, %dma_wait3A_33] : memref<5120x128xf32, #tpu.memory_space<hbm>> -> memref<5120x128xf32, #tpu.memory_space<hbm>>
      tpu.wait_indirect_dma semaphore(%arg14 : memref<!tpu.dma_semaphore, #tpu.memory_space<semaphore_mem>>) src(%dma_wait3A_34 : memref<5120x128xf32, #tpu.memory_space<hbm>>) dst(%arg11 : memref<128x128xf32, #tpu.memory_space<vmem>>)
      "tpu.region"() ({
        %run_scoped3A = tpu.sem_alloc : memref<!tpu.dma_semaphore, #tpu.memory_space<semaphore_mem>>
        %dma_start3A_35 = arith.constant 0 : i32
        %dma_start3A_36 = arith.constant 0 : i32
        %dma_start3A_37 = tpu.memref_slice %arg13[%dma_start3A_35, %dma_start3A_36] : memref<10240x128xf32, #tpu.memory_space<vmem_shared>> -> memref<10240x128xf32, #tpu.memory_space<vmem_shared>>
        tpu.enqueue_indirect_dma source(%arg11 : memref<128x128xf32, #tpu.memory_space<vmem>>) target(%dma_start3A_37 : memref<10240x128xf32, #tpu.memory_space<vmem_shared>>) offsets(%arg10 : memref<128xi32, #tpu.memory_space<vmem>>) semaphore(%run_scoped3A : memref<!tpu.dma_semaphore, #tpu.memory_space<semaphore_mem>>) {add = true}
        %dma_wait3A_38 = arith.constant 0 : i32
        %dma_wait3A_39 = arith.constant 0 : i32
        %dma_wait3A_40 = tpu.memref_slice %arg13[%dma_wait3A_38, %dma_wait3A_39] : memref<10240x128xf32, #tpu.memory_space<vmem_shared>> -> memref<10240x128xf32, #tpu.memory_space<vmem_shared>>
        tpu.wait_indirect_dma semaphore(%run_scoped3A : memref<!tpu.dma_semaphore, #tpu.memory_space<semaphore_mem>>) src(%arg11 : memref<128x128xf32, #tpu.memory_space<vmem>>) dst(%dma_wait3A_40 : memref<10240x128xf32, #tpu.memory_space<vmem_shared>>)
        tpu.yield
      }) : () -> ()
    }
    %scan3A_15 = arith.constant 78 : i32
    %lt3A = arith.constant 4 : i32
    %lt3A_16 = arith.cmpi slt, %add3A, %lt3A : i32
    %convert_element_type3A = arith.extui %lt3A_16 : i1 to i32
    %cond3A = arith.constant 0 : i32
    %cond3A_17 = arith.cmpi ne, %convert_element_type3A, %cond3A : i32
    scf.if %cond3A_17 {
      %add3A_27 = arith.constant 2496 : i32
      %add3A_28 = arith.addi %add3A_27, %add3A : i32
      "tpu.region"() ({
        %run_scoped3A = tpu.sem_alloc : memref<!tpu.dma_semaphore, #tpu.memory_space<semaphore_mem>>
        %dma_start3A_33 = arith.constant 0 : i32
        %dma_start3A_34 = tpu.memref_slice %arg3[%add3A_28, %dma_start3A_33] : memref<2500x128xi32, #tpu.memory_space<hbm>> -> memref<1x128xi32, #tpu.memory_space<hbm>>
        %dma_start3A_35 = tpu.memref_squeeze %dma_start3A_34 : memref<1x128xi32, #tpu.memory_space<hbm>> -> memref<128xi32, #tpu.memory_space<hbm>>
        %dma_start3A_36 = arith.constant 0 : i32
        %dma_start3A_37 = tpu.memref_slice %arg3[%add3A_28, %dma_start3A_36] : memref<2500x128xi32, #tpu.memory_space<hbm>> -> memref<1x128xi32, #tpu.memory_space<hbm>>
        %dma_start3A_38 = tpu.memref_squeeze %dma_start3A_37 : memref<1x128xi32, #tpu.memory_space<hbm>> -> memref<128xi32, #tpu.memory_space<hbm>>
        tpu.enqueue_dma source(%dma_start3A_38 : memref<128xi32, #tpu.memory_space<hbm>>) target(%arg9 : memref<128xi32, #tpu.memory_space<vmem>>) target_semaphore(%run_scoped3A : memref<!tpu.dma_semaphore, #tpu.memory_space<semaphore_mem>>)
        %dma_wait3A_39 = arith.constant 0 : i32
        %dma_wait3A_40 = tpu.memref_slice %arg3[%add3A_28, %dma_wait3A_39] : memref<2500x128xi32, #tpu.memory_space<hbm>> -> memref<1x128xi32, #tpu.memory_space<hbm>>
        %dma_wait3A_41 = tpu.memref_squeeze %dma_wait3A_40 : memref<1x128xi32, #tpu.memory_space<hbm>> -> memref<128xi32, #tpu.memory_space<hbm>>
        %dma_wait3A_42 = arith.constant 0 : i32
        %dma_wait3A_43 = tpu.memref_slice %arg3[%add3A_28, %dma_wait3A_42] : memref<2500x128xi32, #tpu.memory_space<hbm>> -> memref<1x128xi32, #tpu.memory_space<hbm>>
        %dma_wait3A_44 = tpu.memref_squeeze %dma_wait3A_43 : memref<1x128xi32, #tpu.memory_space<hbm>> -> memref<128xi32, #tpu.memory_space<hbm>>
        tpu.wait_dma2 semaphore(%run_scoped3A : memref<!tpu.dma_semaphore, #tpu.memory_space<semaphore_mem>>) src(%dma_wait3A_44 : memref<128xi32, #tpu.memory_space<hbm>>) dst(%arg9 : memref<128xi32, #tpu.memory_space<vmem>>)
        tpu.yield
      }) : () -> ()
      "tpu.region"() ({
        %run_scoped3A = tpu.sem_alloc : memref<!tpu.dma_semaphore, #tpu.memory_space<semaphore_mem>>
        %dma_start3A_33 = arith.constant 0 : i32
        %dma_start3A_34 = tpu.memref_slice %arg4[%add3A_28, %dma_start3A_33] : memref<2500x128xi32, #tpu.memory_space<hbm>> -> memref<1x128xi32, #tpu.memory_space<hbm>>
        %dma_start3A_35 = tpu.memref_squeeze %dma_start3A_34 : memref<1x128xi32, #tpu.memory_space<hbm>> -> memref<128xi32, #tpu.memory_space<hbm>>
        %dma_start3A_36 = arith.constant 0 : i32
        %dma_start3A_37 = tpu.memref_slice %arg4[%add3A_28, %dma_start3A_36] : memref<2500x128xi32, #tpu.memory_space<hbm>> -> memref<1x128xi32, #tpu.memory_space<hbm>>
        %dma_start3A_38 = tpu.memref_squeeze %dma_start3A_37 : memref<1x128xi32, #tpu.memory_space<hbm>> -> memref<128xi32, #tpu.memory_space<hbm>>
        tpu.enqueue_dma source(%dma_start3A_38 : memref<128xi32, #tpu.memory_space<hbm>>) target(%arg10 : memref<128xi32, #tpu.memory_space<vmem>>) target_semaphore(%run_scoped3A : memref<!tpu.dma_semaphore, #tpu.memory_space<semaphore_mem>>)
        %dma_wait3A_39 = arith.constant 0 : i32
        %dma_wait3A_40 = tpu.memref_slice %arg4[%add3A_28, %dma_wait3A_39] : memref<2500x128xi32, #tpu.memory_space<hbm>> -> memref<1x128xi32, #tpu.memory_space<hbm>>
        %dma_wait3A_41 = tpu.memref_squeeze %dma_wait3A_40 : memref<1x128xi32, #tpu.memory_space<hbm>> -> memref<128xi32, #tpu.memory_space<hbm>>
        %dma_wait3A_42 = arith.constant 0 : i32
        %dma_wait3A_43 = tpu.memref_slice %arg4[%add3A_28, %dma_wait3A_42] : memref<2500x128xi32, #tpu.memory_space<hbm>> -> memref<1x128xi32, #tpu.memory_space<hbm>>
        %dma_wait3A_44 = tpu.memref_squeeze %dma_wait3A_43 : memref<1x128xi32, #tpu.memory_space<hbm>> -> memref<128xi32, #tpu.memory_space<hbm>>
        tpu.wait_dma2 semaphore(%run_scoped3A : memref<!tpu.dma_semaphore, #tpu.memory_space<semaphore_mem>>) src(%dma_wait3A_44 : memref<128xi32, #tpu.memory_space<hbm>>) dst(%arg10 : memref<128xi32, #tpu.memory_space<vmem>>)
        tpu.yield
      }) : () -> ()
      %dma_start3A = arith.constant 0 : i32
      %dma_start3A_29 = arith.constant 0 : i32
      %dma_start3A_30 = tpu.memref_slice %arg2[%dma_start3A, %dma_start3A_29] : memref<5120x128xf32, #tpu.memory_space<hbm>> -> memref<5120x128xf32, #tpu.memory_space<hbm>>
      tpu.enqueue_indirect_dma source(%dma_start3A_30 : memref<5120x128xf32, #tpu.memory_space<hbm>>) target(%arg11 : memref<128x128xf32, #tpu.memory_space<vmem>>) offsets(%arg9 : memref<128xi32, #tpu.memory_space<vmem>>) semaphore(%arg14 : memref<!tpu.dma_semaphore, #tpu.memory_space<semaphore_mem>>)
      %dma_wait3A = arith.constant 0 : i32
      %dma_wait3A_31 = arith.constant 0 : i32
      %dma_wait3A_32 = tpu.memref_slice %arg2[%dma_wait3A, %dma_wait3A_31] : memref<5120x128xf32, #tpu.memory_space<hbm>> -> memref<5120x128xf32, #tpu.memory_space<hbm>>
      tpu.wait_indirect_dma semaphore(%arg14 : memref<!tpu.dma_semaphore, #tpu.memory_space<semaphore_mem>>) src(%dma_wait3A_32 : memref<5120x128xf32, #tpu.memory_space<hbm>>) dst(%arg11 : memref<128x128xf32, #tpu.memory_space<vmem>>)
      "tpu.region"() ({
        %run_scoped3A = tpu.sem_alloc : memref<!tpu.dma_semaphore, #tpu.memory_space<semaphore_mem>>
        %dma_start3A_33 = arith.constant 0 : i32
        %dma_start3A_34 = arith.constant 0 : i32
        %dma_start3A_35 = tpu.memref_slice %arg13[%dma_start3A_33, %dma_start3A_34] : memref<10240x128xf32, #tpu.memory_space<vmem_shared>> -> memref<10240x128xf32, #tpu.memory_space<vmem_shared>>
        tpu.enqueue_indirect_dma source(%arg11 : memref<128x128xf32, #tpu.memory_space<vmem>>) target(%dma_start3A_35 : memref<10240x128xf32, #tpu.memory_space<vmem_shared>>) offsets(%arg10 : memref<128xi32, #tpu.memory_space<vmem>>) semaphore(%run_scoped3A : memref<!tpu.dma_semaphore, #tpu.memory_space<semaphore_mem>>) {add = true}
        %dma_wait3A_36 = arith.constant 0 : i32
        %dma_wait3A_37 = arith.constant 0 : i32
        %dma_wait3A_38 = tpu.memref_slice %arg13[%dma_wait3A_36, %dma_wait3A_37] : memref<10240x128xf32, #tpu.memory_space<vmem_shared>> -> memref<10240x128xf32, #tpu.memory_space<vmem_shared>>
        tpu.wait_indirect_dma semaphore(%run_scoped3A : memref<!tpu.dma_semaphore, #tpu.memory_space<semaphore_mem>>) src(%arg11 : memref<128x128xf32, #tpu.memory_space<vmem>>) dst(%dma_wait3A_38 : memref<10240x128xf32, #tpu.memory_space<vmem_shared>>)
        tpu.yield
      }) : () -> ()
    } else {
    }
    %barrier3A_18 = arith.constant 0 : index
    tpu.barrier barrier_id(%barrier3A_18)
    %add3A_19 = arith.constant 0 : i32
    %add3A_20 = arith.addi %mul3A_2, %add3A_19 : i32
    "tpu.region"() ({
      %run_scoped3A = tpu.sem_alloc : memref<!tpu.dma_semaphore, #tpu.memory_space<semaphore_mem>>
      %dma_start3A = arith.constant 0 : i32
      %dma_start3A_27 = tpu.memref_slice %arg13[%add3A_20, %dma_start3A] : memref<10240x128xf32, #tpu.memory_space<vmem_shared>> -> memref<160x128xf32, #tpu.memory_space<vmem_shared>>
      %dma_start3A_28 = arith.constant 0 : i32
      %dma_start3A_29 = tpu.memref_slice %arg13[%add3A_20, %dma_start3A_28] : memref<10240x128xf32, #tpu.memory_space<vmem_shared>> -> memref<160x128xf32, #tpu.memory_space<vmem_shared>>
      tpu.enqueue_dma source(%dma_start3A_29 : memref<160x128xf32, #tpu.memory_space<vmem_shared>>) target(%arg12 : memref<160x128xf32, #tpu.memory_space<vmem>>) target_semaphore(%run_scoped3A : memref<!tpu.dma_semaphore, #tpu.memory_space<semaphore_mem>>)
      %dma_wait3A = arith.constant 0 : i32
      %dma_wait3A_30 = tpu.memref_slice %arg13[%add3A_20, %dma_wait3A] : memref<10240x128xf32, #tpu.memory_space<vmem_shared>> -> memref<160x128xf32, #tpu.memory_space<vmem_shared>>
      %dma_wait3A_31 = arith.constant 0 : i32
      %dma_wait3A_32 = tpu.memref_slice %arg13[%add3A_20, %dma_wait3A_31] : memref<10240x128xf32, #tpu.memory_space<vmem_shared>> -> memref<160x128xf32, #tpu.memory_space<vmem_shared>>
      tpu.wait_dma2 semaphore(%run_scoped3A : memref<!tpu.dma_semaphore, #tpu.memory_space<semaphore_mem>>) src(%dma_wait3A_32 : memref<160x128xf32, #tpu.memory_space<vmem_shared>>) dst(%arg12 : memref<160x128xf32, #tpu.memory_space<vmem>>)
      tpu.yield
    }) : () -> ()
    "tpu.region"() ({
      %run_scoped3A = tpu.sem_alloc : memref<!tpu.dma_semaphore, #tpu.memory_space<semaphore_mem>>
      %dma_start3A = arith.constant 0 : i32
      %dma_start3A_27 = tpu.memref_slice %arg8[%arg0, %add3A_20, %dma_start3A] : memref<2x10240x128xf32, #tpu.memory_space<hbm>> -> memref<1x160x128xf32, #tpu.memory_space<hbm>>
      %dma_start3A_28 = tpu.memref_squeeze %dma_start3A_27 : memref<1x160x128xf32, #tpu.memory_space<hbm>> -> memref<160x128xf32, #tpu.memory_space<hbm>>
      %dma_start3A_29 = arith.constant 0 : i32
      %dma_start3A_30 = tpu.memref_slice %arg8[%arg0, %add3A_20, %dma_start3A_29] : memref<2x10240x128xf32, #tpu.memory_space<hbm>> -> memref<1x160x128xf32, #tpu.memory_space<hbm>>
      %dma_start3A_31 = tpu.memref_squeeze %dma_start3A_30 : memref<1x160x128xf32, #tpu.memory_space<hbm>> -> memref<160x128xf32, #tpu.memory_space<hbm>>
      tpu.enqueue_dma source(%arg12 : memref<160x128xf32, #tpu.memory_space<vmem>>) target(%dma_start3A_31 : memref<160x128xf32, #tpu.memory_space<hbm>>) target_semaphore(%run_scoped3A : memref<!tpu.dma_semaphore, #tpu.memory_space<semaphore_mem>>)
      %dma_wait3A = arith.constant 0 : i32
      %dma_wait3A_32 = tpu.memref_slice %arg8[%arg0, %add3A_20, %dma_wait3A] : memref<2x10240x128xf32, #tpu.memory_space<hbm>> -> memref<1x160x128xf32, #tpu.memory_space<hbm>>
      %dma_wait3A_33 = tpu.memref_squeeze %dma_wait3A_32 : memref<1x160x128xf32, #tpu.memory_space<hbm>> -> memref<160x128xf32, #tpu.memory_space<hbm>>
      %dma_wait3A_34 = arith.constant 0 : i32
      %dma_wait3A_35 = tpu.memref_slice %arg8[%arg0, %add3A_20, %dma_wait3A_34] : memref<2x10240x128xf32, #tpu.memory_space<hbm>> -> memref<1x160x128xf32, #tpu.memory_space<hbm>>
      %dma_wait3A_36 = tpu.memref_squeeze %dma_wait3A_35 : memref<1x160x128xf32, #tpu.memory_space<hbm>> -> memref<160x128xf32, #tpu.memory_space<hbm>>
      tpu.wait_dma2 semaphore(%run_scoped3A : memref<!tpu.dma_semaphore, #tpu.memory_space<semaphore_mem>>) src(%arg12 : memref<160x128xf32, #tpu.memory_space<vmem>>) dst(%dma_wait3A_36 : memref<160x128xf32, #tpu.memory_space<hbm>>)
      tpu.yield
    }) : () -> ()
    %add3A_21 = arith.constant 160 : i32
    %add3A_22 = arith.addi %mul3A_2, %add3A_21 : i32
    "tpu.region"() ({
      %run_scoped3A = tpu.sem_alloc : memref<!tpu.dma_semaphore, #tpu.memory_space<semaphore_mem>>
      %dma_start3A = arith.constant 0 : i32
      %dma_start3A_27 = tpu.memref_slice %arg13[%add3A_22, %dma_start3A] : memref<10240x128xf32, #tpu.memory_space<vmem_shared>> -> memref<160x128xf32, #tpu.memory_space<vmem_shared>>
      %dma_start3A_28 = arith.constant 0 : i32
      %dma_start3A_29 = tpu.memref_slice %arg13[%add3A_22, %dma_start3A_28] : memref<10240x128xf32, #tpu.memory_space<vmem_shared>> -> memref<160x128xf32, #tpu.memory_space<vmem_shared>>
      tpu.enqueue_dma source(%dma_start3A_29 : memref<160x128xf32, #tpu.memory_space<vmem_shared>>) target(%arg12 : memref<160x128xf32, #tpu.memory_space<vmem>>) target_semaphore(%run_scoped3A : memref<!tpu.dma_semaphore, #tpu.memory_space<semaphore_mem>>)
      %dma_wait3A = arith.constant 0 : i32
      %dma_wait3A_30 = tpu.memref_slice %arg13[%add3A_22, %dma_wait3A] : memref<10240x128xf32, #tpu.memory_space<vmem_shared>> -> memref<160x128xf32, #tpu.memory_space<vmem_shared>>
      %dma_wait3A_31 = arith.constant 0 : i32
      %dma_wait3A_32 = tpu.memref_slice %arg13[%add3A_22, %dma_wait3A_31] : memref<10240x128xf32, #tpu.memory_space<vmem_shared>> -> memref<160x128xf32, #tpu.memory_space<vmem_shared>>
      tpu.wait_dma2 semaphore(%run_scoped3A : memref<!tpu.dma_semaphore, #tpu.memory_space<semaphore_mem>>) src(%dma_wait3A_32 : memref<160x128xf32, #tpu.memory_space<vmem_shared>>) dst(%arg12 : memref<160x128xf32, #tpu.memory_space<vmem>>)
      tpu.yield
    }) : () -> ()
    "tpu.region"() ({
      %run_scoped3A = tpu.sem_alloc : memref<!tpu.dma_semaphore, #tpu.memory_space<semaphore_mem>>
      %dma_start3A = arith.constant 0 : i32
      %dma_start3A_27 = tpu.memref_slice %arg8[%arg0, %add3A_22, %dma_start3A] : memref<2x10240x128xf32, #tpu.memory_space<hbm>> -> memref<1x160x128xf32, #tpu.memory_space<hbm>>
      %dma_start3A_28 = tpu.memref_squeeze %dma_start3A_27 : memref<1x160x128xf32, #tpu.memory_space<hbm>> -> memref<160x128xf32, #tpu.memory_space<hbm>>
      %dma_start3A_29 = arith.constant 0 : i32
      %dma_start3A_30 = tpu.memref_slice %arg8[%arg0, %add3A_22, %dma_start3A_29] : memref<2x10240x128xf32, #tpu.memory_space<hbm>> -> memref<1x160x128xf32, #tpu.memory_space<hbm>>
      %dma_start3A_31 = tpu.memref_squeeze %dma_start3A_30 : memref<1x160x128xf32, #tpu.memory_space<hbm>> -> memref<160x128xf32, #tpu.memory_space<hbm>>
      tpu.enqueue_dma source(%arg12 : memref<160x128xf32, #tpu.memory_space<vmem>>) target(%dma_start3A_31 : memref<160x128xf32, #tpu.memory_space<hbm>>) target_semaphore(%run_scoped3A : memref<!tpu.dma_semaphore, #tpu.memory_space<semaphore_mem>>)
      %dma_wait3A = arith.constant 0 : i32
      %dma_wait3A_32 = tpu.memref_slice %arg8[%arg0, %add3A_22, %dma_wait3A] : memref<2x10240x128xf32, #tpu.memory_space<hbm>> -> memref<1x160x128xf32, #tpu.memory_space<hbm>>
      %dma_wait3A_33 = tpu.memref_squeeze %dma_wait3A_32 : memref<1x160x128xf32, #tpu.memory_space<hbm>> -> memref<160x128xf32, #tpu.memory_space<hbm>>
      %dma_wait3A_34 = arith.constant 0 : i32
      %dma_wait3A_35 = tpu.memref_slice %arg8[%arg0, %add3A_22, %dma_wait3A_34] : memref<2x10240x128xf32, #tpu.memory_space<hbm>> -> memref<1x160x128xf32, #tpu.memory_space<hbm>>
      %dma_wait3A_36 = tpu.memref_squeeze %dma_wait3A_35 : memref<1x160x128xf32, #tpu.memory_space<hbm>> -> memref<160x128xf32, #tpu.memory_space<hbm>>
      tpu.wait_dma2 semaphore(%run_scoped3A : memref<!tpu.dma_semaphore, #tpu.memory_space<semaphore_mem>>) src(%arg12 : memref<160x128xf32, #tpu.memory_space<vmem>>) dst(%dma_wait3A_36 : memref<160x128xf32, #tpu.memory_space<hbm>>)
      tpu.yield
    }) : () -> ()
    %add3A_23 = arith.constant 320 : i32
    %add3A_24 = arith.addi %mul3A_2, %add3A_23 : i32
    "tpu.region"() ({
      %run_scoped3A = tpu.sem_alloc : memref<!tpu.dma_semaphore, #tpu.memory_space<semaphore_mem>>
      %dma_start3A = arith.constant 0 : i32
      %dma_start3A_27 = tpu.memref_slice %arg13[%add3A_24, %dma_start3A] : memref<10240x128xf32, #tpu.memory_space<vmem_shared>> -> memref<160x128xf32, #tpu.memory_space<vmem_shared>>
      %dma_start3A_28 = arith.constant 0 : i32
      %dma_start3A_29 = tpu.memref_slice %arg13[%add3A_24, %dma_start3A_28] : memref<10240x128xf32, #tpu.memory_space<vmem_shared>> -> memref<160x128xf32, #tpu.memory_space<vmem_shared>>
      tpu.enqueue_dma source(%dma_start3A_29 : memref<160x128xf32, #tpu.memory_space<vmem_shared>>) target(%arg12 : memref<160x128xf32, #tpu.memory_space<vmem>>) target_semaphore(%run_scoped3A : memref<!tpu.dma_semaphore, #tpu.memory_space<semaphore_mem>>)
      %dma_wait3A = arith.constant 0 : i32
      %dma_wait3A_30 = tpu.memref_slice %arg13[%add3A_24, %dma_wait3A] : memref<10240x128xf32, #tpu.memory_space<vmem_shared>> -> memref<160x128xf32, #tpu.memory_space<vmem_shared>>
      %dma_wait3A_31 = arith.constant 0 : i32
      %dma_wait3A_32 = tpu.memref_slice %arg13[%add3A_24, %dma_wait3A_31] : memref<10240x128xf32, #tpu.memory_space<vmem_shared>> -> memref<160x128xf32, #tpu.memory_space<vmem_shared>>
      tpu.wait_dma2 semaphore(%run_scoped3A : memref<!tpu.dma_semaphore, #tpu.memory_space<semaphore_mem>>) src(%dma_wait3A_32 : memref<160x128xf32, #tpu.memory_space<vmem_shared>>) dst(%arg12 : memref<160x128xf32, #tpu.memory_space<vmem>>)
      tpu.yield
    }) : () -> ()
    "tpu.region"() ({
      %run_scoped3A = tpu.sem_alloc : memref<!tpu.dma_semaphore, #tpu.memory_space<semaphore_mem>>
      %dma_start3A = arith.constant 0 : i32
      %dma_start3A_27 = tpu.memref_slice %arg8[%arg0, %add3A_24, %dma_start3A] : memref<2x10240x128xf32, #tpu.memory_space<hbm>> -> memref<1x160x128xf32, #tpu.memory_space<hbm>>
      %dma_start3A_28 = tpu.memref_squeeze %dma_start3A_27 : memref<1x160x128xf32, #tpu.memory_space<hbm>> -> memref<160x128xf32, #tpu.memory_space<hbm>>
      %dma_start3A_29 = arith.constant 0 : i32
      %dma_start3A_30 = tpu.memref_slice %arg8[%arg0, %add3A_24, %dma_start3A_29] : memref<2x10240x128xf32, #tpu.memory_space<hbm>> -> memref<1x160x128xf32, #tpu.memory_space<hbm>>
      %dma_start3A_31 = tpu.memref_squeeze %dma_start3A_30 : memref<1x160x128xf32, #tpu.memory_space<hbm>> -> memref<160x128xf32, #tpu.memory_space<hbm>>
      tpu.enqueue_dma source(%arg12 : memref<160x128xf32, #tpu.memory_space<vmem>>) target(%dma_start3A_31 : memref<160x128xf32, #tpu.memory_space<hbm>>) target_semaphore(%run_scoped3A : memref<!tpu.dma_semaphore, #tpu.memory_space<semaphore_mem>>)
      %dma_wait3A = arith.constant 0 : i32
      %dma_wait3A_32 = tpu.memref_slice %arg8[%arg0, %add3A_24, %dma_wait3A] : memref<2x10240x128xf32, #tpu.memory_space<hbm>> -> memref<1x160x128xf32, #tpu.memory_space<hbm>>
      %dma_wait3A_33 = tpu.memref_squeeze %dma_wait3A_32 : memref<1x160x128xf32, #tpu.memory_space<hbm>> -> memref<160x128xf32, #tpu.memory_space<hbm>>
      %dma_wait3A_34 = arith.constant 0 : i32
      %dma_wait3A_35 = tpu.memref_slice %arg8[%arg0, %add3A_24, %dma_wait3A_34] : memref<2x10240x128xf32, #tpu.memory_space<hbm>> -> memref<1x160x128xf32, #tpu.memory_space<hbm>>
      %dma_wait3A_36 = tpu.memref_squeeze %dma_wait3A_35 : memref<1x160x128xf32, #tpu.memory_space<hbm>> -> memref<160x128xf32, #tpu.memory_space<hbm>>
      tpu.wait_dma2 semaphore(%run_scoped3A : memref<!tpu.dma_semaphore, #tpu.memory_space<semaphore_mem>>) src(%arg12 : memref<160x128xf32, #tpu.memory_space<vmem>>) dst(%dma_wait3A_36 : memref<160x128xf32, #tpu.memory_space<hbm>>)
      tpu.yield
    }) : () -> ()
    %add3A_25 = arith.constant 480 : i32
    %add3A_26 = arith.addi %mul3A_2, %add3A_25 : i32
    "tpu.region"() ({
      %run_scoped3A = tpu.sem_alloc : memref<!tpu.dma_semaphore, #tpu.memory_space<semaphore_mem>>
      %dma_start3A = arith.constant 0 : i32
      %dma_start3A_27 = tpu.memref_slice %arg13[%add3A_26, %dma_start3A] : memref<10240x128xf32, #tpu.memory_space<vmem_shared>> -> memref<160x128xf32, #tpu.memory_space<vmem_shared>>
      %dma_start3A_28 = arith.constant 0 : i32
      %dma_start3A_29 = tpu.memref_slice %arg13[%add3A_26, %dma_start3A_28] : memref<10240x128xf32, #tpu.memory_space<vmem_shared>> -> memref<160x128xf32, #tpu.memory_space<vmem_shared>>
      tpu.enqueue_dma source(%dma_start3A_29 : memref<160x128xf32, #tpu.memory_space<vmem_shared>>) target(%arg12 : memref<160x128xf32, #tpu.memory_space<vmem>>) target_semaphore(%run_scoped3A : memref<!tpu.dma_semaphore, #tpu.memory_space<semaphore_mem>>)
      %dma_wait3A = arith.constant 0 : i32
      %dma_wait3A_30 = tpu.memref_slice %arg13[%add3A_26, %dma_wait3A] : memref<10240x128xf32, #tpu.memory_space<vmem_shared>> -> memref<160x128xf32, #tpu.memory_space<vmem_shared>>
      %dma_wait3A_31 = arith.constant 0 : i32
      %dma_wait3A_32 = tpu.memref_slice %arg13[%add3A_26, %dma_wait3A_31] : memref<10240x128xf32, #tpu.memory_space<vmem_shared>> -> memref<160x128xf32, #tpu.memory_space<vmem_shared>>
      tpu.wait_dma2 semaphore(%run_scoped3A : memref<!tpu.dma_semaphore, #tpu.memory_space<semaphore_mem>>) src(%dma_wait3A_32 : memref<160x128xf32, #tpu.memory_space<vmem_shared>>) dst(%arg12 : memref<160x128xf32, #tpu.memory_space<vmem>>)
      tpu.yield
    }) : () -> ()
    "tpu.region"() ({
      %run_scoped3A = tpu.sem_alloc : memref<!tpu.dma_semaphore, #tpu.memory_space<semaphore_mem>>
      %dma_start3A = arith.constant 0 : i32
      %dma_start3A_27 = tpu.memref_slice %arg8[%arg0, %add3A_26, %dma_start3A] : memref<2x10240x128xf32, #tpu.memory_space<hbm>> -> memref<1x160x128xf32, #tpu.memory_space<hbm>>
      %dma_start3A_28 = tpu.memref_squeeze %dma_start3A_27 : memref<1x160x128xf32, #tpu.memory_space<hbm>> -> memref<160x128xf32, #tpu.memory_space<hbm>>
      %dma_start3A_29 = arith.constant 0 : i32
      %dma_start3A_30 = tpu.memref_slice %arg8[%arg0, %add3A_26, %dma_start3A_29] : memref<2x10240x128xf32, #tpu.memory_space<hbm>> -> memref<1x160x128xf32, #tpu.memory_space<hbm>>
      %dma_start3A_31 = tpu.memref_squeeze %dma_start3A_30 : memref<1x160x128xf32, #tpu.memory_space<hbm>> -> memref<160x128xf32, #tpu.memory_space<hbm>>
      tpu.enqueue_dma source(%arg12 : memref<160x128xf32, #tpu.memory_space<vmem>>) target(%dma_start3A_31 : memref<160x128xf32, #tpu.memory_space<hbm>>) target_semaphore(%run_scoped3A : memref<!tpu.dma_semaphore, #tpu.memory_space<semaphore_mem>>)
      %dma_wait3A = arith.constant 0 : i32
      %dma_wait3A_32 = tpu.memref_slice %arg8[%arg0, %add3A_26, %dma_wait3A] : memref<2x10240x128xf32, #tpu.memory_space<hbm>> -> memref<1x160x128xf32, #tpu.memory_space<hbm>>
      %dma_wait3A_33 = tpu.memref_squeeze %dma_wait3A_32 : memref<1x160x128xf32, #tpu.memory_space<hbm>> -> memref<160x128xf32, #tpu.memory_space<hbm>>
      %dma_wait3A_34 = arith.constant 0 : i32
      %dma_wait3A_35 = tpu.memref_slice %arg8[%arg0, %add3A_26, %dma_wait3A_34] : memref<2x10240x128xf32, #tpu.memory_space<hbm>> -> memref<1x160x128xf32, #tpu.memory_space<hbm>>
      %dma_wait3A_36 = tpu.memref_squeeze %dma_wait3A_35 : memref<1x160x128xf32, #tpu.memory_space<hbm>> -> memref<160x128xf32, #tpu.memory_space<hbm>>
      tpu.wait_dma2 semaphore(%run_scoped3A : memref<!tpu.dma_semaphore, #tpu.memory_space<semaphore_mem>>) src(%arg12 : memref<160x128xf32, #tpu.memory_space<vmem>>) dst(%dma_wait3A_36 : memref<160x128xf32, #tpu.memory_space<hbm>>)
      tpu.yield
    }) : () -> ()
    return
  }
}

module attributes {stable_mosaic.version = 14 : i64} {
  func.func @body(%arg0: i32, %arg1: memref<2x512x128xf32, #tpu.memory_space<vmem>>, %arg2: memref<2x512x1xf32, #tpu.memory_space<vmem>>, %arg3: memref<512x128xf32, #tpu.memory_space<vmem>>) attributes {dimension_semantics = [#tpu.dimension_semantics<arbitrary>], iteration_bounds = array<i64: 10>, scalar_prefetch = 0 : i64, scratch_operands = 0 : i64, tpu.core_type = #tpu.core_type<tc>, window_params = [{transform_indices = @transform_0, window_bounds = array<i64: 2, 512, 128>}, {transform_indices = @transform_1, window_bounds = array<i64: 2, 512, 1>}, {transform_indices = @transform_2, window_bounds = array<i64: 512, 128>}]} {
    %get3A = arith.constant 0 : index
    %get3A_0 = arith.constant 0 : index
    %get3A_1 = arith.constant 0 : index
    %get3A_2 = vector.load %arg2[%get3A, %get3A_0, %get3A_1] : memref<2x512x1xf32, #tpu.memory_space<vmem>>, vector<1x512x1xf32>
    %get3A_3 = vector.shape_cast %get3A_2 : vector<1x512x1xf32> to vector<512x1xf32>
    %get3A_4 = arith.constant 1 : index
    %get3A_5 = arith.constant 0 : index
    %get3A_6 = arith.constant 0 : index
    %get3A_7 = vector.load %arg2[%get3A_4, %get3A_5, %get3A_6] : memref<2x512x1xf32, #tpu.memory_space<vmem>>, vector<1x512x1xf32>
    %get3A_8 = vector.shape_cast %get3A_7 : vector<1x512x1xf32> to vector<512x1xf32>
    %add3A = arith.addf %get3A_3, %get3A_8 : vector<512x1xf32>
    %gt3A = arith.constant 0.000000e+00 : f32
    %gt3A_9 = vector.broadcast %gt3A : f32 to vector<512x1xf32>
    %gt3A_10 = arith.cmpf ogt, %add3A, %gt3A_9 : vector<512x1xf32>
    %gt3A_11 = arith.constant 0.000000e+00 : f32
    %gt3A_12 = vector.broadcast %gt3A_11 : f32 to vector<512x1xf32>
    %gt3A_13 = arith.cmpf ogt, %add3A, %gt3A_12 : vector<512x1xf32>
    %jit3A = arith.constant 1.000000e+00 : f32
    %broadcast_in_dim3A = vector.broadcast %jit3A : f32 to vector<512x1xf32>
    %select_n3A = arith.select %gt3A_13, %add3A, %broadcast_in_dim3A : vector<512x1xi1>, vector<512x1xf32>
    %div3A = arith.constant 1.000000e+00 : f32
    %div3A_14 = vector.broadcast %div3A : f32 to vector<512x1xf32>
    %div3A_15 = arith.divf %div3A_14, %select_n3A : vector<512x1xf32>
    %jit3A_16 = arith.constant 0.000000e+00 : f32
    %broadcast_in_dim3A_17 = vector.broadcast %jit3A_16 : f32 to vector<512x1xf32>
    %select_n3A_18 = arith.select %gt3A_10, %div3A_15, %broadcast_in_dim3A_17 : vector<512x1xi1>, vector<512x1xf32>
    %get3A_19 = arith.constant 0 : index
    %get3A_20 = arith.constant 0 : index
    %get3A_21 = arith.constant 0 : index
    %get3A_22 = vector.load %arg1[%get3A_19, %get3A_20, %get3A_21] : memref<2x512x128xf32, #tpu.memory_space<vmem>>, vector<1x512x128xf32>
    %get3A_23 = vector.shape_cast %get3A_22 : vector<1x512x128xf32> to vector<512x128xf32>
    %get3A_24 = arith.constant 1 : index
    %get3A_25 = arith.constant 0 : index
    %get3A_26 = arith.constant 0 : index
    %get3A_27 = vector.load %arg1[%get3A_24, %get3A_25, %get3A_26] : memref<2x512x128xf32, #tpu.memory_space<vmem>>, vector<1x512x128xf32>
    %get3A_28 = vector.shape_cast %get3A_27 : vector<1x512x128xf32> to vector<512x128xf32>
    %add3A_29 = arith.addf %get3A_23, %get3A_28 : vector<512x128xf32>
    %mul3A = vector.broadcast %select_n3A_18 : vector<512x1xf32> to vector<512x128xf32>
    %mul3A_30 = arith.mulf %add3A_29, %mul3A : vector<512x128xf32>
    %swap3A = arith.constant 0 : index
    %swap3A_31 = arith.constant 0 : index
    %swap3A_32 = vector.load %arg3[%swap3A, %swap3A_31] : memref<512x128xf32, #tpu.memory_space<vmem>>, vector<512x128xf32>
    tpu.vector_store %arg3[%swap3A, %swap3A_31], %mul3A_30 {strides = array<i32>} : memref<512x128xf32, #tpu.memory_space<vmem>>, vector<512x128xf32>,
    return
  }
  func.func @transform_0(%arg0: i32) -> (i32, i32, i32) {
    %c0_i32 = arith.constant 0 : i32
    %c0_i32_0 = arith.constant 0 : i32
    %c0_i32_1 = arith.constant 0 : i32
    return %c0_i32, %arg0, %c0_i32_0 : i32, i32, i32
  }
  func.func @transform_1(%arg0: i32) -> (i32, i32, i32) {
    %c0_i32 = arith.constant 0 : i32
    %c0_i32_0 = arith.constant 0 : i32
    %c0_i32_1 = arith.constant 0 : i32
    return %c0_i32, %arg0, %c0_i32_0 : i32, i32, i32
  }
  func.func @transform_2(%arg0: i32) -> (i32, i32) {
    %c0_i32 = arith.constant 0 : i32
    %c0_i32_0 = arith.constant 0 : i32
    return %arg0, %c0_i32 : i32, i32
  }
}

module attributes {stable_mosaic.version = 14 : i64} {
  func.func @body(%arg0: i32, %arg1: memref<2x512x128xf32, #tpu.memory_space<vmem>>, %arg2: memref<2x512x1xf32, #tpu.memory_space<vmem>>, %arg3: memref<512x128xf32, #tpu.memory_space<vmem>>) attributes {dimension_semantics = [#tpu.dimension_semantics<arbitrary>], iteration_bounds = array<i64: 20>, scalar_prefetch = 0 : i64, scratch_operands = 0 : i64, tpu.core_type = #tpu.core_type<tc>, window_params = [{transform_indices = @transform_0, window_bounds = array<i64: 2, 512, 128>}, {transform_indices = @transform_1, window_bounds = array<i64: 2, 512, 1>}, {transform_indices = @transform_2, window_bounds = array<i64: 512, 128>}]} {
    %get3A = arith.constant 0 : index
    %get3A_0 = arith.constant 0 : index
    %get3A_1 = arith.constant 0 : index
    %get3A_2 = vector.load %arg2[%get3A, %get3A_0, %get3A_1] : memref<2x512x1xf32, #tpu.memory_space<vmem>>, vector<1x512x1xf32>
    %get3A_3 = vector.shape_cast %get3A_2 : vector<1x512x1xf32> to vector<512x1xf32>
    %get3A_4 = arith.constant 1 : index
    %get3A_5 = arith.constant 0 : index
    %get3A_6 = arith.constant 0 : index
    %get3A_7 = vector.load %arg2[%get3A_4, %get3A_5, %get3A_6] : memref<2x512x1xf32, #tpu.memory_space<vmem>>, vector<1x512x1xf32>
    %get3A_8 = vector.shape_cast %get3A_7 : vector<1x512x1xf32> to vector<512x1xf32>
    %add3A = arith.addf %get3A_3, %get3A_8 : vector<512x1xf32>
    %gt3A = arith.constant 0.000000e+00 : f32
    %gt3A_9 = vector.broadcast %gt3A : f32 to vector<512x1xf32>
    %gt3A_10 = arith.cmpf ogt, %add3A, %gt3A_9 : vector<512x1xf32>
    %gt3A_11 = arith.constant 0.000000e+00 : f32
    %gt3A_12 = vector.broadcast %gt3A_11 : f32 to vector<512x1xf32>
    %gt3A_13 = arith.cmpf ogt, %add3A, %gt3A_12 : vector<512x1xf32>
    %jit3A = arith.constant 1.000000e+00 : f32
    %broadcast_in_dim3A = vector.broadcast %jit3A : f32 to vector<512x1xf32>
    %select_n3A = arith.select %gt3A_13, %add3A, %broadcast_in_dim3A : vector<512x1xi1>, vector<512x1xf32>
    %div3A = arith.constant 1.000000e+00 : f32
    %div3A_14 = vector.broadcast %div3A : f32 to vector<512x1xf32>
    %div3A_15 = arith.divf %div3A_14, %select_n3A : vector<512x1xf32>
    %jit3A_16 = arith.constant 0.000000e+00 : f32
    %broadcast_in_dim3A_17 = vector.broadcast %jit3A_16 : f32 to vector<512x1xf32>
    %select_n3A_18 = arith.select %gt3A_10, %div3A_15, %broadcast_in_dim3A_17 : vector<512x1xi1>, vector<512x1xf32>
    %get3A_19 = arith.constant 0 : index
    %get3A_20 = arith.constant 0 : index
    %get3A_21 = arith.constant 0 : index
    %get3A_22 = vector.load %arg1[%get3A_19, %get3A_20, %get3A_21] : memref<2x512x128xf32, #tpu.memory_space<vmem>>, vector<1x512x128xf32>
    %get3A_23 = vector.shape_cast %get3A_22 : vector<1x512x128xf32> to vector<512x128xf32>
    %get3A_24 = arith.constant 1 : index
    %get3A_25 = arith.constant 0 : index
    %get3A_26 = arith.constant 0 : index
    %get3A_27 = vector.load %arg1[%get3A_24, %get3A_25, %get3A_26] : memref<2x512x128xf32, #tpu.memory_space<vmem>>, vector<1x512x128xf32>
    %get3A_28 = vector.shape_cast %get3A_27 : vector<1x512x128xf32> to vector<512x128xf32>
    %add3A_29 = arith.addf %get3A_23, %get3A_28 : vector<512x128xf32>
    %mul3A = vector.broadcast %select_n3A_18 : vector<512x1xf32> to vector<512x128xf32>
    %mul3A_30 = arith.mulf %add3A_29, %mul3A : vector<512x128xf32>
    %swap3A = arith.constant 0 : index
    %swap3A_31 = arith.constant 0 : index
    %swap3A_32 = vector.load %arg3[%swap3A, %swap3A_31] : memref<512x128xf32, #tpu.memory_space<vmem>>, vector<512x128xf32>
    tpu.vector_store %arg3[%swap3A, %swap3A_31], %mul3A_30 {strides = array<i32>} : memref<512x128xf32, #tpu.memory_space<vmem>>, vector<512x128xf32>,
    return
  }
  func.func @transform_0(%arg0: i32) -> (i32, i32, i32) {
    %c0_i32 = arith.constant 0 : i32
    %c0_i32_0 = arith.constant 0 : i32
    %c0_i32_1 = arith.constant 0 : i32
    return %c0_i32, %arg0, %c0_i32_0 : i32, i32, i32
  }
  func.func @transform_1(%arg0: i32) -> (i32, i32, i32) {
    %c0_i32 = arith.constant 0 : i32
    %c0_i32_0 = arith.constant 0 : i32
    %c0_i32_1 = arith.constant 0 : i32
    return %c0_i32, %arg0, %c0_i32_0 : i32, i32, i32
  }
  func.func @transform_2(%arg0: i32) -> (i32, i32) {
    %c0_i32 = arith.constant 0 : i32
    %c0_i32_0 = arith.constant 0 : i32
    return %arg0, %c0_i32 : i32, i32
  }
}

module attributes {stable_mosaic.version = 14 : i64} {
  func.func @body(%arg0: i32, %arg1: memref<400x128xf32, #tpu.memory_space<vmem>>, %arg2: memref<400x128xf32, #tpu.memory_space<vmem>>, %arg3: memref<2x400x128xf32, #tpu.memory_space<vmem>>, %arg4: memref<2x400x1xf32, #tpu.memory_space<vmem>>, %arg5: memref<400x128xf32, #tpu.memory_space<vmem>>) attributes {dimension_semantics = [#tpu.dimension_semantics<arbitrary>], iteration_bounds = array<i64: 25>, scalar_prefetch = 0 : i64, scratch_operands = 0 : i64, tpu.core_type = #tpu.core_type<tc>, window_params = [{transform_indices = @transform_0, window_bounds = array<i64: 400, 128>}, {transform_indices = @transform_1, window_bounds = array<i64: 400, 128>}, {transform_indices = @transform_2, window_bounds = array<i64: 2, 400, 128>}, {transform_indices = @transform_3, window_bounds = array<i64: 2, 400, 1>}, {transform_indices = @transform_4, window_bounds = array<i64: 400, 128>}]} {
    %get3A = arith.constant 0 : index
    %get3A_0 = arith.constant 0 : index
    %get3A_1 = arith.constant 0 : index
    %get3A_2 = vector.load %arg4[%get3A, %get3A_0, %get3A_1] : memref<2x400x1xf32, #tpu.memory_space<vmem>>, vector<1x400x1xf32>
    %get3A_3 = vector.shape_cast %get3A_2 : vector<1x400x1xf32> to vector<400x1xf32>
    %get3A_4 = arith.constant 1 : index
    %get3A_5 = arith.constant 0 : index
    %get3A_6 = arith.constant 0 : index
    %get3A_7 = vector.load %arg4[%get3A_4, %get3A_5, %get3A_6] : memref<2x400x1xf32, #tpu.memory_space<vmem>>, vector<1x400x1xf32>
    %get3A_8 = vector.shape_cast %get3A_7 : vector<1x400x1xf32> to vector<400x1xf32>
    %add3A = arith.addf %get3A_3, %get3A_8 : vector<400x1xf32>
    %gt3A = arith.constant 0.000000e+00 : f32
    %gt3A_9 = vector.broadcast %gt3A : f32 to vector<400x1xf32>
    %gt3A_10 = arith.cmpf ogt, %add3A, %gt3A_9 : vector<400x1xf32>
    %gt3A_11 = arith.constant 0.000000e+00 : f32
    %gt3A_12 = vector.broadcast %gt3A_11 : f32 to vector<400x1xf32>
    %gt3A_13 = arith.cmpf ogt, %add3A, %gt3A_12 : vector<400x1xf32>
    %jit3A = arith.constant 1.000000e+00 : f32
    %broadcast_in_dim3A = vector.broadcast %jit3A : f32 to vector<400x1xf32>
    %select_n3A = arith.select %gt3A_13, %add3A, %broadcast_in_dim3A : vector<400x1xi1>, vector<400x1xf32>
    %div3A = arith.constant 1.000000e+00 : f32
    %div3A_14 = vector.broadcast %div3A : f32 to vector<400x1xf32>
    %div3A_15 = arith.divf %div3A_14, %select_n3A : vector<400x1xf32>
    %jit3A_16 = arith.constant 0.000000e+00 : f32
    %broadcast_in_dim3A_17 = vector.broadcast %jit3A_16 : f32 to vector<400x1xf32>
    %select_n3A_18 = arith.select %gt3A_10, %div3A_15, %broadcast_in_dim3A_17 : vector<400x1xi1>, vector<400x1xf32>
    %get3A_19 = arith.constant 0 : index
    %get3A_20 = arith.constant 0 : index
    %get3A_21 = arith.constant 0 : index
    %get3A_22 = vector.load %arg3[%get3A_19, %get3A_20, %get3A_21] : memref<2x400x128xf32, #tpu.memory_space<vmem>>, vector<1x400x128xf32>
    %get3A_23 = vector.shape_cast %get3A_22 : vector<1x400x128xf32> to vector<400x128xf32>
    %get3A_24 = arith.constant 1 : index
    %get3A_25 = arith.constant 0 : index
    %get3A_26 = arith.constant 0 : index
    %get3A_27 = vector.load %arg3[%get3A_24, %get3A_25, %get3A_26] : memref<2x400x128xf32, #tpu.memory_space<vmem>>, vector<1x400x128xf32>
    %get3A_28 = vector.shape_cast %get3A_27 : vector<1x400x128xf32> to vector<400x128xf32>
    %add3A_29 = arith.addf %get3A_23, %get3A_28 : vector<400x128xf32>
    %mul3A = vector.broadcast %select_n3A_18 : vector<400x1xf32> to vector<400x128xf32>
    %mul3A_30 = arith.mulf %add3A_29, %mul3A : vector<400x128xf32>
    %get3A_31 = arith.constant 0 : index
    %get3A_32 = arith.constant 0 : index
    %get3A_33 = vector.load %arg1[%get3A_31, %get3A_32] : memref<400x128xf32, #tpu.memory_space<vmem>>, vector<400x128xf32>
    %get3A_34 = arith.constant 0 : index
    %get3A_35 = arith.constant 0 : index
    %get3A_36 = vector.load %arg2[%get3A_34, %get3A_35] : memref<400x128xf32, #tpu.memory_space<vmem>>, vector<400x128xf32>
    %add3A_37 = arith.addf %get3A_33, %get3A_36 : vector<400x128xf32>
    %add3A_38 = arith.addf %add3A_37, %mul3A_30 : vector<400x128xf32>
    %mul3A_39 = arith.constant 0.333333343 : f32
    %mul3A_40 = vector.broadcast %mul3A_39 : f32 to vector<400x128xf32>
    %mul3A_41 = arith.mulf %add3A_38, %mul3A_40 : vector<400x128xf32>
    %mul3A_42 = arith.mulf %mul3A_41, %mul3A_41 : vector<400x128xf32>
    %reduce_sum3A = arith.constant dense<0.000000e+00> : vector<400xf32>
    %reduce_sum3A_43 = vector.multi_reduction <add>, %mul3A_42, %reduce_sum3A [1] : vector<400x128xf32> to vector<400xf32>
    %broadcast_in_dim3A_44 = vector.shape_cast %reduce_sum3A_43 : vector<400xf32> to vector<400x1xf32>
    %sqrt3A = math.sqrt %broadcast_in_dim3A_44 : vector<400x1xf32>
    %max3A = arith.constant 9.99999996E-13 : f32
    %max3A_45 = vector.broadcast %max3A : f32 to vector<400x1xf32>
    %max3A_46 = arith.maximumf %sqrt3A, %max3A_45 : vector<400x1xf32>
    %div3A_47 = vector.broadcast %max3A_46 : vector<400x1xf32> to vector<400x128xf32>
    %div3A_48 = arith.divf %mul3A_41, %div3A_47 : vector<400x128xf32>
    %swap3A = arith.constant 0 : index
    %swap3A_49 = arith.constant 0 : index
    %swap3A_50 = vector.load %arg5[%swap3A, %swap3A_49] : memref<400x128xf32, #tpu.memory_space<vmem>>, vector<400x128xf32>
    tpu.vector_store %arg5[%swap3A, %swap3A_49], %div3A_48 {strides = array<i32>} : memref<400x128xf32, #tpu.memory_space<vmem>>, vector<400x128xf32>,
    return
  }
  func.func @transform_0(%arg0: i32) -> (i32, i32) {
    %c0_i32 = arith.constant 0 : i32
    %c0_i32_0 = arith.constant 0 : i32
    return %arg0, %c0_i32 : i32, i32
  }
  func.func @transform_1(%arg0: i32) -> (i32, i32) {
    %c0_i32 = arith.constant 0 : i32
    %c0_i32_0 = arith.constant 0 : i32
    return %arg0, %c0_i32 : i32, i32
  }
  func.func @transform_2(%arg0: i32) -> (i32, i32, i32) {
    %c0_i32 = arith.constant 0 : i32
    %c0_i32_0 = arith.constant 0 : i32
    %c0_i32_1 = arith.constant 0 : i32
    return %c0_i32, %arg0, %c0_i32_0 : i32, i32, i32
  }
  func.func @transform_3(%arg0: i32) -> (i32, i32, i32) {
    %c0_i32 = arith.constant 0 : i32
    %c0_i32_0 = arith.constant 0 : i32
    %c0_i32_1 = arith.constant 0 : i32
    return %c0_i32, %arg0, %c0_i32_0 : i32, i32, i32
  }
  func.func @transform_4(%arg0: i32) -> (i32, i32) {
    %c0_i32 = arith.constant 0 : i32
    %c0_i32_0 = arith.constant 0 : i32
    return %arg0, %c0_i32 : i32, i32
  }
}

</mosaic_0001>

<sc_bundles>
// kernel: kernel.10.cloned.1.call-start
scs
__scs_entry_jumppad:
0x0: {  	(pc) =	sbr.rel $0x88, $3  }
0x1: {  	(tag) =	ssettag $0x0;
	lr =	simm.s32 $0x1  }
0x2: {  	[smem:$0x3F9E] =	sst lr;
	_ =	strace $0xD0000000  }
0x3: {  	_ = 	snop  }
0x4: {  	_ = 	snop  }
0x5: {  	_ = 	snop  }
0x6: {  	_ = 	snop  }
0x7: {  	_ = 	snop  }
__scs_overlays_trampoline_lowered:
0x8: {  	[smem:$0x3FAD] =	sst s0  }
0x9: {  	[smem:$0x3FAE] =	sst s1  }
0xa: {  	[smem:$0x3FAF] =	sst s2  }
0xb: {  	[smem:$0x3FB0] =	sst s3  }
0xc: {  	[smem:$0x3FB1] =	sst s4  }
0xd: {  	[smem:$0x3FB2] =	sst s5  }
0xe: {  	[smem:$0x3FB3] =	sst s6  }
0xf: {  	[smem:$0x3FB4] =	sst s7  }
0x10: {  	[smem:$0x3FB5] =	sst s8  }
0x11: {  	[smem:$0x3FB6] =	sst s9;
	s0 =	simm.s32 @!p0 $0x0  }
0x12: {  	s1 =	sld [smem:$0x3F9C];
	s0 =	simm.s32 @p0 $0x1  }
0x13: {  	[smem:$0x3FB7] =	sst s0;
	s0 =	simm.s32 @!p1 $0x0  }
0x14: {  	s2 =	sld [smem:$0x3F9B];
	s0 =	simm.s32 @p1 $0x1  }
0x15: {  	[smem:$0x3FB8] =	sst s0;
	s0 =	simm.s32 @!p2 $0x0  }
0x16: {  	s3 =	sld [smem:$0x3FDB];
	s0 =	simm.s32 @p2 $0x1  }
0x17: {  	s4 =	simm.s32 $0x1BF5;
	[smem:$0x3FBA] =	sst s0  }
0x18: {  	s0 =	sld [smem:$0x3F9D];
	_ =	swait.ge [sflag:s4], $0x0  }
0x19: {  	s7 =	sld [smem:$0x3F9E]  }
0x1a: {  	s8 =	sadd.s32 $0xFFFFE003, lr  }
0x1b: {  	s9 =	sadd.s32 $0xFFFFFEF7, lr;
	s5 =	simm.s32 $0xFFFFFFFF;
	p2 =	slt.u32 s8, $0xFFFFF086  }
0x1c: {  	p1 =	slt.u32 s9, $0xF7A;
	s5 =	simm.s32 @!p2 $0x0  }
0x1d: {  	s5 =	simm.s32 @p1 $0x1;
	p0 =	seq.s32 s7, s2  }
0x1e: {  	s7 =	smul.u32 @!p0 $0xF7A, s2;
	p2 =	seq.s32 @!p0 s5, $0x0  }
0x1f: {  	s9 =	smul.u32 $0xF7A, s1;
	s8 =	simm.s32 @!p0 $0x1BF5;
	p2 =	por !p2, p0  }
0x20: {  	[sflag:s8] =	ssyncset.s32 @!p0 $0xFFFFF086;
	s6 =	sadd.s32 @!p0 s3, s7;
	s7 =	simm.s32 @!p0 $0x108  }
0x21: {  	s3 =	sadd.s32 s3, s9;
	s6 =	sadd.s32 @!p0 $0x88, s6;
	s7 =	simm.s32 @p2 $0x1082  }
0x22: {  	[simem:s7], [sflag:s8] =	dma.local @!p0 [hbm:s6], $0xF7A  }
0x23: {  	s9 =	sor.u32 $0xD0000000, s2;
	s6 =	simm.s32 $0x108;
	_ =	swait.ge @!p0 [sflag:s8], $0x0  }
0x24: {  	s3 =	sadd.s32 $0x88, s3;
	s6 =	simm.s32 @!p1 $0x1082;
	[sflag:s4] =	ssyncset.s32 $0xFFFFF086  }
0x25: {  	[simem:s6], [sflag:s4] =	dma.local [hbm:s3], $0xF7A  }
0x26: {  	[smem:$0x3F9E] =	sst s1;
	(tag) =	ssettag s2;
	_ =	strace s9  }
0x27: {  	s1 =	sld [smem:$0x3FAE]  }
0x28: {  	s2 =	sld [smem:$0x3FAF]  }
0x29: {  	s4 =	sld [smem:$0x3FB1]  }
0x2a: {  	p0 =	seq.s32 s5, $0x0;
	s5 =	sld [smem:$0x3FB2]  }
0x2b: {  	s6 =	sld [smem:$0x3FB3]  }
0x2c: {  	s7 =	sld [smem:$0x3FB4]  }
0x2d: {  	s3 =	simm.s32 $0x108;
	s8 =	sld [smem:$0x3FB5]  }
0x2e: {  	s3 =	simm.s32 @!p0 $0x1082;
	s9 =	sld [smem:$0x3FB6]  }
0x2f: {  	lr =	sadd.s32 s0, s3;
	s0 =	sld [smem:$0x3FAD]  }
0x30: {  	s3 =	sld [smem:$0x3FB0]  }
0x31: {  	[smem:$0x3FB9] =	sst s10  }
0x32: {  	s10 =	sld [smem:$0x3FB7];
	_ =	sdelay $0x3  }
0x33: {  	p0 =	seq.s32 s10, $0x1;
	s10 =	sld [smem:$0x3FB9];
	_ =	sdelay $0x3  }
0x34: {  	[smem:$0x3FB9] =	sst s10  }
0x35: {  	s10 =	sld [smem:$0x3FB8];
	_ =	sdelay $0x3  }
0x36: {  	p1 =	seq.s32 s10, $0x1;
	s10 =	sld [smem:$0x3FB9];
	_ =	sdelay $0x3  }
0x37: {  	[smem:$0x3FB9] =	sst s10  }
0x38: {  	s10 =	sld [smem:$0x3FBA]  }
0x39: {  	_ = 	snop;
	(pc) =	sbr.ind lr, $3  }
0x3a: {  	_ = 	snop  }
0x3b: {  	_ = 	snop  }
0x3c: {  	p2 =	seq.s32 s10, $0x1;
	s10 =	sld [smem:$0x3FB9]  }
0x3d: {  	_ =	shalt  }
0x3e: {  	_ =	shalt  }
0x3f: {  	_ =	shalt  }
0x40: {  	_ =	shalt  }
0x41: {  	_ =	shalt  }
0x42: {  	_ =	shalt  }
0x43: {  	_ =	shalt  }
0x44: {  	_ =	shalt  }
0x45: {  	_ =	shalt  }
0x46: {  	_ =	shalt  }
0x47: {  	_ =	shalt  }
0x48: {  	_ =	shalt  }
0x49: {  	_ =	shalt  }
0x4a: {  	_ =	shalt  }
0x4b: {  	_ =	shalt  }
0x4c: {  	_ =	shalt  }
0x4d: {  	_ =	shalt  }
0x4e: {  	_ =	shalt  }
0x4f: {  	_ =	shalt  }
0x50: {  	_ =	shalt  }
0x51: {  	_ =	shalt  }
0x52: {  	_ =	shalt  }
0x53: {  	_ =	shalt  }
0x54: {  	_ =	shalt  }
0x55: {  	_ =	shalt  }
0x56: {  	_ =	shalt  }
0x57: {  	_ =	shalt  }
0x58: {  	_ =	shalt  }
0x59: {  	_ =	shalt  }
0x5a: {  	_ =	shalt  }
0x5b: {  	_ =	shalt  }
0x5c: {  	_ =	shalt  }
0x5d: {  	_ =	shalt  }
0x5e: {  	_ =	shalt  }
0x5f: {  	_ =	shalt  }
0x60: {  	_ =	shalt  }
0x61: {  	_ =	shalt  }
0x62: {  	_ =	shalt  }
0x63: {  	_ =	shalt  }
0x64: {  	_ =	shalt  }
0x65: {  	_ =	shalt  }
0x66: {  	_ =	shalt  }
0x67: {  	_ =	shalt  }
0x68: {  	_ =	shalt  }
0x69: {  	_ =	shalt  }
0x6a: {  	_ =	shalt  }
0x6b: {  	_ =	shalt  }
0x6c: {  	_ =	shalt  }
0x6d: {  	_ =	shalt  }
0x6e: {  	_ =	shalt  }
0x6f: {  	_ =	shalt  }
0x70: {  	_ =	shalt  }
0x71: {  	_ =	shalt  }
0x72: {  	_ =	shalt  }
0x73: {  	_ =	shalt  }
0x74: {  	_ =	shalt  }
0x75: {  	_ =	shalt  }
0x76: {  	_ =	shalt  }
0x77: {  	_ =	shalt  }
0x78: {  	_ =	shalt  }
0x79: {  	_ =	shalt  }
0x7a: {  	_ =	shalt  }
0x7b: {  	_ =	shalt  }
0x7c: {  	_ =	shalt  }
0x7d: {  	_ =	shalt  }
0x7e: {  	_ =	shalt  }
0x7f: {  	_ =	shalt  }
0x80: {  	_ =	shalt  }
0x81: {  	_ =	shalt  }
0x82: {  	_ =	shalt  }
0x83: {  	_ =	shalt  }
0x84: {  	_ =	shalt  }
0x85: {  	_ =	shalt  }
0x86: {  	_ =	shalt  }
0x87: {  	_ =	shalt  }
.Lfunc_end0:
.L_simem_size_0:
called_computation_lowered:
.L_overlay_start_0:
0x88: {  	s2 =	sld [smem:$0x3FD9]  }
0x89: {  	s3 =	sld [smem:$0x3FFE];
	_ =	sdelay $0x1  }
0x8a: {  	s1 =	srdreg.scid  }
0x8b: {  	s0 =	sand.u32 $0x1, s1  }
0x8c: {  	s17 =	sshll.u32 s0, $0xA;
	s2 =	sadd.s32 s3, s2  }
0x8d: {  	s2 =	sadd.s32 s2, s17  }
0x8e: {  	[smem:$0x3FC5] =	sst s2  }
0x8f: {  	_ = 	snop  }
0x90: {  	s2 =	sld [smem:$0x3FC9]  }
0x91: {  	s18 =	sld [smem:$0x3FC8]  }
0x92: {  	s4 =	sld [smem:$0x3FC7]  }
0x93: {  	s5 =	sld [smem:$0x3FD0];
	(tm) =	ssettm $0x1  }
0x94: {  	s6 =	sld [smem:$0x3FFB];
	_ =	sdelay $0x3  }
0x95: {  	_ =	strace s6  }
0x96: {  	s6 =	sld [smem:$0x3FFC];
	_ =	sdelay $0x3  }
0x97: {  	_ =	strace s6  }
0x98: {  	s6 =	sld [smem:$0x3FFD];
	_ =	sdelay $0x3  }
0x99: {  	_ =	strace s6  }
0x9a: {  	_ =	strace $0x8FFFFFFF  }
0x9b: {  	s19 =	sld [smem:$0x3FDB];
	_ =	sdelay $0x1  }
0x9c: {  	s7 =	simm.s32 $_scs_section_size  }
0x9d: {  	s8 =	simm.s32 $_size__tile_overlayer_lowered;
	s9 =	simm.s32 $_tile_overlayer_lowered  }
0x9e: {  	s22 =	simm.s32 $0x1BFF;
	s21 =	sshll.u32 s9, $0x1;
	s6 =	sadd.s32 s7, s19  }
0x9f: {  	s10 =	simm.s32 $0x0;
	s20 =	sshll.u32 s8, $0x1;
	s8 =	sadd.s32 s21, s6  }
0xa0: {  	[timem:s10], [sflag:s22] =	dma.local [hbm:s8], s20  }
0xa1: {  	_ =	swait.ge [sflag:s22], s20  }
0xa2: {  	s7 =	ssub.s32 $0x0, s20;
	[sflag:s22] =	ssyncset.done $0x0  }
0xa3: {  	[sflag:s22] =	ssyncadd.s32 s7;
	_ =	sdelay $0x1  }
0xa4: {  	s23 =	simm.s32 $0x1B8B  }
0xa5: {  	_ =	swait.ge [sflag:s23], $0x1  }
0xa6: {  	[sflag:s23] =	ssyncset.done $0x0  }
0xa7: {  	s25 =	simm.s32 $0x1B8E;
	s24 =	sld [smem:$0x3FFE];
	[sflag:s23] =	ssyncadd.s32 $0xFFFFFFFF  }
0xa8: {  	s26 =	simm.s32 $execute0_lowered;
	[smem:$0x3FD2] =	sst s25  }
0xa9: {  	s8 =	sshll.u32 s26, $0x1;
	_ =	strace $0x80000046;
	[dreg:$0x1] =	wrdreg $0xFFFFFFFF  }
0xaa: {  	s28 =	simm.s32 $_size_execute0_lowered;
	s6 =	sadd.s32 s6, s8;
	[dreg:$0x0] =	wrdreg $0x0  }
0xab: {  	s8 =	sshll.u32 s28, $0x1;
	[dreg:$0x2] =	wrdreg s6  }
0xac: {  	[dreg:$0x3] =	wrdreg s8  }
0xad: {  	[dreg:$0x4] =	wrdreg $0xC0  }
0xae: {  	_ =	task [dreg:s10], $0x5FFFF  }
0xaf: {  	[dreg:$0x1] =	wrdreg $0xFFFFFFFF  }
0xb0: {  	[dreg:$0x0] =	wrdreg $0x60  }
0xb1: {  	[dreg:$0x2] =	wrdreg s2  }
0xb2: {  	[dreg:$0x3] =	wrdreg s4  }
0xb3: {  	[dreg:$0x4] =	wrdreg s18  }
0xb4: {  	[dreg:$0x5] =	wrdreg s24  }
0xb5: {  	[dreg:$0x6] =	wrdreg s5  }
0xb6: {  	[dreg:$0x7] =	wrdreg $0x91000  }
0xb7: {  	[dreg:$0x8] =	wrdreg $0x134000  }
0xb8: {  	[dreg:$0x9] =	wrdreg $0x135400  }
0xb9: {  	[dreg:$0xa] =	wrdreg $0x9  }
0xba: {  	_ =	task.clear_ibuf [dreg:s10], $0xBFFFF;
	_ =	strace $0x90000046  }
0xbb: {  	s29 =	simm.s32 $0x9;
	_ =	strace $0x80000048  }
0xbc: {  	_ =	swait.ge [sflag:s29], $0x1  }
0xbd: {  	[sflag:s29] =	ssyncadd.s32 $0xFFFFFFFF  }
0xbe: {  	_ =	strace $0x90000048  }
0xbf: {  	_ =	sfence  }
0xc0: {  	s30 =	sld [smem:$0x0];
	_ =	sdelay $0x2  }
0xc1: {  	s31 =	sshll.u32 s1, $0xD;
	s1 =	sshrl.u32 s1, $0x2  }
0xc2: {  	s3 =	sand.u32 $0x4000, s31;
	s1 =	sadd.s32 s1, s30  }
0xc3: {  	s0 =	sor.u32 s3, s0;
	s1 =	sshll.u32 s1, $0x11  }
0xc4: {  	s0 =	sor.u32 s1, s0  }
0xc5: {  	s0 =	sadd.s32 $0x8F2B, s0  }
0xc6: {  	[sflag:s0] =	ssyncadd.remote.s32 $0x1  }
0xc7: {  	_ =	sfence.sel $0xFFFF  }
0xc8: {  	[dreg:$0x0] =	wrdreg $0xFFFFFFFF;
	(pc) =	sbr.abs _section_cstart, $3  }
0xc9: {  	[dreg:$0x1] =	wrdreg $0xFFFFFFFF  }
0xca: {  	_ =	task.clear_ibuf [dreg:s10], $0x2FFFF;
	_ =	strace $0x9FFFFFFF  }
0xcb: {  	(tm) =	ssettm $0x7FFFFFFF  }
tec
execute0_lowered:
.L_overlay_start_1:
0x0: {  	(tag) =	ssettag $0x1  }
0x1: {  	s0 =	rddreg [dreg:$0x0]  }
0x2: {  	s1 =	rddreg [dreg:$0x1]  }
0x3: {  	s4 =	rddreg [dreg:$0x2]  }
0x4: {  	s10 =	rddreg [dreg:$0x3]  }
0x5: {  	s18 =	rddreg [dreg:$0x4]  }
0x6: {  	s2 =	rddreg [dreg:$0x5]  }
0x7: {  	s3 =	rddreg [dreg:$0x6]  }
0x8: {  	s5 =	rddreg [dreg:$0x7];
	s6 =	simm.s32 $0x0;
	s7 =	srdreg.scid  }
0x9: {  	s8 =	stileid.u32;
	s28 =	simm.s32 $0x80;
	s29 =	simm.s32 $0x100  }
0xa: {  	s30 =	simm.s32 $0x1;
	s31 =	simm.s32 $0x0;
	[smem:$0x7FF] =	sst s6  }
0xb: {  	s19 =	sand.u32 $0x1, s7;
	s13 =	smul.u32 $0x280, s8;
	s20 =	sadd.s32 $0x4200, s10  }
0xc: {  	s21 =	sadd.s32 $0x4000, s10;
	s22 =	sadd.s32 $0x3E00, s10;
	s14 =	smul.u32 $0x140, s8  }
0xd: {  	s16 =	smul.u32 $0x28000, s8;
	_ =	strace $0x80000047;
	[dreg:$0x9] =	wrdreg s20  }
0xe: {  	s17 =	sadd.s32 $0x4C00, s10;
	s7 =	smul.u32 $0xA000, s8;
	[dreg:$0xa] =	wrdreg s21  }
0xf: {  	p0 =	sgt.u32 s8, $0x1;
	s11 =	smul.u32 $0x2800, s19;
	[dreg:$0xb] =	wrdreg s22  }
0x10: {  	s12 =	ssub.s32 $0x2, s19;
	s25 =	smul.u32 $0xA0000, s19;
	s22 =	sshll.u32 s8, $0x5  }
0x11: {  	s9 =	smul.u32 $0x1400, s19;
	s15 =	sshrl.u32 s12, $0x1;
	s23 =	sshrl.u32 s16, $0x2  }
0x12: {  	s24 =	sshll.u32 s14, $0x7;
	s11 =	sadd.s32 s13, s11;
	s21 =	ssub.s32 s12, s15  }
0x13: {  	s26 =	sadd.s32 $0x5000, s24;
	s16 =	sadd.s32 s7, s25;
	s12 =	sadd.s32 s14, s3  }
0x14: {  	s13 =	sadd.s32 s13, s5;
	s11 =	sshrl.u32 s11, $0x3;
	s24 =	sadd.s32 s25, s26  }
0x15: {  	s16 =	sshrl.u32 s16, $0x3;
	s25 =	smul.u32 $0x9C0, s8;
	s20 =	sadd.s32 s11, s10  }
0x16: {  	s10 =	sadd.s32 s23, s2;
	s11 =	sadd.s32 s26, s2;
	s23 =	sshll.u32 s19, $0x4  }
0x17: {  	s15 =	sadd.s32 s17, s16;
	s24 =	sshrl.u32 s24, $0x3;
	s26 =	smul.u32 $0x4E0, s19  }
0x18: {  	s22 =	sor.u32 s23, s22;
	s23 =	sadd.s32 s14, s9;
	s16 =	sadd.s32 s17, s24  }
0x19: {  	s19 =	sadd.s32 $0x2CC00, s20;
	s20 =	smax.u32 s21, $0x1;
	s22 =	sor.u32 $0x9C00, s22  }
0x1a: {  	s24 =	simm.s32 $0x2;
	s23 =	sshrl.u32 s23, $0x3;
	s14 =	sadd.s32 s1, s22  }
0x1b: {  	s17 =	sadd.s32 s4, s22;
	s18 =	sadd.s32 s18, s23;
	s1 =	sadd.s32 s25, s1  }
0x1c: {  	s4 =	sadd.s32 s25, s4;
	s23 =	simm.s32 $0x4100;
	s25 =	simm.s32 $0x13100  }
0x1d: {  	s21 =	sadd.s32 s26, s1;
	s22 =	sadd.s32 s26, s4;
	s26 =	simm.s32 $0x13180  }
.LBB2_1:
0x1e: {  	s1 =	rddreg [dreg:$0x9]  }
0x1f: {  	[tilespmem:s23], [sflag:$0x2] =	stream.linear.gather [hbm4b:s1+s6], $0x5000, $0x38;
	[tilespmem:$0x137C0] =	vst v63  }
0x20: {  	_ =	swait.ge [sflag:s24], $0x5000  }
0x21: {  	[sflag:s24] =	ssyncset.done $0x0  }
0x22: {  	[sflag:s24] =	ssyncadd.s32 $0xFFFFB000  }
0x23: {  	[spmem:s10] =	stream.linear.scatter [tilespmem:s23], [sflag:$0x2], $0x5000, $0x38;
	[tilespmem:$0x137C0] =	vst v63  }
0x24: {  	_ =	swait.ge [sflag:s24], $0x5000  }
0x25: {  	[sflag:s24] =	ssyncset.done $0x0  }
0x26: {  	[sflag:s24] =	ssyncadd.s32 $0xFFFFB000  }
0x27: {  	[spmem:s11] =	stream.linear.scatter [tilespmem:s23], [sflag:$0x2], $0x5000, $0x38;
	[tilespmem:$0x137C0] =	vst v63  }
0x28: {  	_ =	swait.ge [sflag:s24], $0x5000  }
0x29: {  	[sflag:s24] =	ssyncset.done $0x0  }
0x2a: {  	s4 =	rddreg [dreg:$0xb];
	[sflag:s24] =	ssyncadd.s32 $0xFFFFB000  }
0x2b: {  	[tilespmem:s25], [sflag:$0x2] =	stream.linear.gather [hbm4b:s4+s6], $0x80, $0x38;
	[tilespmem:$0x137C0] =	vst v63  }
0x2c: {  	_ =	swait.ge [sflag:s24], $0x80  }
0x2d: {  	[sflag:s24] =	ssyncset.done $0x0  }
0x2e: {  	s7 =	rddreg [dreg:$0xa];
	[sflag:s24] =	ssyncadd.s32 $0xFFFFFF80  }
0x2f: {  	[tilespmem:s26], [sflag:$0x2] =	stream.linear.gather [hbm4b:s7+s6], $0x280, $0x38;
	[tilespmem:$0x137C0] =	vst v63  }
0x30: {  	_ =	swait.ge [sflag:s24], $0x280  }
0x31: {  	[sflag:s24] =	ssyncset.done $0x0  }
0x32: {  	[sflag:s24] =	ssyncadd.s32 $0xFFFFFD80  }
0x33: {  	[spmem:s12] =	stream.linear.scatter [tilespmem:s26], [sflag:$0x2], $0x140, $0x38;
	[tilespmem:$0x137C0] =	vst v63  }
0x34: {  	_ =	swait.ge [sflag:s24], $0x140  }
0x35: {  	[sflag:s24] =	ssyncset.done $0x0  }
0x36: {  	[sflag:s24] =	ssyncadd.s32 $0xFFFFFEC0  }
0x37: {  	[spmem:s13] =	stream.linear.scatter [tilespmem:s26], [sflag:$0x2], $0x280, $0x38;
	[tilespmem:$0x137C0] =	vst v63  }
0x38: {  	_ =	swait.ge [sflag:s24], $0x280  }
0x39: {  	[sflag:s24] =	ssyncset.done $0x0  }
0x3a: {  	[sflag:s24] =	ssyncadd.s32 $0xFFFFFD80  }
0x3b: {  	s8 =	sadd.s32 $0x0, s21;
	[bflag:$0x0] =	sbarrier.arrive $0xFFFF  }
0x3c: {  	[tilespmem:s6], [sflag:$0x2] =	stream.linear.gather [hbm4b:s8+s6], $0x80, $0x38;
	[tilespmem:$0x137C0] =	vst v63  }
0x3d: {  	_ =	swait.ge [sflag:s24], $0x80  }
0x3e: {  	[sflag:s24] =	ssyncset.done $0x0  }
0x3f: {  	s9 =	sadd.s32 $0x0, s22;
	[sflag:s24] =	ssyncadd.s32 $0xFFFFFF80  }
0x40: {  	[tilespmem:s28], [sflag:$0x2] =	stream.linear.gather [hbm4b:s9+s6], $0x80, $0x38;
	[tilespmem:$0x137C0] =	vst v63  }
0x41: {  	_ =	swait.ge [sflag:s24], $0x80  }
0x42: {  	[sflag:s24] =	ssyncset.done $0x0  }
0x43: {  	[sflag:s24] =	ssyncadd.s32 $0xFFFFFF80  }
0x44: {  	[tilespmem:s29], [sflag:$0x1] =	stream.indirect.gather [hbm4b:s0+s28], $0x80, s6, s28, $0xb8;
	[tilespmem:$0x137C0] =	vst v63  }
0x45: {  	_ =	swait.ge [sflag:s30], $0x4000  }
0x46: {  	[sflag:s30] =	ssyncset.done $0x0  }
0x47: {  	[sflag:s30] =	ssyncadd.s32 $0xFFFFC000  }
0x48: {  	[spmem:s2] =	stream.indirect.scatter.add.f32 [tilespmem:s29], [sflag:$0x2], $0x80, s28, s28, $0xb8;
	[tilespmem:$0x137C0] =	vst v63  }
0x49: {  	_ =	swait.ge [sflag:s24], $0x4000  }
0x4a: {  	[sflag:s24] =	ssyncset.done $0x0  }
0x4b: {  	[sflag:s24] =	ssyncadd.s32 $0xFFFFC000  }
0x4c: {  	[spmem:s3] =	stream.indirect.scatter.add.f32 [tilespmem:s25], [sflag:$0x2], $0x1, s28, s28, $0xb8;
	[tilespmem:$0x137C0] =	vst v63  }
0x4d: {  	_ =	swait.ge [sflag:s24], $0x80  }
0x4e: {  	[sflag:s24] =	ssyncset.done $0x0  }
0x4f: {  	[sflag:s24] =	ssyncadd.s32 $0xFFFFFF80  }
0x50: {  	[spmem:s5] =	stream.indirect.scatter.add.f32 [tilespmem:s25], [sflag:$0x2], $0x1, s6, s28, $0xb8;
	[tilespmem:$0x137C0] =	vst v63  }
0x51: {  	_ =	swait.ge [sflag:s24], $0x80  }
0x52: {  	s1 =	simm.s32 $0x10;
	s4 =	simm.s32 $0x20;
	[sflag:s24] =	ssyncset.done $0x0  }
.LBB2_2:
0x53: {  	s7 =	sadd.s32 s1, s21  }
0x54: {  	[sflag:s24] =	ssyncadd.s32 $0xFFFFFF80;
	s8 =	smov.u32 s4;
	s9 =	sadd.s32 $0x10, s4  }
0x55: {  	[tilespmem:s6], [sflag:$0x2] =	stream.linear.gather [hbm4b:s7+s6], $0x80, $0x38;
	[tilespmem:$0x137C0] =	vst v63  }
0x56: {  	p1 =	sne.s32 s4, $0x4D0;
	_ =	swait.ge [sflag:s24], $0x80  }
0x57: {  	[sflag:s24] =	ssyncset.done $0x0  }
0x58: {  	s4 =	sadd.s32 s1, s22;
	s1 =	smov.u32 s8;
	[sflag:s24] =	ssyncadd.s32 $0xFFFFFF80  }
0x59: {  	[tilespmem:s28], [sflag:$0x2] =	stream.linear.gather [hbm4b:s4+s6], $0x80, $0x38;
	[tilespmem:$0x137C0] =	vst v63  }
0x5a: {  	_ =	swait.ge [sflag:s24], $0x80  }
0x5b: {  	[sflag:s24] =	ssyncset.done $0x0  }
0x5c: {  	[sflag:s24] =	ssyncadd.s32 $0xFFFFFF80  }
0x5d: {  	[tilespmem:s29], [sflag:$0x1] =	stream.indirect.gather [hbm4b:s0+s28], $0x80, s6, s28, $0xb8;
	[tilespmem:$0x137C0] =	vst v63  }
0x5e: {  	_ =	swait.ge [sflag:s30], $0x4000  }
0x5f: {  	[sflag:s30] =	ssyncset.done $0x0  }
0x60: {  	[sflag:s30] =	ssyncadd.s32 $0xFFFFC000  }
0x61: {  	[spmem:s2] =	stream.indirect.scatter.add.f32 [tilespmem:s29], [sflag:$0x2], $0x80, s28, s28, $0xb8;
	[tilespmem:$0x137C0] =	vst v63  }
0x62: {  	_ =	swait.ge [sflag:s24], $0x4000  }
0x63: {  	[sflag:s24] =	ssyncset.done $0x0  }
0x64: {  	[sflag:s24] =	ssyncadd.s32 $0xFFFFC000  }
0x65: {  	[spmem:s3] =	stream.indirect.scatter.add.f32 [tilespmem:s25], [sflag:$0x2], $0x1, s28, s28, $0xb8;
	[tilespmem:$0x137C0] =	vst v63  }
0x66: {  	_ =	swait.ge [sflag:s24], $0x80  }
.Ltmp0:
0x67: {  	[sflag:s24] =	ssyncset.done $0x0;
	(pc) =	sbr.rel @p1 .LBB2_2-.Ltmp0, $4  }
0x68: {  	[sflag:s24] =	ssyncadd.s32 $0xFFFFFF80  }
0x69: {  	[spmem:s5] =	stream.indirect.scatter.add.f32 [tilespmem:s25], [sflag:$0x2], $0x1, s6, s28, $0xb8;
	[tilespmem:$0x137C0] =	vst v63  }
0x6a: {  	_ =	swait.ge [sflag:s24], $0x80  }
0x6b: {  	s4 =	smov.u32 s9;
	[sflag:s24] =	ssyncset.done $0x0  }
0x6c: {  	s4 =	sadd.s32 s1, s21;
	[sflag:s24] =	ssyncadd.s32 $0xFFFFFF80  }
0x6d: {  	[tilespmem:s6], [sflag:$0x2] =	stream.linear.gather [hbm4b:s4+s6], $0x80, $0x38;
	[tilespmem:$0x137C0] =	vst v63  }
0x6e: {  	_ =	swait.ge [sflag:s24], $0x80  }
0x6f: {  	[sflag:s24] =	ssyncset.done $0x0  }
0x70: {  	s9 =	sadd.s32 s1, s22;
	[sflag:s24] =	ssyncadd.s32 $0xFFFFFF80  }
0x71: {  	[tilespmem:s28], [sflag:$0x2] =	stream.linear.gather [hbm4b:s9+s6], $0x80, $0x38;
	[tilespmem:$0x137C0] =	vst v63  }
0x72: {  	_ =	swait.ge [sflag:s24], $0x80  }
0x73: {  	[sflag:s24] =	ssyncset.done $0x0  }
0x74: {  	[sflag:s24] =	ssyncadd.s32 $0xFFFFFF80  }
0x75: {  	[tilespmem:s29], [sflag:$0x1] =	stream.indirect.gather [hbm4b:s0+s28], $0x80, s6, s28, $0xb8;
	[tilespmem:$0x137C0] =	vst v63  }
0x76: {  	_ =	swait.ge [sflag:s30], $0x4000  }
0x77: {  	[sflag:s30] =	ssyncset.done $0x0  }
0x78: {  	[sflag:s30] =	ssyncadd.s32 $0xFFFFC000  }
0x79: {  	[spmem:s2] =	stream.indirect.scatter.add.f32 [tilespmem:s29], [sflag:$0x2], $0x80, s28, s28, $0xb8;
	[tilespmem:$0x137C0] =	vst v63  }
0x7a: {  	_ =	swait.ge [sflag:s24], $0x4000  }
0x7b: {  	[sflag:s24] =	ssyncset.done $0x0  }
0x7c: {  	[sflag:s24] =	ssyncadd.s32 $0xFFFFC000  }
0x7d: {  	[spmem:s3] =	stream.indirect.scatter.add.f32 [tilespmem:s25], [sflag:$0x2], $0x1, s28, s28, $0xb8;
	[tilespmem:$0x137C0] =	vst v63  }
0x7e: {  	_ =	swait.ge [sflag:s24], $0x80  }
0x7f: {  	[sflag:s24] =	ssyncset.done $0x0  }
0x80: {  	[sflag:s24] =	ssyncadd.s32 $0xFFFFFF80  }
0x81: {  	[spmem:s5] =	stream.indirect.scatter.add.f32 [tilespmem:s25], [sflag:$0x2], $0x1, s6, s28, $0xb8;
	[tilespmem:$0x137C0] =	vst v63  }
0x82: {  	_ =	swait.ge [sflag:s24], $0x80  }
0x83: {  	[sflag:s24] =	ssyncset.done $0x0  }
0x84: {  	s1 =	simm.s32 @!p0 $0x0;
	s4 =	simm.s32 @!p0 $0x2;
	[sflag:s24] =	ssyncadd.s32 $0xFFFFFF80  }
0x85: {  	[tilespmem:s1], [sflag:$0x2] =	stream.linear.gather @!p0 [hbm4b:s14+s1], $0x80, $0x38;
	[tilespmem:$0x137C0] =	vst v63  }
0x86: {  	_ =	swait.ge @!p0 [sflag:s4], $0x80  }
0x87: {  	[sflag:s4] =	ssyncset.done @!p0 $0x0  }
0x88: {  	s7 =	simm.s32 @!p0 $0x80;
	[sflag:s4] =	ssyncadd.s32 @!p0 $0xFFFFFF80  }
0x89: {  	[tilespmem:s7], [sflag:$0x2] =	stream.linear.gather @!p0 [hbm4b:s17+s1], $0x80, $0x38;
	[tilespmem:$0x137C0] =	vst v63  }
0x8a: {  	_ =	swait.ge @!p0 [sflag:s4], $0x80  }
0x8b: {  	[sflag:s4] =	ssyncset.done @!p0 $0x0  }
0x8c: {  	s8 =	simm.s32 @!p0 $0x100;
	s9 =	simm.s32 @!p0 $0x1;
	[sflag:s4] =	ssyncadd.s32 @!p0 $0xFFFFFF80  }
0x8d: {  	[tilespmem:s8], [sflag:$0x1] =	stream.indirect.gather @!p0 [hbm4b:s0+s7], $0x80, s1, s7, $0xb8;
	[tilespmem:$0x137C0] =	vst v63  }
0x8e: {  	_ =	swait.ge @!p0 [sflag:s9], $0x4000  }
0x8f: {  	[sflag:s9] =	ssyncset.done @!p0 $0x0  }
0x90: {  	[sflag:s9] =	ssyncadd.s32 @!p0 $0xFFFFC000  }
0x91: {  	[spmem:s2] =	stream.indirect.scatter.add.f32 @!p0 [tilespmem:s8], [sflag:$0x2], $0x80, s7, s7, $0xb8;
	[tilespmem:$0x137C0] =	vst v63  }
0x92: {  	_ =	swait.ge @!p0 [sflag:s4], $0x4000  }
0x93: {  	[sflag:s4] =	ssyncset.done @!p0 $0x0  }
0x94: {  	s8 =	simm.s32 @!p0 $0x13100;
	[sflag:s4] =	ssyncadd.s32 @!p0 $0xFFFFC000  }
0x95: {  	[spmem:s3] =	stream.indirect.scatter.add.f32 @!p0 [tilespmem:s8], [sflag:$0x2], $0x1, s7, s7, $0xb8;
	[tilespmem:$0x137C0] =	vst v63  }
0x96: {  	_ =	swait.ge @!p0 [sflag:s4], $0x80  }
0x97: {  	[sflag:s4] =	ssyncset.done @!p0 $0x0  }
0x98: {  	[sflag:s4] =	ssyncadd.s32 @!p0 $0xFFFFFF80  }
0x99: {  	[spmem:s5] =	stream.indirect.scatter.add.f32 @!p0 [tilespmem:s8], [sflag:$0x2], $0x1, s1, s7, $0xb8;
	[tilespmem:$0x137C0] =	vst v63  }
0x9a: {  	_ =	swait.ge @!p0 [sflag:s4], $0x80  }
0x9b: {  	[sflag:s4] =	ssyncset.done @!p0 $0x0  }
0x9c: {  	[sflag:s4] =	ssyncadd.s32 @!p0 $0xFFFFFF80  }
0x9d: {  	[bflag:$0x0] =	sbarrier.arrive $0xFFFF  }
0x9e: {  	[tilespmem:s23], [sflag:$0x2] =	stream.linear.gather [spmem:s10], $0x5000, $0x38;
	[tilespmem:$0x137C0] =	vst v63  }
0x9f: {  	_ =	swait.ge [sflag:s24], $0x5000  }
0xa0: {  	[sflag:s24] =	ssyncset.done $0x0  }
0xa1: {  	[sflag:s24] =	ssyncadd.s32 $0xFFFFB000  }
0xa2: {  	[hbm4b:s15+s6] =	stream.linear.scatter [tilespmem:s23], [sflag:$0x2], $0x5000, $0x38;
	[tilespmem:$0x137C0] =	vst v63  }
0xa3: {  	_ =	swait.ge [sflag:s24], $0x5000  }
0xa4: {  	[sflag:s24] =	ssyncset.done $0x0  }
0xa5: {  	[sflag:s24] =	ssyncadd.s32 $0xFFFFB000  }
0xa6: {  	[tilespmem:s23], [sflag:$0x2] =	stream.linear.gather [spmem:s11], $0x5000, $0x38;
	[tilespmem:$0x137C0] =	vst v63  }
0xa7: {  	_ =	swait.ge [sflag:s24], $0x5000  }
0xa8: {  	[sflag:s24] =	ssyncset.done $0x0  }
0xa9: {  	[sflag:s24] =	ssyncadd.s32 $0xFFFFB000  }
0xaa: {  	[hbm4b:s16+s6] =	stream.linear.scatter [tilespmem:s23], [sflag:$0x2], $0x5000, $0x38;
	[tilespmem:$0x137C0] =	vst v63  }
0xab: {  	_ =	swait.ge [sflag:s24], $0x5000  }
0xac: {  	[sflag:s24] =	ssyncset.done $0x0  }
0xad: {  	[sflag:s24] =	ssyncadd.s32 $0xFFFFB000  }
0xae: {  	[tilespmem:s26], [sflag:$0x2] =	stream.linear.gather [spmem:s12], $0x140, $0x38;
	[tilespmem:$0x137C0] =	vst v63  }
0xaf: {  	_ =	swait.ge [sflag:s24], $0x140  }
0xb0: {  	[sflag:s24] =	ssyncset.done $0x0  }
0xb1: {  	[sflag:s24] =	ssyncadd.s32 $0xFFFFFEC0  }
0xb2: {  	[hbm4b:s18+s6] =	stream.linear.scatter [tilespmem:s26], [sflag:$0x2], $0x140, $0x38;
	[tilespmem:$0x137C0] =	vst v63  }
0xb3: {  	_ =	swait.ge [sflag:s24], $0x140  }
0xb4: {  	[sflag:s24] =	ssyncset.done $0x0  }
0xb5: {  	[sflag:s24] =	ssyncadd.s32 $0xFFFFFEC0  }
0xb6: {  	[tilespmem:s26], [sflag:$0x2] =	stream.linear.gather [spmem:s13], $0x280, $0x38;
	[tilespmem:$0x137C0] =	vst v63  }
0xb7: {  	s31 =	sadd.s32 $0x1, s31;
	_ =	swait.ge [sflag:s24], $0x280  }
0xb8: {  	p1 =	sne.s32 s31, s20;
	[sflag:s24] =	ssyncset.done $0x0  }
.Ltmp1:
0xb9: {  	[sflag:s24] =	ssyncadd.s32 $0xFFFFFD80;
	(pc) =	sbr.rel @p1 .LBB2_1-.Ltmp1, $4  }
0xba: {  	[hbm4b:s19+s6] =	stream.linear.scatter [tilespmem:s26], [sflag:$0x2], $0x280, $0x38;
	[tilespmem:$0x137C0] =	vst v63  }
0xbb: {  	_ =	swait.ge [sflag:s24], $0x280  }
0xbc: {  	[sflag:s24] =	ssyncset.done $0x0  }
0xbd: {  	[sflag:s24] =	ssyncadd.s32 $0xFFFFFD80  }
0xbe: {  	_ =	sfence.sel $0x180000  }
0xbf: {  	[bflag:$0x0] =	sbarrier.arrive $0xFFFF  }
0xc0: {  	_ =	strace $0x90000047  }
0xc1: {  	s0 =	stileid.u32;
	[bflag:$0x2] =	sbarrier.arrive $0xFFFF  }
0xc2: {  	p0 =	sne.s32 s0, $0x0;
	s0 =	rddreg [dreg:$0x8]  }
0xc3: {  	s0 =	sadd.s32 @!p0 $0x100000, s0  }
0xc4: {  	[sflag:s0] =	ssyncadd.tile.s32 @!p0 $0x1;
	_ =	shalt  }
.Lfunc_end2:
_tile_overlayer_lowered:
.L_overlay_start_2:
0xc5: {  	(tag) =	ssettag $0x2  }
0xc6: {  	s0 =	rddreg [dreg:$0x0];
	s2 =	stileid.u32  }
0xc7: {  	s1 =	rddreg [dreg:$0x1];
	p0 =	sne.s32 s2, $0x0  }
0xc8: {  	s3 =	rddreg [dreg:$0x2];
	[bflag:$0x3] =	sbarrier.arrive $0xFFFF;
	s2 =	simm.s32 @!p0 $0x1C02  }
0xc9: {  	[timem:s3], [sflag:s2] =	dma.local @!p0 [hbm:s0], s1  }
0xca: {  	s0 =	simm.s32 @!p0 $0x2  }
0xcb: {  	_ =	swait.ge @!p0 [sflag:s0], s1  }
0xcc: {  	s1 =	ssub.s32 @!p0 $0x0, s1;
	[sflag:s0] =	ssyncset.done @!p0 $0x0  }
0xcd: {  	[sflag:s0] =	ssyncadd.s32 @!p0 s1  }
0xce: {  	[bflag:$0x3] =	sbarrier.arrive $0xFFFF  }
0xcf: {  	_ =	shalt  }

// kernel: kernel.13.cloned.1.call-start
scs
__scs_entry_jumppad:
0x0: {  	(pc) =	sbr.rel $0x88, $3  }
0x1: {  	(tag) =	ssettag $0x0;
	lr =	simm.s32 $0x1  }
0x2: {  	[smem:$0x3F9E] =	sst lr;
	_ =	strace $0xD0000000  }
0x3: {  	_ = 	snop  }
0x4: {  	_ = 	snop  }
0x5: {  	_ = 	snop  }
0x6: {  	_ = 	snop  }
0x7: {  	_ = 	snop  }
__scs_overlays_trampoline_lowered:
0x8: {  	[smem:$0x3FAD] =	sst s0  }
0x9: {  	[smem:$0x3FAE] =	sst s1  }
0xa: {  	[smem:$0x3FAF] =	sst s2  }
0xb: {  	[smem:$0x3FB0] =	sst s3  }
0xc: {  	[smem:$0x3FB1] =	sst s4  }
0xd: {  	[smem:$0x3FB2] =	sst s5  }
0xe: {  	[smem:$0x3FB3] =	sst s6  }
0xf: {  	[smem:$0x3FB4] =	sst s7  }
0x10: {  	[smem:$0x3FB5] =	sst s8  }
0x11: {  	[smem:$0x3FB6] =	sst s9;
	s0 =	simm.s32 @!p0 $0x0  }
0x12: {  	s1 =	sld [smem:$0x3F9C];
	s0 =	simm.s32 @p0 $0x1  }
0x13: {  	[smem:$0x3FB7] =	sst s0;
	s0 =	simm.s32 @!p1 $0x0  }
0x14: {  	s2 =	sld [smem:$0x3F9B];
	s0 =	simm.s32 @p1 $0x1  }
0x15: {  	[smem:$0x3FB8] =	sst s0;
	s0 =	simm.s32 @!p2 $0x0  }
0x16: {  	s3 =	sld [smem:$0x3FDB];
	s0 =	simm.s32 @p2 $0x1  }
0x17: {  	s4 =	simm.s32 $0x1BF5;
	[smem:$0x3FBA] =	sst s0  }
0x18: {  	s0 =	sld [smem:$0x3F9D];
	_ =	swait.ge [sflag:s4], $0x0  }
0x19: {  	s7 =	sld [smem:$0x3F9E]  }
0x1a: {  	s8 =	sadd.s32 $0xFFFFE003, lr  }
0x1b: {  	s9 =	sadd.s32 $0xFFFFFEF7, lr;
	s5 =	simm.s32 $0xFFFFFFFF;
	p2 =	slt.u32 s8, $0xFFFFF086  }
0x1c: {  	p1 =	slt.u32 s9, $0xF7A;
	s5 =	simm.s32 @!p2 $0x0  }
0x1d: {  	s5 =	simm.s32 @p1 $0x1;
	p0 =	seq.s32 s7, s2  }
0x1e: {  	s7 =	smul.u32 @!p0 $0xF7A, s2;
	p2 =	seq.s32 @!p0 s5, $0x0  }
0x1f: {  	s9 =	smul.u32 $0xF7A, s1;
	s8 =	simm.s32 @!p0 $0x1BF5;
	p2 =	por !p2, p0  }
0x20: {  	[sflag:s8] =	ssyncset.s32 @!p0 $0xFFFFF086;
	s6 =	sadd.s32 @!p0 s3, s7;
	s7 =	simm.s32 @!p0 $0x108  }
0x21: {  	s3 =	sadd.s32 s3, s9;
	s6 =	sadd.s32 @!p0 $0x88, s6;
	s7 =	simm.s32 @p2 $0x1082  }
0x22: {  	[simem:s7], [sflag:s8] =	dma.local @!p0 [hbm:s6], $0xF7A  }
0x23: {  	s9 =	sor.u32 $0xD0000000, s2;
	s6 =	simm.s32 $0x108;
	_ =	swait.ge @!p0 [sflag:s8], $0x0  }
0x24: {  	s3 =	sadd.s32 $0x88, s3;
	s6 =	simm.s32 @!p1 $0x1082;
	[sflag:s4] =	ssyncset.s32 $0xFFFFF086  }
0x25: {  	[simem:s6], [sflag:s4] =	dma.local [hbm:s3], $0xF7A  }
0x26: {  	[smem:$0x3F9E] =	sst s1;
	(tag) =	ssettag s2;
	_ =	strace s9  }
0x27: {  	s1 =	sld [smem:$0x3FAE]  }
0x28: {  	s2 =	sld [smem:$0x3FAF]  }
0x29: {  	s4 =	sld [smem:$0x3FB1]  }
0x2a: {  	p0 =	seq.s32 s5, $0x0;
	s5 =	sld [smem:$0x3FB2]  }
0x2b: {  	s6 =	sld [smem:$0x3FB3]  }
0x2c: {  	s7 =	sld [smem:$0x3FB4]  }
0x2d: {  	s3 =	simm.s32 $0x108;
	s8 =	sld [smem:$0x3FB5]  }
0x2e: {  	s3 =	simm.s32 @!p0 $0x1082;
	s9 =	sld [smem:$0x3FB6]  }
0x2f: {  	lr =	sadd.s32 s0, s3;
	s0 =	sld [smem:$0x3FAD]  }
0x30: {  	s3 =	sld [smem:$0x3FB0]  }
0x31: {  	[smem:$0x3FB9] =	sst s10  }
0x32: {  	s10 =	sld [smem:$0x3FB7];
	_ =	sdelay $0x3  }
0x33: {  	p0 =	seq.s32 s10, $0x1;
	s10 =	sld [smem:$0x3FB9];
	_ =	sdelay $0x3  }
0x34: {  	[smem:$0x3FB9] =	sst s10  }
0x35: {  	s10 =	sld [smem:$0x3FB8];
	_ =	sdelay $0x3  }
0x36: {  	p1 =	seq.s32 s10, $0x1;
	s10 =	sld [smem:$0x3FB9];
	_ =	sdelay $0x3  }
0x37: {  	[smem:$0x3FB9] =	sst s10  }
0x38: {  	s10 =	sld [smem:$0x3FBA]  }
0x39: {  	_ = 	snop;
	(pc) =	sbr.ind lr, $3  }
0x3a: {  	_ = 	snop  }
0x3b: {  	_ = 	snop  }
0x3c: {  	p2 =	seq.s32 s10, $0x1;
	s10 =	sld [smem:$0x3FB9]  }
0x3d: {  	_ =	shalt  }
0x3e: {  	_ =	shalt  }
0x3f: {  	_ =	shalt  }
0x40: {  	_ =	shalt  }
0x41: {  	_ =	shalt  }
0x42: {  	_ =	shalt  }
0x43: {  	_ =	shalt  }
0x44: {  	_ =	shalt  }
0x45: {  	_ =	shalt  }
0x46: {  	_ =	shalt  }
0x47: {  	_ =	shalt  }
0x48: {  	_ =	shalt  }
0x49: {  	_ =	shalt  }
0x4a: {  	_ =	shalt  }
0x4b: {  	_ =	shalt  }
0x4c: {  	_ =	shalt  }
0x4d: {  	_ =	shalt  }
0x4e: {  	_ =	shalt  }
0x4f: {  	_ =	shalt  }
0x50: {  	_ =	shalt  }
0x51: {  	_ =	shalt  }
0x52: {  	_ =	shalt  }
0x53: {  	_ =	shalt  }
0x54: {  	_ =	shalt  }
0x55: {  	_ =	shalt  }
0x56: {  	_ =	shalt  }
0x57: {  	_ =	shalt  }
0x58: {  	_ =	shalt  }
0x59: {  	_ =	shalt  }
0x5a: {  	_ =	shalt  }
0x5b: {  	_ =	shalt  }
0x5c: {  	_ =	shalt  }
0x5d: {  	_ =	shalt  }
0x5e: {  	_ =	shalt  }
0x5f: {  	_ =	shalt  }
0x60: {  	_ =	shalt  }
0x61: {  	_ =	shalt  }
0x62: {  	_ =	shalt  }
0x63: {  	_ =	shalt  }
0x64: {  	_ =	shalt  }
0x65: {  	_ =	shalt  }
0x66: {  	_ =	shalt  }
0x67: {  	_ =	shalt  }
0x68: {  	_ =	shalt  }
0x69: {  	_ =	shalt  }
0x6a: {  	_ =	shalt  }
0x6b: {  	_ =	shalt  }
0x6c: {  	_ =	shalt  }
0x6d: {  	_ =	shalt  }
0x6e: {  	_ =	shalt  }
0x6f: {  	_ =	shalt  }
0x70: {  	_ =	shalt  }
0x71: {  	_ =	shalt  }
0x72: {  	_ =	shalt  }
0x73: {  	_ =	shalt  }
0x74: {  	_ =	shalt  }
0x75: {  	_ =	shalt  }
0x76: {  	_ =	shalt  }
0x77: {  	_ =	shalt  }
0x78: {  	_ =	shalt  }
0x79: {  	_ =	shalt  }
0x7a: {  	_ =	shalt  }
0x7b: {  	_ =	shalt  }
0x7c: {  	_ =	shalt  }
0x7d: {  	_ =	shalt  }
0x7e: {  	_ =	shalt  }
0x7f: {  	_ =	shalt  }
0x80: {  	_ =	shalt  }
0x81: {  	_ =	shalt  }
0x82: {  	_ =	shalt  }
0x83: {  	_ =	shalt  }
0x84: {  	_ =	shalt  }
0x85: {  	_ =	shalt  }
0x86: {  	_ =	shalt  }
0x87: {  	_ =	shalt  }
.Lfunc_end0:
.L_simem_size_0:
called_computation.1_lowered:
.L_overlay_start_0:
0x88: {  	s2 =	sld [smem:$0x3FD9]  }
0x89: {  	s3 =	sld [smem:$0x3FFE];
	_ =	sdelay $0x1  }
0x8a: {  	s1 =	srdreg.scid  }
0x8b: {  	s0 =	sand.u32 $0x1, s1  }
0x8c: {  	s17 =	sshll.u32 s0, $0xA;
	s2 =	sadd.s32 s3, s2  }
0x8d: {  	s2 =	sadd.s32 s2, s17  }
0x8e: {  	[smem:$0x3FC5] =	sst s2  }
0x8f: {  	_ = 	snop  }
0x90: {  	s2 =	sld [smem:$0x3FC8]  }
0x91: {  	s18 =	sld [smem:$0x3FC7]  }
0x92: {  	s4 =	sld [smem:$0x3FD0];
	(tm) =	ssettm $0x1  }
0x93: {  	s5 =	sld [smem:$0x3FFB];
	_ =	sdelay $0x3  }
0x94: {  	_ =	strace s5  }
0x95: {  	s5 =	sld [smem:$0x3FFC];
	_ =	sdelay $0x3  }
0x96: {  	_ =	strace s5  }
0x97: {  	s5 =	sld [smem:$0x3FFD];
	_ =	sdelay $0x3  }
0x98: {  	_ =	strace s5  }
0x99: {  	_ =	strace $0x8FFFFFFF  }
0x9a: {  	s19 =	sld [smem:$0x3FDB];
	_ =	sdelay $0x1  }
0x9b: {  	s6 =	simm.s32 $_scs_section_size  }
0x9c: {  	s7 =	simm.s32 $_size__tile_overlayer_lowered;
	s8 =	simm.s32 $_tile_overlayer_lowered  }
0x9d: {  	s22 =	simm.s32 $0x1BFF;
	s21 =	sshll.u32 s8, $0x1;
	s5 =	sadd.s32 s6, s19  }
0x9e: {  	s9 =	simm.s32 $0x0;
	s20 =	sshll.u32 s7, $0x1;
	s7 =	sadd.s32 s21, s5  }
0x9f: {  	[timem:s9], [sflag:s22] =	dma.local [hbm:s7], s20  }
0xa0: {  	_ =	swait.ge [sflag:s22], s20  }
0xa1: {  	s6 =	ssub.s32 $0x0, s20;
	[sflag:s22] =	ssyncset.done $0x0  }
0xa2: {  	[sflag:s22] =	ssyncadd.s32 s6;
	_ =	sdelay $0x1  }
0xa3: {  	s23 =	simm.s32 $0x1B8B  }
0xa4: {  	_ =	swait.ge [sflag:s23], $0x1  }
0xa5: {  	[sflag:s23] =	ssyncset.done $0x0  }
0xa6: {  	s25 =	simm.s32 $0x1B8E;
	s24 =	sld [smem:$0x3FFE];
	[sflag:s23] =	ssyncadd.s32 $0xFFFFFFFF  }
0xa7: {  	s26 =	simm.s32 $execute0_lowered;
	[smem:$0x3FD2] =	sst s25  }
0xa8: {  	s7 =	sshll.u32 s26, $0x1;
	_ =	strace $0x80000049;
	[dreg:$0x1] =	wrdreg $0xFFFFFFFF  }
0xa9: {  	s28 =	simm.s32 $_size_execute0_lowered;
	s5 =	sadd.s32 s5, s7;
	[dreg:$0x0] =	wrdreg $0x0  }
0xaa: {  	s7 =	sshll.u32 s28, $0x1;
	[dreg:$0x2] =	wrdreg s5  }
0xab: {  	[dreg:$0x3] =	wrdreg s7  }
0xac: {  	[dreg:$0x4] =	wrdreg $0xC0  }
0xad: {  	_ =	task [dreg:s9], $0x5FFFF  }
0xae: {  	[dreg:$0x1] =	wrdreg $0xFFFFFFFF  }
0xaf: {  	[dreg:$0x0] =	wrdreg $0x60  }
0xb0: {  	[dreg:$0x2] =	wrdreg s4  }
0xb1: {  	[dreg:$0x3] =	wrdreg s2  }
0xb2: {  	[dreg:$0x4] =	wrdreg s18  }
0xb3: {  	[dreg:$0x5] =	wrdreg s24  }
0xb4: {  	[dreg:$0x6] =	wrdreg $0x91000  }
0xb5: {  	[dreg:$0x7] =	wrdreg $0x9  }
0xb6: {  	_ =	task.clear_ibuf [dreg:s9], $0x8FFFF;
	_ =	strace $0x90000049  }
0xb7: {  	s29 =	simm.s32 $0x9;
	_ =	strace $0x8000004B  }
0xb8: {  	_ =	swait.ge [sflag:s29], $0x1  }
0xb9: {  	[sflag:s29] =	ssyncadd.s32 $0xFFFFFFFF  }
0xba: {  	_ =	strace $0x9000004B  }
0xbb: {  	_ =	sfence  }
0xbc: {  	s30 =	sld [smem:$0x0];
	_ =	sdelay $0x2  }
0xbd: {  	s31 =	sshll.u32 s1, $0xD;
	s1 =	sshrl.u32 s1, $0x2  }
0xbe: {  	s3 =	sand.u32 $0x4000, s31;
	s1 =	sadd.s32 s1, s30  }
0xbf: {  	s0 =	sor.u32 s3, s0;
	s1 =	sshll.u32 s1, $0x11  }
0xc0: {  	s0 =	sor.u32 s1, s0  }
0xc1: {  	s0 =	sadd.s32 $0x8F2B, s0  }
0xc2: {  	[sflag:s0] =	ssyncadd.remote.s32 $0x1  }
0xc3: {  	_ =	sfence.sel $0xFFFF  }
0xc4: {  	[dreg:$0x0] =	wrdreg $0xFFFFFFFF;
	(pc) =	sbr.abs _section_cstart, $3  }
0xc5: {  	[dreg:$0x1] =	wrdreg $0xFFFFFFFF  }
0xc6: {  	_ =	task.clear_ibuf [dreg:s9], $0x2FFFF;
	_ =	strace $0x9FFFFFFF  }
0xc7: {  	(tm) =	ssettm $0x7FFFFFFF  }
tec
execute0_lowered:
.L_overlay_start_1:
0x0: {  	(tag) =	ssettag $0x1  }
0x1: {  	s1 =	rddreg [dreg:$0x0]  }
0x2: {  	s17 =	rddreg [dreg:$0x1]  }
0x3: {  	s18 =	rddreg [dreg:$0x2]  }
0x4: {  	s6 =	rddreg [dreg:$0x3]  }
0x5: {  	s3 =	rddreg [dreg:$0x4]  }
0x6: {  	s0 =	rddreg [dreg:$0x5]  }
0x7: {  	s4 =	simm.s32 $0x0;
	s5 =	srdreg.scid;
	s2 =	stileid.u32  }
0x8: {  	s23 =	simm.s32 $0x1;
	s24 =	simm.s32 $0x0;
	s7 =	smul.u32 $0x50000, s2  }
0x9: {  	[smem:$0x7FF] =	sst s4;
	s16 =	sand.u32 $0x1, s5;
	s10 =	smul.u32 $0x14000, s2  }
0xa: {  	s5 =	sadd.s32 $0x4200, s6;
	s15 =	sadd.s32 $0x55600, s6;
	s9 =	sshll.u32 s2, $0x5  }
0xb: {  	s30 =	smul.u32 $0x9C0, s2;
	p0 =	sgt.u32 s2, $0x1;
	_ =	strace $0x8000004A  }
0xc: {  	s8 =	ssub.s32 $0x2, s16;
	s12 =	sshll.u32 s16, $0x4;
	s20 =	smul.u32 $0x140000, s16  }
0xd: {  	s31 =	smul.u32 $0x4E0, s16;
	s26 =	sshrl.u32 s8, $0x1;
	s28 =	sshrl.u32 s7, $0x2  }
0xe: {  	s11 =	sadd.s32 $0x5000, s10;
	s14 =	sadd.s32 $0xA000, s10;
	s21 =	sadd.s32 $0xF000, s10  }
0xf: {  	s12 =	sor.u32 s12, s9;
	s19 =	ssub.s32 s8, s26;
	s6 =	sadd.s32 s28, s3  }
0x10: {  	s7 =	sadd.s32 s11, s3;
	s8 =	sadd.s32 s14, s3;
	s9 =	sadd.s32 s21, s3  }
0x11: {  	s12 =	sor.u32 $0x9C00, s12;
	s13 =	sadd.s32 s10, s20;
	s22 =	sadd.s32 s20, s11  }
0x12: {  	s14 =	sadd.s32 s20, s14;
	s20 =	sadd.s32 s20, s21;
	s21 =	simm.s32 $0x80  }
0x13: {  	s10 =	sadd.s32 s17, s12;
	s13 =	sshrl.u32 s13, $0x3;
	s11 =	sadd.s32 s18, s12  }
0x14: {  	s29 =	sshrl.u32 s22, $0x3;
	s14 =	sshrl.u32 s14, $0x3;
	s20 =	sshrl.u32 s20, $0x3  }
0x15: {  	s16 =	smax.u32 s19, $0x1;
	s17 =	sadd.s32 s30, s17;
	s18 =	sadd.s32 s30, s18  }
0x16: {  	s19 =	simm.s32 $0x4100;
	s22 =	simm.s32 $0x100;
	s12 =	sadd.s32 s15, s13  }
0x17: {  	s13 =	sadd.s32 s15, s29;
	s14 =	sadd.s32 s15, s14;
	s15 =	sadd.s32 s15, s20  }
0x18: {  	s17 =	sadd.s32 s31, s17;
	s18 =	sadd.s32 s31, s18;
	s20 =	simm.s32 $0x2  }
.LBB2_1:
0x19: {  	[tilespmem:s19], [sflag:$0x2] =	stream.linear.gather [hbm4b:s5+s4], $0x5000, $0x38;
	[tilespmem:$0x1D100] =	vst v63  }
0x1a: {  	_ =	swait.ge [sflag:s20], $0x5000  }
0x1b: {  	[sflag:s20] =	ssyncset.done $0x0  }
0x1c: {  	[sflag:s20] =	ssyncadd.s32 $0xFFFFB000  }
0x1d: {  	[spmem:s6] =	stream.linear.scatter [tilespmem:s19], [sflag:$0x2], $0x5000, $0x38;
	[tilespmem:$0x1D100] =	vst v63  }
0x1e: {  	_ =	swait.ge [sflag:s20], $0x5000  }
0x1f: {  	[sflag:s20] =	ssyncset.done $0x0  }
0x20: {  	[sflag:s20] =	ssyncadd.s32 $0xFFFFB000  }
0x21: {  	[spmem:s7] =	stream.linear.scatter [tilespmem:s19], [sflag:$0x2], $0x5000, $0x38;
	[tilespmem:$0x1D100] =	vst v63  }
0x22: {  	_ =	swait.ge [sflag:s20], $0x5000  }
0x23: {  	[sflag:s20] =	ssyncset.done $0x0  }
0x24: {  	[sflag:s20] =	ssyncadd.s32 $0xFFFFB000  }
0x25: {  	[spmem:s8] =	stream.linear.scatter [tilespmem:s19], [sflag:$0x2], $0x5000, $0x38;
	[tilespmem:$0x1D100] =	vst v63  }
0x26: {  	_ =	swait.ge [sflag:s20], $0x5000  }
0x27: {  	[sflag:s20] =	ssyncset.done $0x0  }
0x28: {  	[sflag:s20] =	ssyncadd.s32 $0xFFFFB000  }
0x29: {  	[spmem:s9] =	stream.linear.scatter [tilespmem:s19], [sflag:$0x2], $0x5000, $0x38;
	[tilespmem:$0x1D100] =	vst v63  }
0x2a: {  	_ =	swait.ge [sflag:s20], $0x5000  }
0x2b: {  	[sflag:s20] =	ssyncset.done $0x0  }
0x2c: {  	[sflag:s20] =	ssyncadd.s32 $0xFFFFB000  }
0x2d: {  	s25 =	sadd.s32 $0x0, s17;
	[bflag:$0x0] =	sbarrier.arrive $0xFFFF  }
0x2e: {  	[tilespmem:s4], [sflag:$0x2] =	stream.linear.gather [hbm4b:s25+s4], $0x80, $0x38;
	[tilespmem:$0x1D100] =	vst v63  }
0x2f: {  	_ =	swait.ge [sflag:s20], $0x80  }
0x30: {  	[sflag:s20] =	ssyncset.done $0x0  }
0x31: {  	s31 =	sadd.s32 $0x0, s18;
	[sflag:s20] =	ssyncadd.s32 $0xFFFFFF80  }
0x32: {  	[tilespmem:s21], [sflag:$0x2] =	stream.linear.gather [hbm4b:s31+s4], $0x80, $0x38;
	[tilespmem:$0x1D100] =	vst v63  }
0x33: {  	_ =	swait.ge [sflag:s20], $0x80  }
0x34: {  	[sflag:s20] =	ssyncset.done $0x0  }
0x35: {  	[sflag:s20] =	ssyncadd.s32 $0xFFFFFF80  }
0x36: {  	[tilespmem:s22], [sflag:$0x1] =	stream.indirect.gather [hbm4b:s1+s21], $0x80, s4, s21, $0xb8;
	[tilespmem:$0x1D100] =	vst v63  }
0x37: {  	_ =	swait.ge [sflag:s23], $0x4000  }
0x38: {  	[sflag:s23] =	ssyncset.done $0x0  }
0x39: {  	[sflag:s23] =	ssyncadd.s32 $0xFFFFC000  }
0x3a: {  	[spmem:s3] =	stream.indirect.scatter.add.f32 [tilespmem:s22], [sflag:$0x2], $0x80, s21, s21, $0xb8;
	[tilespmem:$0x1D100] =	vst v63  }
0x3b: {  	_ =	swait.ge [sflag:s20], $0x4000  }
0x3c: {  	s26 =	simm.s32 $0x20;
	s25 =	simm.s32 $0x10;
	[sflag:s20] =	ssyncset.done $0x0  }
.LBB2_2:
0x3d: {  	s28 =	sadd.s32 s25, s17  }
0x3e: {  	[sflag:s20] =	ssyncadd.s32 $0xFFFFC000;
	s29 =	smov.u32 s26;
	s30 =	sadd.s32 $0x10, s26  }
0x3f: {  	[tilespmem:s4], [sflag:$0x2] =	stream.linear.gather [hbm4b:s28+s4], $0x80, $0x38;
	[tilespmem:$0x1D100] =	vst v63  }
0x40: {  	p1 =	sne.s32 s26, $0x4D0;
	_ =	swait.ge [sflag:s20], $0x80  }
0x41: {  	[sflag:s20] =	ssyncset.done $0x0  }
0x42: {  	s26 =	sadd.s32 s25, s18;
	s25 =	smov.u32 s29;
	[sflag:s20] =	ssyncadd.s32 $0xFFFFFF80  }
0x43: {  	[tilespmem:s21], [sflag:$0x2] =	stream.linear.gather [hbm4b:s26+s4], $0x80, $0x38;
	[tilespmem:$0x1D100] =	vst v63  }
0x44: {  	_ =	swait.ge [sflag:s20], $0x80  }
0x45: {  	[sflag:s20] =	ssyncset.done $0x0  }
0x46: {  	[sflag:s20] =	ssyncadd.s32 $0xFFFFFF80  }
0x47: {  	[tilespmem:s22], [sflag:$0x1] =	stream.indirect.gather [hbm4b:s1+s21], $0x80, s4, s21, $0xb8;
	[tilespmem:$0x1D100] =	vst v63  }
0x48: {  	_ =	swait.ge [sflag:s23], $0x4000  }
.Ltmp0:
0x49: {  	[sflag:s23] =	ssyncset.done $0x0;
	(pc) =	sbr.rel @p1 .LBB2_2-.Ltmp0, $4  }
0x4a: {  	[sflag:s23] =	ssyncadd.s32 $0xFFFFC000  }
0x4b: {  	[spmem:s3] =	stream.indirect.scatter.add.f32 [tilespmem:s22], [sflag:$0x2], $0x80, s21, s21, $0xb8;
	[tilespmem:$0x1D100] =	vst v63  }
0x4c: {  	_ =	swait.ge [sflag:s20], $0x4000  }
0x4d: {  	s26 =	smov.u32 s30;
	[sflag:s20] =	ssyncset.done $0x0  }
0x4e: {  	s26 =	sadd.s32 s25, s17;
	[sflag:s20] =	ssyncadd.s32 $0xFFFFC000  }
0x4f: {  	[tilespmem:s4], [sflag:$0x2] =	stream.linear.gather [hbm4b:s26+s4], $0x80, $0x38;
	[tilespmem:$0x1D100] =	vst v63  }
0x50: {  	_ =	swait.ge [sflag:s20], $0x80  }
0x51: {  	[sflag:s20] =	ssyncset.done $0x0  }
0x52: {  	s31 =	sadd.s32 s25, s18;
	[sflag:s20] =	ssyncadd.s32 $0xFFFFFF80  }
0x53: {  	[tilespmem:s21], [sflag:$0x2] =	stream.linear.gather [hbm4b:s31+s4], $0x80, $0x38;
	[tilespmem:$0x1D100] =	vst v63  }
0x54: {  	_ =	swait.ge [sflag:s20], $0x80  }
0x55: {  	[sflag:s20] =	ssyncset.done $0x0  }
0x56: {  	[sflag:s20] =	ssyncadd.s32 $0xFFFFFF80  }
0x57: {  	[tilespmem:s22], [sflag:$0x1] =	stream.indirect.gather [hbm4b:s1+s21], $0x80, s4, s21, $0xb8;
	[tilespmem:$0x1D100] =	vst v63  }
0x58: {  	_ =	swait.ge [sflag:s23], $0x4000  }
0x59: {  	[sflag:s23] =	ssyncset.done $0x0  }
0x5a: {  	[sflag:s23] =	ssyncadd.s32 $0xFFFFC000  }
0x5b: {  	[spmem:s3] =	stream.indirect.scatter.add.f32 [tilespmem:s22], [sflag:$0x2], $0x80, s21, s21, $0xb8;
	[tilespmem:$0x1D100] =	vst v63  }
0x5c: {  	_ =	swait.ge [sflag:s20], $0x4000  }
0x5d: {  	[sflag:s20] =	ssyncset.done $0x0  }
0x5e: {  	s25 =	simm.s32 @!p0 $0x0;
	s26 =	simm.s32 @!p0 $0x2;
	[sflag:s20] =	ssyncadd.s32 $0xFFFFC000  }
0x5f: {  	[tilespmem:s25], [sflag:$0x2] =	stream.linear.gather @!p0 [hbm4b:s10+s25], $0x80, $0x38;
	[tilespmem:$0x1D100] =	vst v63  }
0x60: {  	_ =	swait.ge @!p0 [sflag:s26], $0x80  }
0x61: {  	[sflag:s26] =	ssyncset.done @!p0 $0x0  }
0x62: {  	s28 =	simm.s32 @!p0 $0x80;
	[sflag:s26] =	ssyncadd.s32 @!p0 $0xFFFFFF80  }
0x63: {  	[tilespmem:s28], [sflag:$0x2] =	stream.linear.gather @!p0 [hbm4b:s11+s25], $0x80, $0x38;
	[tilespmem:$0x1D100] =	vst v63  }
0x64: {  	_ =	swait.ge @!p0 [sflag:s26], $0x80  }
0x65: {  	[sflag:s26] =	ssyncset.done @!p0 $0x0  }
0x66: {  	s29 =	simm.s32 @!p0 $0x100;
	[sflag:s26] =	ssyncadd.s32 @!p0 $0xFFFFFF80  }
0x67: {  	[tilespmem:s29], [sflag:$0x1] =	stream.indirect.gather @!p0 [hbm4b:s1+s28], $0x80, s25, s28, $0xb8;
	[tilespmem:$0x1D100] =	vst v63  }
0x68: {  	s25 =	simm.s32 @!p0 $0x1  }
0x69: {  	_ =	swait.ge @!p0 [sflag:s25], $0x4000  }
0x6a: {  	[sflag:s25] =	ssyncset.done @!p0 $0x0  }
0x6b: {  	[sflag:s25] =	ssyncadd.s32 @!p0 $0xFFFFC000  }
0x6c: {  	[spmem:s3] =	stream.indirect.scatter.add.f32 @!p0 [tilespmem:s29], [sflag:$0x2], $0x80, s28, s28, $0xb8;
	[tilespmem:$0x1D100] =	vst v63  }
0x6d: {  	_ =	swait.ge @!p0 [sflag:s26], $0x4000  }
0x6e: {  	[sflag:s26] =	ssyncset.done @!p0 $0x0  }
0x6f: {  	[sflag:s26] =	ssyncadd.s32 @!p0 $0xFFFFC000  }
0x70: {  	[bflag:$0x0] =	sbarrier.arrive $0xFFFF  }
0x71: {  	[tilespmem:s19], [sflag:$0x2] =	stream.linear.gather [spmem:s6], $0x5000, $0x38;
	[tilespmem:$0x1D100] =	vst v63  }
0x72: {  	_ =	swait.ge [sflag:s20], $0x5000  }
0x73: {  	[sflag:s20] =	ssyncset.done $0x0  }
0x74: {  	[sflag:s20] =	ssyncadd.s32 $0xFFFFB000  }
0x75: {  	[hbm4b:s12+s4] =	stream.linear.scatter [tilespmem:s19], [sflag:$0x2], $0x5000, $0x38;
	[tilespmem:$0x1D100] =	vst v63  }
0x76: {  	_ =	swait.ge [sflag:s20], $0x5000  }
0x77: {  	[sflag:s20] =	ssyncset.done $0x0  }
0x78: {  	[sflag:s20] =	ssyncadd.s32 $0xFFFFB000  }
0x79: {  	[tilespmem:s19], [sflag:$0x2] =	stream.linear.gather [spmem:s7], $0x5000, $0x38;
	[tilespmem:$0x1D100] =	vst v63  }
0x7a: {  	_ =	swait.ge [sflag:s20], $0x5000  }
0x7b: {  	[sflag:s20] =	ssyncset.done $0x0  }
0x7c: {  	[sflag:s20] =	ssyncadd.s32 $0xFFFFB000  }
0x7d: {  	[hbm4b:s13+s4] =	stream.linear.scatter [tilespmem:s19], [sflag:$0x2], $0x5000, $0x38;
	[tilespmem:$0x1D100] =	vst v63  }
0x7e: {  	_ =	swait.ge [sflag:s20], $0x5000  }
0x7f: {  	[sflag:s20] =	ssyncset.done $0x0  }
0x80: {  	[sflag:s20] =	ssyncadd.s32 $0xFFFFB000  }
0x81: {  	[tilespmem:s19], [sflag:$0x2] =	stream.linear.gather [spmem:s8], $0x5000, $0x38;
	[tilespmem:$0x1D100] =	vst v63  }
0x82: {  	_ =	swait.ge [sflag:s20], $0x5000  }
0x83: {  	[sflag:s20] =	ssyncset.done $0x0  }
0x84: {  	[sflag:s20] =	ssyncadd.s32 $0xFFFFB000  }
0x85: {  	[hbm4b:s14+s4] =	stream.linear.scatter [tilespmem:s19], [sflag:$0x2], $0x5000, $0x38;
	[tilespmem:$0x1D100] =	vst v63  }
0x86: {  	_ =	swait.ge [sflag:s20], $0x5000  }
0x87: {  	[sflag:s20] =	ssyncset.done $0x0  }
0x88: {  	[sflag:s20] =	ssyncadd.s32 $0xFFFFB000  }
0x89: {  	[tilespmem:s19], [sflag:$0x2] =	stream.linear.gather [spmem:s9], $0x5000, $0x38;
	[tilespmem:$0x1D100] =	vst v63  }
0x8a: {  	s24 =	sadd.s32 $0x1, s24;
	_ =	swait.ge [sflag:s20], $0x5000  }
0x8b: {  	p1 =	sne.s32 s24, s16;
	[sflag:s20] =	ssyncset.done $0x0  }
.Ltmp1:
0x8c: {  	[sflag:s20] =	ssyncadd.s32 $0xFFFFB000;
	(pc) =	sbr.rel @p1 .LBB2_1-.Ltmp1, $4  }
0x8d: {  	[hbm4b:s15+s4] =	stream.linear.scatter [tilespmem:s19], [sflag:$0x2], $0x5000, $0x38;
	[tilespmem:$0x1D100] =	vst v63  }
0x8e: {  	_ =	swait.ge [sflag:s20], $0x5000  }
0x8f: {  	[sflag:s20] =	ssyncset.done $0x0  }
0x90: {  	[sflag:s20] =	ssyncadd.s32 $0xFFFFB000  }
0x91: {  	_ =	sfence.sel $0x180000  }
0x92: {  	[bflag:$0x0] =	sbarrier.arrive $0xFFFF  }
0x93: {  	p0 =	sne.s32 s2, $0x0;
	_ =	strace $0x9000004A  }
0x94: {  	s0 =	sadd.s32 @!p0 $0x100000, s0;
	[bflag:$0x2] =	sbarrier.arrive $0xFFFF  }
0x95: {  	[sflag:s0] =	ssyncadd.tile.s32 @!p0 $0x1;
	_ =	shalt  }
.Lfunc_end2:
_tile_overlayer_lowered:
.L_overlay_start_2:
0x96: {  	(tag) =	ssettag $0x2  }
0x97: {  	s0 =	rddreg [dreg:$0x0];
	s2 =	stileid.u32  }
0x98: {  	s1 =	rddreg [dreg:$0x1];
	p0 =	sne.s32 s2, $0x0  }
0x99: {  	s3 =	rddreg [dreg:$0x2];
	[bflag:$0x3] =	sbarrier.arrive $0xFFFF;
	s2 =	simm.s32 @!p0 $0x1C02  }
0x9a: {  	[timem:s3], [sflag:s2] =	dma.local @!p0 [hbm:s0], s1  }
0x9b: {  	s0 =	simm.s32 @!p0 $0x2  }
0x9c: {  	_ =	swait.ge @!p0 [sflag:s0], s1  }
0x9d: {  	s1 =	ssub.s32 @!p0 $0x0, s1;
	[sflag:s0] =	ssyncset.done @!p0 $0x0  }
0x9e: {  	[sflag:s0] =	ssyncadd.s32 @!p0 s1  }
0x9f: {  	[bflag:$0x3] =	sbarrier.arrive $0xFFFF  }
0xa0: {  	_ =	shalt  }

// kernel: kernel.16.cloned.1.call-start
scs
__scs_entry_jumppad:
0x0: {  	(pc) =	sbr.rel $0x88, $3  }
0x1: {  	(tag) =	ssettag $0x0;
	lr =	simm.s32 $0x1  }
0x2: {  	[smem:$0x3F9E] =	sst lr;
	_ =	strace $0xD0000000  }
0x3: {  	_ = 	snop  }
0x4: {  	_ = 	snop  }
0x5: {  	_ = 	snop  }
0x6: {  	_ = 	snop  }
0x7: {  	_ = 	snop  }
__scs_overlays_trampoline_lowered:
0x8: {  	[smem:$0x3FAD] =	sst s0  }
0x9: {  	[smem:$0x3FAE] =	sst s1  }
0xa: {  	[smem:$0x3FAF] =	sst s2  }
0xb: {  	[smem:$0x3FB0] =	sst s3  }
0xc: {  	[smem:$0x3FB1] =	sst s4  }
0xd: {  	[smem:$0x3FB2] =	sst s5  }
0xe: {  	[smem:$0x3FB3] =	sst s6  }
0xf: {  	[smem:$0x3FB4] =	sst s7  }
0x10: {  	[smem:$0x3FB5] =	sst s8  }
0x11: {  	[smem:$0x3FB6] =	sst s9;
	s0 =	simm.s32 @!p0 $0x0  }
0x12: {  	s1 =	sld [smem:$0x3F9C];
	s0 =	simm.s32 @p0 $0x1  }
0x13: {  	[smem:$0x3FB7] =	sst s0;
	s0 =	simm.s32 @!p1 $0x0  }
0x14: {  	s2 =	sld [smem:$0x3F9B];
	s0 =	simm.s32 @p1 $0x1  }
0x15: {  	[smem:$0x3FB8] =	sst s0;
	s0 =	simm.s32 @!p2 $0x0  }
0x16: {  	s3 =	sld [smem:$0x3FDB];
	s0 =	simm.s32 @p2 $0x1  }
0x17: {  	s4 =	simm.s32 $0x1BF5;
	[smem:$0x3FBA] =	sst s0  }
0x18: {  	s0 =	sld [smem:$0x3F9D];
	_ =	swait.ge [sflag:s4], $0x0  }
0x19: {  	s7 =	sld [smem:$0x3F9E]  }
0x1a: {  	s8 =	sadd.s32 $0xFFFFE003, lr  }
0x1b: {  	s9 =	sadd.s32 $0xFFFFFEF7, lr;
	s5 =	simm.s32 $0xFFFFFFFF;
	p2 =	slt.u32 s8, $0xFFFFF086  }
0x1c: {  	p1 =	slt.u32 s9, $0xF7A;
	s5 =	simm.s32 @!p2 $0x0  }
0x1d: {  	s5 =	simm.s32 @p1 $0x1;
	p0 =	seq.s32 s7, s2  }
0x1e: {  	s7 =	smul.u32 @!p0 $0xF7A, s2;
	p2 =	seq.s32 @!p0 s5, $0x0  }
0x1f: {  	s9 =	smul.u32 $0xF7A, s1;
	s8 =	simm.s32 @!p0 $0x1BF5;
	p2 =	por !p2, p0  }
0x20: {  	[sflag:s8] =	ssyncset.s32 @!p0 $0xFFFFF086;
	s6 =	sadd.s32 @!p0 s3, s7;
	s7 =	simm.s32 @!p0 $0x108  }
0x21: {  	s3 =	sadd.s32 s3, s9;
	s6 =	sadd.s32 @!p0 $0x88, s6;
	s7 =	simm.s32 @p2 $0x1082  }
0x22: {  	[simem:s7], [sflag:s8] =	dma.local @!p0 [hbm:s6], $0xF7A  }
0x23: {  	s9 =	sor.u32 $0xD0000000, s2;
	s6 =	simm.s32 $0x108;
	_ =	swait.ge @!p0 [sflag:s8], $0x0  }
0x24: {  	s3 =	sadd.s32 $0x88, s3;
	s6 =	simm.s32 @!p1 $0x1082;
	[sflag:s4] =	ssyncset.s32 $0xFFFFF086  }
0x25: {  	[simem:s6], [sflag:s4] =	dma.local [hbm:s3], $0xF7A  }
0x26: {  	[smem:$0x3F9E] =	sst s1;
	(tag) =	ssettag s2;
	_ =	strace s9  }
0x27: {  	s1 =	sld [smem:$0x3FAE]  }
0x28: {  	s2 =	sld [smem:$0x3FAF]  }
0x29: {  	s4 =	sld [smem:$0x3FB1]  }
0x2a: {  	p0 =	seq.s32 s5, $0x0;
	s5 =	sld [smem:$0x3FB2]  }
0x2b: {  	s6 =	sld [smem:$0x3FB3]  }
0x2c: {  	s7 =	sld [smem:$0x3FB4]  }
0x2d: {  	s3 =	simm.s32 $0x108;
	s8 =	sld [smem:$0x3FB5]  }
0x2e: {  	s3 =	simm.s32 @!p0 $0x1082;
	s9 =	sld [smem:$0x3FB6]  }
0x2f: {  	lr =	sadd.s32 s0, s3;
	s0 =	sld [smem:$0x3FAD]  }
0x30: {  	s3 =	sld [smem:$0x3FB0]  }
0x31: {  	[smem:$0x3FB9] =	sst s10  }
0x32: {  	s10 =	sld [smem:$0x3FB7];
	_ =	sdelay $0x3  }
0x33: {  	p0 =	seq.s32 s10, $0x1;
	s10 =	sld [smem:$0x3FB9];
	_ =	sdelay $0x3  }
0x34: {  	[smem:$0x3FB9] =	sst s10  }
0x35: {  	s10 =	sld [smem:$0x3FB8];
	_ =	sdelay $0x3  }
0x36: {  	p1 =	seq.s32 s10, $0x1;
	s10 =	sld [smem:$0x3FB9];
	_ =	sdelay $0x3  }
0x37: {  	[smem:$0x3FB9] =	sst s10  }
0x38: {  	s10 =	sld [smem:$0x3FBA]  }
0x39: {  	_ = 	snop;
	(pc) =	sbr.ind lr, $3  }
0x3a: {  	_ = 	snop  }
0x3b: {  	_ = 	snop  }
0x3c: {  	p2 =	seq.s32 s10, $0x1;
	s10 =	sld [smem:$0x3FB9]  }
0x3d: {  	_ =	shalt  }
0x3e: {  	_ =	shalt  }
0x3f: {  	_ =	shalt  }
0x40: {  	_ =	shalt  }
0x41: {  	_ =	shalt  }
0x42: {  	_ =	shalt  }
0x43: {  	_ =	shalt  }
0x44: {  	_ =	shalt  }
0x45: {  	_ =	shalt  }
0x46: {  	_ =	shalt  }
0x47: {  	_ =	shalt  }
0x48: {  	_ =	shalt  }
0x49: {  	_ =	shalt  }
0x4a: {  	_ =	shalt  }
0x4b: {  	_ =	shalt  }
0x4c: {  	_ =	shalt  }
0x4d: {  	_ =	shalt  }
0x4e: {  	_ =	shalt  }
0x4f: {  	_ =	shalt  }
0x50: {  	_ =	shalt  }
0x51: {  	_ =	shalt  }
0x52: {  	_ =	shalt  }
0x53: {  	_ =	shalt  }
0x54: {  	_ =	shalt  }
0x55: {  	_ =	shalt  }
0x56: {  	_ =	shalt  }
0x57: {  	_ =	shalt  }
0x58: {  	_ =	shalt  }
0x59: {  	_ =	shalt  }
0x5a: {  	_ =	shalt  }
0x5b: {  	_ =	shalt  }
0x5c: {  	_ =	shalt  }
0x5d: {  	_ =	shalt  }
0x5e: {  	_ =	shalt  }
0x5f: {  	_ =	shalt  }
0x60: {  	_ =	shalt  }
0x61: {  	_ =	shalt  }
0x62: {  	_ =	shalt  }
0x63: {  	_ =	shalt  }
0x64: {  	_ =	shalt  }
0x65: {  	_ =	shalt  }
0x66: {  	_ =	shalt  }
0x67: {  	_ =	shalt  }
0x68: {  	_ =	shalt  }
0x69: {  	_ =	shalt  }
0x6a: {  	_ =	shalt  }
0x6b: {  	_ =	shalt  }
0x6c: {  	_ =	shalt  }
0x6d: {  	_ =	shalt  }
0x6e: {  	_ =	shalt  }
0x6f: {  	_ =	shalt  }
0x70: {  	_ =	shalt  }
0x71: {  	_ =	shalt  }
0x72: {  	_ =	shalt  }
0x73: {  	_ =	shalt  }
0x74: {  	_ =	shalt  }
0x75: {  	_ =	shalt  }
0x76: {  	_ =	shalt  }
0x77: {  	_ =	shalt  }
0x78: {  	_ =	shalt  }
0x79: {  	_ =	shalt  }
0x7a: {  	_ =	shalt  }
0x7b: {  	_ =	shalt  }
0x7c: {  	_ =	shalt  }
0x7d: {  	_ =	shalt  }
0x7e: {  	_ =	shalt  }
0x7f: {  	_ =	shalt  }
0x80: {  	_ =	shalt  }
0x81: {  	_ =	shalt  }
0x82: {  	_ =	shalt  }
0x83: {  	_ =	shalt  }
0x84: {  	_ =	shalt  }
0x85: {  	_ =	shalt  }
0x86: {  	_ =	shalt  }
0x87: {  	_ =	shalt  }
.Lfunc_end0:
.L_simem_size_0:
called_computation.2_lowered:
.L_overlay_start_0:
0x88: {  	s2 =	sld [smem:$0x3FD9]  }
0x89: {  	s3 =	sld [smem:$0x3FFE];
	_ =	sdelay $0x1  }
0x8a: {  	s1 =	srdreg.scid  }
0x8b: {  	s0 =	sand.u32 $0x1, s1  }
0x8c: {  	s17 =	sshll.u32 s0, $0xA;
	s2 =	sadd.s32 s3, s2  }
0x8d: {  	s2 =	sadd.s32 s2, s17  }
0x8e: {  	[smem:$0x3FC5] =	sst s2  }
0x8f: {  	_ = 	snop  }
0x90: {  	s2 =	sld [smem:$0x3FC8]  }
0x91: {  	s18 =	sld [smem:$0x3FC7];
	(tm) =	ssettm $0x1  }
0x92: {  	s4 =	sld [smem:$0x3FFB];
	_ =	sdelay $0x3  }
0x93: {  	_ =	strace s4  }
0x94: {  	s4 =	sld [smem:$0x3FFC];
	_ =	sdelay $0x3  }
0x95: {  	_ =	strace s4  }
0x96: {  	s4 =	sld [smem:$0x3FFD];
	_ =	sdelay $0x3  }
0x97: {  	_ =	strace s4  }
0x98: {  	_ =	strace $0x8FFFFFFF  }
0x99: {  	s19 =	sld [smem:$0x3FDB];
	_ =	sdelay $0x1  }
0x9a: {  	s5 =	simm.s32 $_scs_section_size  }
0x9b: {  	s6 =	simm.s32 $_size__tile_overlayer_lowered;
	s7 =	simm.s32 $_tile_overlayer_lowered  }
0x9c: {  	s22 =	simm.s32 $0x1BFF;
	s21 =	sshll.u32 s7, $0x1;
	s4 =	sadd.s32 s5, s19  }
0x9d: {  	s8 =	simm.s32 $0x0;
	s20 =	sshll.u32 s6, $0x1;
	s6 =	sadd.s32 s21, s4  }
0x9e: {  	[timem:s8], [sflag:s22] =	dma.local [hbm:s6], s20  }
0x9f: {  	_ =	swait.ge [sflag:s22], s20  }
0xa0: {  	s5 =	ssub.s32 $0x0, s20;
	[sflag:s22] =	ssyncset.done $0x0  }
0xa1: {  	[sflag:s22] =	ssyncadd.s32 s5;
	_ =	sdelay $0x1  }
0xa2: {  	s23 =	simm.s32 $0x1B8B  }
0xa3: {  	_ =	swait.ge [sflag:s23], $0x1  }
0xa4: {  	[sflag:s23] =	ssyncset.done $0x0  }
0xa5: {  	s25 =	simm.s32 $0x1B8E;
	s24 =	sld [smem:$0x3FFE];
	[sflag:s23] =	ssyncadd.s32 $0xFFFFFFFF  }
0xa6: {  	s26 =	simm.s32 $execute0_lowered;
	[smem:$0x3FD2] =	sst s25  }
0xa7: {  	s6 =	sshll.u32 s26, $0x1;
	_ =	strace $0x8000004C;
	[dreg:$0x1] =	wrdreg $0xFFFFFFFF  }
0xa8: {  	s28 =	simm.s32 $_size_execute0_lowered;
	s4 =	sadd.s32 s4, s6;
	[dreg:$0x0] =	wrdreg $0x0  }
0xa9: {  	s6 =	sshll.u32 s28, $0x1;
	[dreg:$0x2] =	wrdreg s4  }
0xaa: {  	[dreg:$0x3] =	wrdreg s6  }
0xab: {  	[dreg:$0x4] =	wrdreg $0xC0  }
0xac: {  	_ =	task [dreg:s8], $0x5FFFF  }
0xad: {  	[dreg:$0x1] =	wrdreg $0xFFFFFFFF  }
0xae: {  	[dreg:$0x0] =	wrdreg $0x60  }
0xaf: {  	[dreg:$0x2] =	wrdreg s24  }
0xb0: {  	[dreg:$0x3] =	wrdreg s18  }
0xb1: {  	[dreg:$0x4] =	wrdreg s2  }
0xb2: {  	[dreg:$0x5] =	wrdreg $0x91000  }
0xb3: {  	[dreg:$0x6] =	wrdreg $0x9  }
0xb4: {  	_ =	task.clear_ibuf [dreg:s8], $0x7FFFF;
	_ =	strace $0x9000004C  }
0xb5: {  	s29 =	simm.s32 $0x9;
	_ =	strace $0x8000004E  }
0xb6: {  	_ =	swait.ge [sflag:s29], $0x1  }
0xb7: {  	[sflag:s29] =	ssyncadd.s32 $0xFFFFFFFF  }
0xb8: {  	_ =	strace $0x9000004E  }
0xb9: {  	_ =	sfence  }
0xba: {  	s30 =	sld [smem:$0x0];
	_ =	sdelay $0x2  }
0xbb: {  	s31 =	sshll.u32 s1, $0xD;
	s1 =	sshrl.u32 s1, $0x2  }
0xbc: {  	s3 =	sand.u32 $0x4000, s31;
	s1 =	sadd.s32 s1, s30  }
0xbd: {  	s0 =	sor.u32 s3, s0;
	s1 =	sshll.u32 s1, $0x11  }
0xbe: {  	s0 =	sor.u32 s1, s0  }
0xbf: {  	s0 =	sadd.s32 $0x8F2B, s0  }
0xc0: {  	[sflag:s0] =	ssyncadd.remote.s32 $0x1  }
0xc1: {  	_ =	sfence.sel $0xFFFF  }
0xc2: {  	[dreg:$0x0] =	wrdreg $0xFFFFFFFF;
	(pc) =	sbr.abs _section_cstart, $3  }
0xc3: {  	[dreg:$0x1] =	wrdreg $0xFFFFFFFF  }
0xc4: {  	_ =	task.clear_ibuf [dreg:s8], $0x2FFFF;
	_ =	strace $0x9FFFFFFF  }
0xc5: {  	(tm) =	ssettm $0x7FFFFFFF  }
tec
execute0_lowered:
.L_overlay_start_1:
0x0: {  	(tag) =	ssettag $0x1  }
0x1: {  	s6 =	rddreg [dreg:$0x0]  }
0x2: {  	s13 =	rddreg [dreg:$0x1]  }
0x3: {  	s14 =	rddreg [dreg:$0x2]  }
0x4: {  	s1 =	rddreg [dreg:$0x3]  }
0x5: {  	s0 =	rddreg [dreg:$0x4]  }
0x6: {  	s2 =	simm.s32 $0x0;
	s3 =	srdreg.scid;
	s18 =	simm.s32 $0x100  }
0x7: {  	s19 =	simm.s32 $0x1;
	s12 =	sand.u32 $0x1, s3;
	s3 =	stileid.u32  }
0x8: {  	s20 =	simm.s32 $0x0;
	[smem:$0x7FF] =	sst s2;
	s8 =	smul.u32 $0x28000, s3  }
0x9: {  	s4 =	sadd.s32 $0x4C00, s6;
	s5 =	sadd.s32 $0x4200, s6;
	s10 =	smul.u32 $0xA000, s3  }
0xa: {  	s11 =	sadd.s32 $0x55600, s6;
	_ =	strace $0x8000004D;
	s17 =	smul.u32 $0xA0000, s12  }
0xb: {  	s7 =	ssub.s32 $0x2, s12;
	s9 =	sshll.u32 s3, $0x5;
	s30 =	smul.u32 $0x9C0, s3  }
0xc: {  	s15 =	sshll.u32 s12, $0x4;
	s31 =	smul.u32 $0x4E0, s12;
	s25 =	sshrl.u32 s7, $0x1  }
0xd: {  	p0 =	sgt.u32 s3, $0x1;
	s28 =	sor.u32 s15, s9;
	s16 =	ssub.s32 s7, s25  }
0xe: {  	s26 =	sshrl.u32 s8, $0x2;
	s29 =	sadd.s32 $0x5000, s10;
	s9 =	sor.u32 $0x9C00, s28  }
0xf: {  	s10 =	sadd.s32 s10, s17;
	s6 =	sadd.s32 s26, s1;
	s7 =	sadd.s32 s29, s1  }
0x10: {  	s8 =	sadd.s32 s13, s9;
	s9 =	sadd.s32 s14, s9;
	s15 =	sadd.s32 s17, s29  }
0x11: {  	s10 =	sshrl.u32 s10, $0x3;
	s12 =	smax.u32 s16, $0x1;
	s13 =	sadd.s32 s30, s13  }
0x12: {  	s14 =	sadd.s32 s30, s14;
	s16 =	simm.s32 $0x2;
	s17 =	simm.s32 $0x80  }
0x13: {  	s15 =	sshrl.u32 s15, $0x3;
	s10 =	sadd.s32 s11, s10;
	s13 =	sadd.s32 s31, s13  }
0x14: {  	s14 =	sadd.s32 s31, s14;
	s11 =	sadd.s32 s11, s15;
	s15 =	simm.s32 $0x4100  }
.LBB2_1:
0x15: {  	[tilespmem:s15], [sflag:$0x2] =	stream.linear.gather [hbm4b:s5+s2], $0x5000, $0x38;
	[tilespmem:$0x13100] =	vst v63  }
0x16: {  	_ =	swait.ge [sflag:s16], $0x5000  }
0x17: {  	[sflag:s16] =	ssyncset.done $0x0  }
0x18: {  	[sflag:s16] =	ssyncadd.s32 $0xFFFFB000  }
0x19: {  	[spmem:s6] =	stream.linear.scatter [tilespmem:s15], [sflag:$0x2], $0x5000, $0x38;
	[tilespmem:$0x13100] =	vst v63  }
0x1a: {  	_ =	swait.ge [sflag:s16], $0x5000  }
0x1b: {  	[sflag:s16] =	ssyncset.done $0x0  }
0x1c: {  	[sflag:s16] =	ssyncadd.s32 $0xFFFFB000  }
0x1d: {  	[spmem:s7] =	stream.linear.scatter [tilespmem:s15], [sflag:$0x2], $0x5000, $0x38;
	[tilespmem:$0x13100] =	vst v63  }
0x1e: {  	_ =	swait.ge [sflag:s16], $0x5000  }
0x1f: {  	[sflag:s16] =	ssyncset.done $0x0  }
0x20: {  	[sflag:s16] =	ssyncadd.s32 $0xFFFFB000  }
0x21: {  	s21 =	sadd.s32 $0x0, s13;
	[bflag:$0x0] =	sbarrier.arrive $0xFFFF  }
0x22: {  	[tilespmem:s2], [sflag:$0x2] =	stream.linear.gather [hbm4b:s21+s2], $0x80, $0x38;
	[tilespmem:$0x13100] =	vst v63  }
0x23: {  	_ =	swait.ge [sflag:s16], $0x80  }
0x24: {  	[sflag:s16] =	ssyncset.done $0x0  }
0x25: {  	s31 =	sadd.s32 $0x0, s14;
	[sflag:s16] =	ssyncadd.s32 $0xFFFFFF80  }
0x26: {  	[tilespmem:s17], [sflag:$0x2] =	stream.linear.gather [hbm4b:s31+s2], $0x80, $0x38;
	[tilespmem:$0x13100] =	vst v63  }
0x27: {  	_ =	swait.ge [sflag:s16], $0x80  }
0x28: {  	[sflag:s16] =	ssyncset.done $0x0  }
0x29: {  	[sflag:s16] =	ssyncadd.s32 $0xFFFFFF80  }
0x2a: {  	[tilespmem:s18], [sflag:$0x1] =	stream.indirect.gather [hbm4b:s4+s17], $0x80, s2, s17, $0xb8;
	[tilespmem:$0x13100] =	vst v63  }
0x2b: {  	_ =	swait.ge [sflag:s19], $0x4000  }
0x2c: {  	[sflag:s19] =	ssyncset.done $0x0  }
0x2d: {  	[sflag:s19] =	ssyncadd.s32 $0xFFFFC000  }
0x2e: {  	[spmem:s1] =	stream.indirect.scatter.add.f32 [tilespmem:s18], [sflag:$0x2], $0x80, s17, s17, $0xb8;
	[tilespmem:$0x13100] =	vst v63  }
0x2f: {  	_ =	swait.ge [sflag:s16], $0x4000  }
0x30: {  	s22 =	simm.s32 $0x20;
	s21 =	simm.s32 $0x10;
	[sflag:s16] =	ssyncset.done $0x0  }
.LBB2_2:
0x31: {  	s23 =	sadd.s32 s21, s13  }
0x32: {  	[sflag:s16] =	ssyncadd.s32 $0xFFFFC000;
	s24 =	smov.u32 s22;
	s25 =	sadd.s32 $0x10, s22  }
0x33: {  	[tilespmem:s2], [sflag:$0x2] =	stream.linear.gather [hbm4b:s23+s2], $0x80, $0x38;
	[tilespmem:$0x13100] =	vst v63  }
0x34: {  	p1 =	sne.s32 s22, $0x4D0;
	_ =	swait.ge [sflag:s16], $0x80  }
0x35: {  	[sflag:s16] =	ssyncset.done $0x0  }
0x36: {  	s22 =	sadd.s32 s21, s14;
	s21 =	smov.u32 s24;
	[sflag:s16] =	ssyncadd.s32 $0xFFFFFF80  }
0x37: {  	[tilespmem:s17], [sflag:$0x2] =	stream.linear.gather [hbm4b:s22+s2], $0x80, $0x38;
	[tilespmem:$0x13100] =	vst v63  }
0x38: {  	_ =	swait.ge [sflag:s16], $0x80  }
0x39: {  	[sflag:s16] =	ssyncset.done $0x0  }
0x3a: {  	[sflag:s16] =	ssyncadd.s32 $0xFFFFFF80  }
0x3b: {  	[tilespmem:s18], [sflag:$0x1] =	stream.indirect.gather [hbm4b:s4+s17], $0x80, s2, s17, $0xb8;
	[tilespmem:$0x13100] =	vst v63  }
0x3c: {  	_ =	swait.ge [sflag:s19], $0x4000  }
.Ltmp0:
0x3d: {  	[sflag:s19] =	ssyncset.done $0x0;
	(pc) =	sbr.rel @p1 .LBB2_2-.Ltmp0, $4  }
0x3e: {  	[sflag:s19] =	ssyncadd.s32 $0xFFFFC000  }
0x3f: {  	[spmem:s1] =	stream.indirect.scatter.add.f32 [tilespmem:s18], [sflag:$0x2], $0x80, s17, s17, $0xb8;
	[tilespmem:$0x13100] =	vst v63  }
0x40: {  	_ =	swait.ge [sflag:s16], $0x4000  }
0x41: {  	s22 =	smov.u32 s25;
	[sflag:s16] =	ssyncset.done $0x0  }
0x42: {  	s22 =	sadd.s32 s21, s13;
	[sflag:s16] =	ssyncadd.s32 $0xFFFFC000  }
0x43: {  	[tilespmem:s2], [sflag:$0x2] =	stream.linear.gather [hbm4b:s22+s2], $0x80, $0x38;
	[tilespmem:$0x13100] =	vst v63  }
0x44: {  	_ =	swait.ge [sflag:s16], $0x80  }
0x45: {  	[sflag:s16] =	ssyncset.done $0x0  }
0x46: {  	s31 =	sadd.s32 s21, s14;
	[sflag:s16] =	ssyncadd.s32 $0xFFFFFF80  }
0x47: {  	[tilespmem:s17], [sflag:$0x2] =	stream.linear.gather [hbm4b:s31+s2], $0x80, $0x38;
	[tilespmem:$0x13100] =	vst v63  }
0x48: {  	_ =	swait.ge [sflag:s16], $0x80  }
0x49: {  	[sflag:s16] =	ssyncset.done $0x0  }
0x4a: {  	[sflag:s16] =	ssyncadd.s32 $0xFFFFFF80  }
0x4b: {  	[tilespmem:s18], [sflag:$0x1] =	stream.indirect.gather [hbm4b:s4+s17], $0x80, s2, s17, $0xb8;
	[tilespmem:$0x13100] =	vst v63  }
0x4c: {  	_ =	swait.ge [sflag:s19], $0x4000  }
0x4d: {  	[sflag:s19] =	ssyncset.done $0x0  }
0x4e: {  	[sflag:s19] =	ssyncadd.s32 $0xFFFFC000  }
0x4f: {  	[spmem:s1] =	stream.indirect.scatter.add.f32 [tilespmem:s18], [sflag:$0x2], $0x80, s17, s17, $0xb8;
	[tilespmem:$0x13100] =	vst v63  }
0x50: {  	_ =	swait.ge [sflag:s16], $0x4000  }
0x51: {  	[sflag:s16] =	ssyncset.done $0x0  }
0x52: {  	s21 =	simm.s32 @!p0 $0x0;
	s22 =	simm.s32 @!p0 $0x2;
	[sflag:s16] =	ssyncadd.s32 $0xFFFFC000  }
0x53: {  	[tilespmem:s21], [sflag:$0x2] =	stream.linear.gather @!p0 [hbm4b:s8+s21], $0x80, $0x38;
	[tilespmem:$0x13100] =	vst v63  }
0x54: {  	_ =	swait.ge @!p0 [sflag:s22], $0x80  }
0x55: {  	[sflag:s22] =	ssyncset.done @!p0 $0x0  }
0x56: {  	s23 =	simm.s32 @!p0 $0x80;
	[sflag:s22] =	ssyncadd.s32 @!p0 $0xFFFFFF80  }
0x57: {  	[tilespmem:s23], [sflag:$0x2] =	stream.linear.gather @!p0 [hbm4b:s9+s21], $0x80, $0x38;
	[tilespmem:$0x13100] =	vst v63  }
0x58: {  	_ =	swait.ge @!p0 [sflag:s22], $0x80  }
0x59: {  	[sflag:s22] =	ssyncset.done @!p0 $0x0  }
0x5a: {  	s24 =	simm.s32 @!p0 $0x100;
	[sflag:s22] =	ssyncadd.s32 @!p0 $0xFFFFFF80  }
0x5b: {  	[tilespmem:s24], [sflag:$0x1] =	stream.indirect.gather @!p0 [hbm4b:s4+s23], $0x80, s21, s23, $0xb8;
	[tilespmem:$0x13100] =	vst v63  }
0x5c: {  	s21 =	simm.s32 @!p0 $0x1  }
0x5d: {  	_ =	swait.ge @!p0 [sflag:s21], $0x4000  }
0x5e: {  	[sflag:s21] =	ssyncset.done @!p0 $0x0  }
0x5f: {  	[sflag:s21] =	ssyncadd.s32 @!p0 $0xFFFFC000  }
0x60: {  	[spmem:s1] =	stream.indirect.scatter.add.f32 @!p0 [tilespmem:s24], [sflag:$0x2], $0x80, s23, s23, $0xb8;
	[tilespmem:$0x13100] =	vst v63  }
0x61: {  	_ =	swait.ge @!p0 [sflag:s22], $0x4000  }
0x62: {  	[sflag:s22] =	ssyncset.done @!p0 $0x0  }
0x63: {  	[sflag:s22] =	ssyncadd.s32 @!p0 $0xFFFFC000  }
0x64: {  	[bflag:$0x0] =	sbarrier.arrive $0xFFFF  }
0x65: {  	[tilespmem:s15], [sflag:$0x2] =	stream.linear.gather [spmem:s6], $0x5000, $0x38;
	[tilespmem:$0x13100] =	vst v63  }
0x66: {  	_ =	swait.ge [sflag:s16], $0x5000  }
0x67: {  	[sflag:s16] =	ssyncset.done $0x0  }
0x68: {  	[sflag:s16] =	ssyncadd.s32 $0xFFFFB000  }
0x69: {  	[hbm4b:s10+s2] =	stream.linear.scatter [tilespmem:s15], [sflag:$0x2], $0x5000, $0x38;
	[tilespmem:$0x13100] =	vst v63  }
0x6a: {  	_ =	swait.ge [sflag:s16], $0x5000  }
0x6b: {  	[sflag:s16] =	ssyncset.done $0x0  }
0x6c: {  	[sflag:s16] =	ssyncadd.s32 $0xFFFFB000  }
0x6d: {  	[tilespmem:s15], [sflag:$0x2] =	stream.linear.gather [spmem:s7], $0x5000, $0x38;
	[tilespmem:$0x13100] =	vst v63  }
0x6e: {  	s20 =	sadd.s32 $0x1, s20;
	_ =	swait.ge [sflag:s16], $0x5000  }
0x6f: {  	p1 =	sne.s32 s20, s12;
	[sflag:s16] =	ssyncset.done $0x0  }
.Ltmp1:
0x70: {  	[sflag:s16] =	ssyncadd.s32 $0xFFFFB000;
	(pc) =	sbr.rel @p1 .LBB2_1-.Ltmp1, $4  }
0x71: {  	[hbm4b:s11+s2] =	stream.linear.scatter [tilespmem:s15], [sflag:$0x2], $0x5000, $0x38;
	[tilespmem:$0x13100] =	vst v63  }
0x72: {  	_ =	swait.ge [sflag:s16], $0x5000  }
0x73: {  	[sflag:s16] =	ssyncset.done $0x0  }
0x74: {  	[sflag:s16] =	ssyncadd.s32 $0xFFFFB000  }
0x75: {  	_ =	sfence.sel $0x180000  }
0x76: {  	[bflag:$0x0] =	sbarrier.arrive $0xFFFF  }
0x77: {  	p0 =	sne.s32 s3, $0x0;
	_ =	strace $0x9000004D  }
0x78: {  	s0 =	sadd.s32 @!p0 $0x100000, s0;
	[bflag:$0x2] =	sbarrier.arrive $0xFFFF  }
0x79: {  	[sflag:s0] =	ssyncadd.tile.s32 @!p0 $0x1;
	_ =	shalt  }
.Lfunc_end2:
_tile_overlayer_lowered:
.L_overlay_start_2:
0x7a: {  	(tag) =	ssettag $0x2  }
0x7b: {  	s0 =	rddreg [dreg:$0x0];
	s2 =	stileid.u32  }
0x7c: {  	s1 =	rddreg [dreg:$0x1];
	p0 =	sne.s32 s2, $0x0  }
0x7d: {  	s3 =	rddreg [dreg:$0x2];
	[bflag:$0x3] =	sbarrier.arrive $0xFFFF;
	s2 =	simm.s32 @!p0 $0x1C02  }
0x7e: {  	[timem:s3], [sflag:s2] =	dma.local @!p0 [hbm:s0], s1  }
0x7f: {  	s0 =	simm.s32 @!p0 $0x2  }
0x80: {  	_ =	swait.ge @!p0 [sflag:s0], s1  }
0x81: {  	s1 =	ssub.s32 @!p0 $0x0, s1;
	[sflag:s0] =	ssyncset.done @!p0 $0x0  }
0x82: {  	[sflag:s0] =	ssyncadd.s32 @!p0 s1  }
0x83: {  	[bflag:$0x3] =	sbarrier.arrive $0xFFFF  }
0x84: {  	_ =	shalt  }

// kernel: kernel.19.cloned.1.call-start
scs
__scs_entry_jumppad:
0x0: {  	(pc) =	sbr.rel $0x88, $3  }
0x1: {  	(tag) =	ssettag $0x0;
	lr =	simm.s32 $0x1  }
0x2: {  	[smem:$0x3F9E] =	sst lr;
	_ =	strace $0xD0000000  }
0x3: {  	_ = 	snop  }
0x4: {  	_ = 	snop  }
0x5: {  	_ = 	snop  }
0x6: {  	_ = 	snop  }
0x7: {  	_ = 	snop  }
__scs_overlays_trampoline_lowered:
0x8: {  	[smem:$0x3FAD] =	sst s0  }
0x9: {  	[smem:$0x3FAE] =	sst s1  }
0xa: {  	[smem:$0x3FAF] =	sst s2  }
0xb: {  	[smem:$0x3FB0] =	sst s3  }
0xc: {  	[smem:$0x3FB1] =	sst s4  }
0xd: {  	[smem:$0x3FB2] =	sst s5  }
0xe: {  	[smem:$0x3FB3] =	sst s6  }
0xf: {  	[smem:$0x3FB4] =	sst s7  }
0x10: {  	[smem:$0x3FB5] =	sst s8  }
0x11: {  	[smem:$0x3FB6] =	sst s9;
	s0 =	simm.s32 @!p0 $0x0  }
0x12: {  	s1 =	sld [smem:$0x3F9C];
	s0 =	simm.s32 @p0 $0x1  }
0x13: {  	[smem:$0x3FB7] =	sst s0;
	s0 =	simm.s32 @!p1 $0x0  }
0x14: {  	s2 =	sld [smem:$0x3F9B];
	s0 =	simm.s32 @p1 $0x1  }
0x15: {  	[smem:$0x3FB8] =	sst s0;
	s0 =	simm.s32 @!p2 $0x0  }
0x16: {  	s3 =	sld [smem:$0x3FDB];
	s0 =	simm.s32 @p2 $0x1  }
0x17: {  	s4 =	simm.s32 $0x1BF5;
	[smem:$0x3FBA] =	sst s0  }
0x18: {  	s0 =	sld [smem:$0x3F9D];
	_ =	swait.ge [sflag:s4], $0x0  }
0x19: {  	s7 =	sld [smem:$0x3F9E]  }
0x1a: {  	s8 =	sadd.s32 $0xFFFFE003, lr  }
0x1b: {  	s9 =	sadd.s32 $0xFFFFFEF7, lr;
	s5 =	simm.s32 $0xFFFFFFFF;
	p2 =	slt.u32 s8, $0xFFFFF086  }
0x1c: {  	p1 =	slt.u32 s9, $0xF7A;
	s5 =	simm.s32 @!p2 $0x0  }
0x1d: {  	s5 =	simm.s32 @p1 $0x1;
	p0 =	seq.s32 s7, s2  }
0x1e: {  	s7 =	smul.u32 @!p0 $0xF7A, s2;
	p2 =	seq.s32 @!p0 s5, $0x0  }
0x1f: {  	s9 =	smul.u32 $0xF7A, s1;
	s8 =	simm.s32 @!p0 $0x1BF5;
	p2 =	por !p2, p0  }
0x20: {  	[sflag:s8] =	ssyncset.s32 @!p0 $0xFFFFF086;
	s6 =	sadd.s32 @!p0 s3, s7;
	s7 =	simm.s32 @!p0 $0x108  }
0x21: {  	s3 =	sadd.s32 s3, s9;
	s6 =	sadd.s32 @!p0 $0x88, s6;
	s7 =	simm.s32 @p2 $0x1082  }
0x22: {  	[simem:s7], [sflag:s8] =	dma.local @!p0 [hbm:s6], $0xF7A  }
0x23: {  	s9 =	sor.u32 $0xD0000000, s2;
	s6 =	simm.s32 $0x108;
	_ =	swait.ge @!p0 [sflag:s8], $0x0  }
0x24: {  	s3 =	sadd.s32 $0x88, s3;
	s6 =	simm.s32 @!p1 $0x1082;
	[sflag:s4] =	ssyncset.s32 $0xFFFFF086  }
0x25: {  	[simem:s6], [sflag:s4] =	dma.local [hbm:s3], $0xF7A  }
0x26: {  	[smem:$0x3F9E] =	sst s1;
	(tag) =	ssettag s2;
	_ =	strace s9  }
0x27: {  	s1 =	sld [smem:$0x3FAE]  }
0x28: {  	s2 =	sld [smem:$0x3FAF]  }
0x29: {  	s4 =	sld [smem:$0x3FB1]  }
0x2a: {  	p0 =	seq.s32 s5, $0x0;
	s5 =	sld [smem:$0x3FB2]  }
0x2b: {  	s6 =	sld [smem:$0x3FB3]  }
0x2c: {  	s7 =	sld [smem:$0x3FB4]  }
0x2d: {  	s3 =	simm.s32 $0x108;
	s8 =	sld [smem:$0x3FB5]  }
0x2e: {  	s3 =	simm.s32 @!p0 $0x1082;
	s9 =	sld [smem:$0x3FB6]  }
0x2f: {  	lr =	sadd.s32 s0, s3;
	s0 =	sld [smem:$0x3FAD]  }
0x30: {  	s3 =	sld [smem:$0x3FB0]  }
0x31: {  	[smem:$0x3FB9] =	sst s10  }
0x32: {  	s10 =	sld [smem:$0x3FB7];
	_ =	sdelay $0x3  }
0x33: {  	p0 =	seq.s32 s10, $0x1;
	s10 =	sld [smem:$0x3FB9];
	_ =	sdelay $0x3  }
0x34: {  	[smem:$0x3FB9] =	sst s10  }
0x35: {  	s10 =	sld [smem:$0x3FB8];
	_ =	sdelay $0x3  }
0x36: {  	p1 =	seq.s32 s10, $0x1;
	s10 =	sld [smem:$0x3FB9];
	_ =	sdelay $0x3  }
0x37: {  	[smem:$0x3FB9] =	sst s10  }
0x38: {  	s10 =	sld [smem:$0x3FBA]  }
0x39: {  	_ = 	snop;
	(pc) =	sbr.ind lr, $3  }
0x3a: {  	_ = 	snop  }
0x3b: {  	_ = 	snop  }
0x3c: {  	p2 =	seq.s32 s10, $0x1;
	s10 =	sld [smem:$0x3FB9]  }
0x3d: {  	_ =	shalt  }
0x3e: {  	_ =	shalt  }
0x3f: {  	_ =	shalt  }
0x40: {  	_ =	shalt  }
0x41: {  	_ =	shalt  }
0x42: {  	_ =	shalt  }
0x43: {  	_ =	shalt  }
0x44: {  	_ =	shalt  }
0x45: {  	_ =	shalt  }
0x46: {  	_ =	shalt  }
0x47: {  	_ =	shalt  }
0x48: {  	_ =	shalt  }
0x49: {  	_ =	shalt  }
0x4a: {  	_ =	shalt  }
0x4b: {  	_ =	shalt  }
0x4c: {  	_ =	shalt  }
0x4d: {  	_ =	shalt  }
0x4e: {  	_ =	shalt  }
0x4f: {  	_ =	shalt  }
0x50: {  	_ =	shalt  }
0x51: {  	_ =	shalt  }
0x52: {  	_ =	shalt  }
0x53: {  	_ =	shalt  }
0x54: {  	_ =	shalt  }
0x55: {  	_ =	shalt  }
0x56: {  	_ =	shalt  }
0x57: {  	_ =	shalt  }
0x58: {  	_ =	shalt  }
0x59: {  	_ =	shalt  }
0x5a: {  	_ =	shalt  }
0x5b: {  	_ =	shalt  }
0x5c: {  	_ =	shalt  }
0x5d: {  	_ =	shalt  }
0x5e: {  	_ =	shalt  }
0x5f: {  	_ =	shalt  }
0x60: {  	_ =	shalt  }
0x61: {  	_ =	shalt  }
0x62: {  	_ =	shalt  }
0x63: {  	_ =	shalt  }
0x64: {  	_ =	shalt  }
0x65: {  	_ =	shalt  }
0x66: {  	_ =	shalt  }
0x67: {  	_ =	shalt  }
0x68: {  	_ =	shalt  }
0x69: {  	_ =	shalt  }
0x6a: {  	_ =	shalt  }
0x6b: {  	_ =	shalt  }
0x6c: {  	_ =	shalt  }
0x6d: {  	_ =	shalt  }
0x6e: {  	_ =	shalt  }
0x6f: {  	_ =	shalt  }
0x70: {  	_ =	shalt  }
0x71: {  	_ =	shalt  }
0x72: {  	_ =	shalt  }
0x73: {  	_ =	shalt  }
0x74: {  	_ =	shalt  }
0x75: {  	_ =	shalt  }
0x76: {  	_ =	shalt  }
0x77: {  	_ =	shalt  }
0x78: {  	_ =	shalt  }
0x79: {  	_ =	shalt  }
0x7a: {  	_ =	shalt  }
0x7b: {  	_ =	shalt  }
0x7c: {  	_ =	shalt  }
0x7d: {  	_ =	shalt  }
0x7e: {  	_ =	shalt  }
0x7f: {  	_ =	shalt  }
0x80: {  	_ =	shalt  }
0x81: {  	_ =	shalt  }
0x82: {  	_ =	shalt  }
0x83: {  	_ =	shalt  }
0x84: {  	_ =	shalt  }
0x85: {  	_ =	shalt  }
0x86: {  	_ =	shalt  }
0x87: {  	_ =	shalt  }
.Lfunc_end0:
.L_simem_size_0:
called_computation.3_lowered:
.L_overlay_start_0:
0x88: {  	s2 =	sld [smem:$0x3FD9]  }
0x89: {  	s3 =	sld [smem:$0x3FFE];
	_ =	sdelay $0x1  }
0x8a: {  	s1 =	srdreg.scid  }
0x8b: {  	s0 =	sand.u32 $0x1, s1  }
0x8c: {  	s17 =	sshll.u32 s0, $0xA;
	s2 =	sadd.s32 s3, s2  }
0x8d: {  	s2 =	sadd.s32 s2, s17  }
0x8e: {  	[smem:$0x3FC5] =	sst s2  }
0x8f: {  	_ = 	snop  }
0x90: {  	s2 =	sld [smem:$0x3FC8]  }
0x91: {  	s18 =	sld [smem:$0x3FC7]  }
0x92: {  	s4 =	sld [smem:$0x3FD0];
	(tm) =	ssettm $0x1  }
0x93: {  	s5 =	sld [smem:$0x3FFB];
	_ =	sdelay $0x3  }
0x94: {  	_ =	strace s5  }
0x95: {  	s5 =	sld [smem:$0x3FFC];
	_ =	sdelay $0x3  }
0x96: {  	_ =	strace s5  }
0x97: {  	s5 =	sld [smem:$0x3FFD];
	_ =	sdelay $0x3  }
0x98: {  	_ =	strace s5  }
0x99: {  	_ =	strace $0x8FFFFFFF  }
0x9a: {  	s19 =	sld [smem:$0x3FDB];
	_ =	sdelay $0x1  }
0x9b: {  	s6 =	simm.s32 $_scs_section_size  }
0x9c: {  	s7 =	simm.s32 $_size__tile_overlayer_lowered;
	s8 =	simm.s32 $_tile_overlayer_lowered  }
0x9d: {  	s22 =	simm.s32 $0x1BFF;
	s21 =	sshll.u32 s8, $0x1;
	s5 =	sadd.s32 s6, s19  }
0x9e: {  	s9 =	simm.s32 $0x0;
	s20 =	sshll.u32 s7, $0x1;
	s7 =	sadd.s32 s21, s5  }
0x9f: {  	[timem:s9], [sflag:s22] =	dma.local [hbm:s7], s20  }
0xa0: {  	_ =	swait.ge [sflag:s22], s20  }
0xa1: {  	s6 =	ssub.s32 $0x0, s20;
	[sflag:s22] =	ssyncset.done $0x0  }
0xa2: {  	[sflag:s22] =	ssyncadd.s32 s6;
	_ =	sdelay $0x1  }
0xa3: {  	s23 =	simm.s32 $0x1B8B  }
0xa4: {  	_ =	swait.ge [sflag:s23], $0x1  }
0xa5: {  	[sflag:s23] =	ssyncset.done $0x0  }
0xa6: {  	s25 =	simm.s32 $0x1B8E;
	s24 =	sld [smem:$0x3FFE];
	[sflag:s23] =	ssyncadd.s32 $0xFFFFFFFF  }
0xa7: {  	s26 =	simm.s32 $execute0_lowered;
	[smem:$0x3FD2] =	sst s25  }
0xa8: {  	s7 =	sshll.u32 s26, $0x1;
	_ =	strace $0x8000004F;
	[dreg:$0x1] =	wrdreg $0xFFFFFFFF  }
0xa9: {  	s28 =	simm.s32 $_size_execute0_lowered;
	s5 =	sadd.s32 s5, s7;
	[dreg:$0x0] =	wrdreg $0x0  }
0xaa: {  	s7 =	sshll.u32 s28, $0x1;
	[dreg:$0x2] =	wrdreg s5  }
0xab: {  	[dreg:$0x3] =	wrdreg s7  }
0xac: {  	[dreg:$0x4] =	wrdreg $0xC0  }
0xad: {  	_ =	task [dreg:s9], $0x5FFFF  }
0xae: {  	[dreg:$0x1] =	wrdreg $0xFFFFFFFF  }
0xaf: {  	[dreg:$0x0] =	wrdreg $0x60  }
0xb0: {  	[dreg:$0x2] =	wrdreg s4  }
0xb1: {  	[dreg:$0x3] =	wrdreg s2  }
0xb2: {  	[dreg:$0x4] =	wrdreg s18  }
0xb3: {  	[dreg:$0x5] =	wrdreg s24  }
0xb4: {  	[dreg:$0x6] =	wrdreg $0x91000  }
0xb5: {  	[dreg:$0x7] =	wrdreg $0x9  }
0xb6: {  	_ =	task.clear_ibuf [dreg:s9], $0x8FFFF;
	_ =	strace $0x9000004F  }
0xb7: {  	s29 =	simm.s32 $0x9;
	_ =	strace $0x80000051  }
0xb8: {  	_ =	swait.ge [sflag:s29], $0x1  }
0xb9: {  	[sflag:s29] =	ssyncadd.s32 $0xFFFFFFFF  }
0xba: {  	_ =	strace $0x90000051  }
0xbb: {  	_ =	sfence  }
0xbc: {  	s30 =	sld [smem:$0x0];
	_ =	sdelay $0x2  }
0xbd: {  	s31 =	sshll.u32 s1, $0xD;
	s1 =	sshrl.u32 s1, $0x2  }
0xbe: {  	s3 =	sand.u32 $0x4000, s31;
	s1 =	sadd.s32 s1, s30  }
0xbf: {  	s0 =	sor.u32 s3, s0;
	s1 =	sshll.u32 s1, $0x11  }
0xc0: {  	s0 =	sor.u32 s1, s0  }
0xc1: {  	s0 =	sadd.s32 $0x8F2B, s0  }
0xc2: {  	[sflag:s0] =	ssyncadd.remote.s32 $0x1  }
0xc3: {  	_ =	sfence.sel $0xFFFF  }
0xc4: {  	[dreg:$0x0] =	wrdreg $0xFFFFFFFF;
	(pc) =	sbr.abs _section_cstart, $3  }
0xc5: {  	[dreg:$0x1] =	wrdreg $0xFFFFFFFF  }
0xc6: {  	_ =	task.clear_ibuf [dreg:s9], $0x2FFFF;
	_ =	strace $0x9FFFFFFF  }
0xc7: {  	(tm) =	ssettm $0x7FFFFFFF  }
tec
execute0_lowered:
.L_overlay_start_1:
0x0: {  	(tag) =	ssettag $0x1  }
0x1: {  	s1 =	rddreg [dreg:$0x0]  }
0x2: {  	s17 =	rddreg [dreg:$0x1]  }
0x3: {  	s18 =	rddreg [dreg:$0x2]  }
0x4: {  	s6 =	rddreg [dreg:$0x3]  }
0x5: {  	s3 =	rddreg [dreg:$0x4]  }
0x6: {  	s0 =	rddreg [dreg:$0x5]  }
0x7: {  	s4 =	simm.s32 $0x0;
	s5 =	srdreg.scid;
	s2 =	stileid.u32  }
0x8: {  	s23 =	simm.s32 $0x1;
	s24 =	simm.s32 $0x0;
	s7 =	smul.u32 $0x50000, s2  }
0x9: {  	[smem:$0x7FF] =	sst s4;
	s16 =	sand.u32 $0x1, s5;
	s10 =	smul.u32 $0x14000, s2  }
0xa: {  	s5 =	sadd.s32 $0x4200, s6;
	s15 =	sadd.s32 $0x2CC00, s6;
	s9 =	sshll.u32 s2, $0x5  }
0xb: {  	s30 =	smul.u32 $0x9C0, s2;
	p0 =	sgt.u32 s2, $0x1;
	_ =	strace $0x80000050  }
0xc: {  	s8 =	ssub.s32 $0x2, s16;
	s12 =	sshll.u32 s16, $0x4;
	s20 =	smul.u32 $0x140000, s16  }
0xd: {  	s31 =	smul.u32 $0x4E0, s16;
	s26 =	sshrl.u32 s8, $0x1;
	s28 =	sshrl.u32 s7, $0x2  }
0xe: {  	s11 =	sadd.s32 $0x5000, s10;
	s14 =	sadd.s32 $0xA000, s10;
	s21 =	sadd.s32 $0xF000, s10  }
0xf: {  	s12 =	sor.u32 s12, s9;
	s19 =	ssub.s32 s8, s26;
	s6 =	sadd.s32 s28, s3  }
0x10: {  	s7 =	sadd.s32 s11, s3;
	s8 =	sadd.s32 s14, s3;
	s9 =	sadd.s32 s21, s3  }
0x11: {  	s12 =	sor.u32 $0x9C00, s12;
	s13 =	sadd.s32 s10, s20;
	s22 =	sadd.s32 s20, s11  }
0x12: {  	s14 =	sadd.s32 s20, s14;
	s20 =	sadd.s32 s20, s21;
	s21 =	simm.s32 $0x80  }
0x13: {  	s10 =	sadd.s32 s17, s12;
	s13 =	sshrl.u32 s13, $0x3;
	s11 =	sadd.s32 s18, s12  }
0x14: {  	s29 =	sshrl.u32 s22, $0x3;
	s14 =	sshrl.u32 s14, $0x3;
	s20 =	sshrl.u32 s20, $0x3  }
0x15: {  	s16 =	smax.u32 s19, $0x1;
	s17 =	sadd.s32 s30, s17;
	s18 =	sadd.s32 s30, s18  }
0x16: {  	s19 =	simm.s32 $0x4100;
	s22 =	simm.s32 $0x100;
	s12 =	sadd.s32 s15, s13  }
0x17: {  	s13 =	sadd.s32 s15, s29;
	s14 =	sadd.s32 s15, s14;
	s15 =	sadd.s32 s15, s20  }
0x18: {  	s17 =	sadd.s32 s31, s17;
	s18 =	sadd.s32 s31, s18;
	s20 =	simm.s32 $0x2  }
.LBB2_1:
0x19: {  	[tilespmem:s19], [sflag:$0x2] =	stream.linear.gather [hbm4b:s5+s4], $0x5000, $0x38;
	[tilespmem:$0x1D100] =	vst v63  }
0x1a: {  	_ =	swait.ge [sflag:s20], $0x5000  }
0x1b: {  	[sflag:s20] =	ssyncset.done $0x0  }
0x1c: {  	[sflag:s20] =	ssyncadd.s32 $0xFFFFB000  }
0x1d: {  	[spmem:s6] =	stream.linear.scatter [tilespmem:s19], [sflag:$0x2], $0x5000, $0x38;
	[tilespmem:$0x1D100] =	vst v63  }
0x1e: {  	_ =	swait.ge [sflag:s20], $0x5000  }
0x1f: {  	[sflag:s20] =	ssyncset.done $0x0  }
0x20: {  	[sflag:s20] =	ssyncadd.s32 $0xFFFFB000  }
0x21: {  	[spmem:s7] =	stream.linear.scatter [tilespmem:s19], [sflag:$0x2], $0x5000, $0x38;
	[tilespmem:$0x1D100] =	vst v63  }
0x22: {  	_ =	swait.ge [sflag:s20], $0x5000  }
0x23: {  	[sflag:s20] =	ssyncset.done $0x0  }
0x24: {  	[sflag:s20] =	ssyncadd.s32 $0xFFFFB000  }
0x25: {  	[spmem:s8] =	stream.linear.scatter [tilespmem:s19], [sflag:$0x2], $0x5000, $0x38;
	[tilespmem:$0x1D100] =	vst v63  }
0x26: {  	_ =	swait.ge [sflag:s20], $0x5000  }
0x27: {  	[sflag:s20] =	ssyncset.done $0x0  }
0x28: {  	[sflag:s20] =	ssyncadd.s32 $0xFFFFB000  }
0x29: {  	[spmem:s9] =	stream.linear.scatter [tilespmem:s19], [sflag:$0x2], $0x5000, $0x38;
	[tilespmem:$0x1D100] =	vst v63  }
0x2a: {  	_ =	swait.ge [sflag:s20], $0x5000  }
0x2b: {  	[sflag:s20] =	ssyncset.done $0x0  }
0x2c: {  	[sflag:s20] =	ssyncadd.s32 $0xFFFFB000  }
0x2d: {  	s25 =	sadd.s32 $0x0, s17;
	[bflag:$0x0] =	sbarrier.arrive $0xFFFF  }
0x2e: {  	[tilespmem:s4], [sflag:$0x2] =	stream.linear.gather [hbm4b:s25+s4], $0x80, $0x38;
	[tilespmem:$0x1D100] =	vst v63  }
0x2f: {  	_ =	swait.ge [sflag:s20], $0x80  }
0x30: {  	[sflag:s20] =	ssyncset.done $0x0  }
0x31: {  	s31 =	sadd.s32 $0x0, s18;
	[sflag:s20] =	ssyncadd.s32 $0xFFFFFF80  }
0x32: {  	[tilespmem:s21], [sflag:$0x2] =	stream.linear.gather [hbm4b:s31+s4], $0x80, $0x38;
	[tilespmem:$0x1D100] =	vst v63  }
0x33: {  	_ =	swait.ge [sflag:s20], $0x80  }
0x34: {  	[sflag:s20] =	ssyncset.done $0x0  }
0x35: {  	[sflag:s20] =	ssyncadd.s32 $0xFFFFFF80  }
0x36: {  	[tilespmem:s22], [sflag:$0x1] =	stream.indirect.gather [hbm4b:s1+s21], $0x80, s4, s21, $0xb8;
	[tilespmem:$0x1D100] =	vst v63  }
0x37: {  	_ =	swait.ge [sflag:s23], $0x4000  }
0x38: {  	[sflag:s23] =	ssyncset.done $0x0  }
0x39: {  	[sflag:s23] =	ssyncadd.s32 $0xFFFFC000  }
0x3a: {  	[spmem:s3] =	stream.indirect.scatter.add.f32 [tilespmem:s22], [sflag:$0x2], $0x80, s21, s21, $0xb8;
	[tilespmem:$0x1D100] =	vst v63  }
0x3b: {  	_ =	swait.ge [sflag:s20], $0x4000  }
0x3c: {  	s26 =	simm.s32 $0x20;
	s25 =	simm.s32 $0x10;
	[sflag:s20] =	ssyncset.done $0x0  }
.LBB2_2:
0x3d: {  	s28 =	sadd.s32 s25, s17  }
0x3e: {  	[sflag:s20] =	ssyncadd.s32 $0xFFFFC000;
	s29 =	smov.u32 s26;
	s30 =	sadd.s32 $0x10, s26  }
0x3f: {  	[tilespmem:s4], [sflag:$0x2] =	stream.linear.gather [hbm4b:s28+s4], $0x80, $0x38;
	[tilespmem:$0x1D100] =	vst v63  }
0x40: {  	p1 =	sne.s32 s26, $0x4D0;
	_ =	swait.ge [sflag:s20], $0x80  }
0x41: {  	[sflag:s20] =	ssyncset.done $0x0  }
0x42: {  	s26 =	sadd.s32 s25, s18;
	s25 =	smov.u32 s29;
	[sflag:s20] =	ssyncadd.s32 $0xFFFFFF80  }
0x43: {  	[tilespmem:s21], [sflag:$0x2] =	stream.linear.gather [hbm4b:s26+s4], $0x80, $0x38;
	[tilespmem:$0x1D100] =	vst v63  }
0x44: {  	_ =	swait.ge [sflag:s20], $0x80  }
0x45: {  	[sflag:s20] =	ssyncset.done $0x0  }
0x46: {  	[sflag:s20] =	ssyncadd.s32 $0xFFFFFF80  }
0x47: {  	[tilespmem:s22], [sflag:$0x1] =	stream.indirect.gather [hbm4b:s1+s21], $0x80, s4, s21, $0xb8;
	[tilespmem:$0x1D100] =	vst v63  }
0x48: {  	_ =	swait.ge [sflag:s23], $0x4000  }
.Ltmp0:
0x49: {  	[sflag:s23] =	ssyncset.done $0x0;
	(pc) =	sbr.rel @p1 .LBB2_2-.Ltmp0, $4  }
0x4a: {  	[sflag:s23] =	ssyncadd.s32 $0xFFFFC000  }
0x4b: {  	[spmem:s3] =	stream.indirect.scatter.add.f32 [tilespmem:s22], [sflag:$0x2], $0x80, s21, s21, $0xb8;
	[tilespmem:$0x1D100] =	vst v63  }
0x4c: {  	_ =	swait.ge [sflag:s20], $0x4000  }
0x4d: {  	s26 =	smov.u32 s30;
	[sflag:s20] =	ssyncset.done $0x0  }
0x4e: {  	s26 =	sadd.s32 s25, s17;
	[sflag:s20] =	ssyncadd.s32 $0xFFFFC000  }
0x4f: {  	[tilespmem:s4], [sflag:$0x2] =	stream.linear.gather [hbm4b:s26+s4], $0x80, $0x38;
	[tilespmem:$0x1D100] =	vst v63  }
0x50: {  	_ =	swait.ge [sflag:s20], $0x80  }
0x51: {  	[sflag:s20] =	ssyncset.done $0x0  }
0x52: {  	s31 =	sadd.s32 s25, s18;
	[sflag:s20] =	ssyncadd.s32 $0xFFFFFF80  }
0x53: {  	[tilespmem:s21], [sflag:$0x2] =	stream.linear.gather [hbm4b:s31+s4], $0x80, $0x38;
	[tilespmem:$0x1D100] =	vst v63  }
0x54: {  	_ =	swait.ge [sflag:s20], $0x80  }
0x55: {  	[sflag:s20] =	ssyncset.done $0x0  }
0x56: {  	[sflag:s20] =	ssyncadd.s32 $0xFFFFFF80  }
0x57: {  	[tilespmem:s22], [sflag:$0x1] =	stream.indirect.gather [hbm4b:s1+s21], $0x80, s4, s21, $0xb8;
	[tilespmem:$0x1D100] =	vst v63  }
0x58: {  	_ =	swait.ge [sflag:s23], $0x4000  }
0x59: {  	[sflag:s23] =	ssyncset.done $0x0  }
0x5a: {  	[sflag:s23] =	ssyncadd.s32 $0xFFFFC000  }
0x5b: {  	[spmem:s3] =	stream.indirect.scatter.add.f32 [tilespmem:s22], [sflag:$0x2], $0x80, s21, s21, $0xb8;
	[tilespmem:$0x1D100] =	vst v63  }
0x5c: {  	_ =	swait.ge [sflag:s20], $0x4000  }
0x5d: {  	[sflag:s20] =	ssyncset.done $0x0  }
0x5e: {  	s25 =	simm.s32 @!p0 $0x0;
	s26 =	simm.s32 @!p0 $0x2;
	[sflag:s20] =	ssyncadd.s32 $0xFFFFC000  }
0x5f: {  	[tilespmem:s25], [sflag:$0x2] =	stream.linear.gather @!p0 [hbm4b:s10+s25], $0x80, $0x38;
	[tilespmem:$0x1D100] =	vst v63  }
0x60: {  	_ =	swait.ge @!p0 [sflag:s26], $0x80  }
0x61: {  	[sflag:s26] =	ssyncset.done @!p0 $0x0  }
0x62: {  	s28 =	simm.s32 @!p0 $0x80;
	[sflag:s26] =	ssyncadd.s32 @!p0 $0xFFFFFF80  }
0x63: {  	[tilespmem:s28], [sflag:$0x2] =	stream.linear.gather @!p0 [hbm4b:s11+s25], $0x80, $0x38;
	[tilespmem:$0x1D100] =	vst v63  }
0x64: {  	_ =	swait.ge @!p0 [sflag:s26], $0x80  }
0x65: {  	[sflag:s26] =	ssyncset.done @!p0 $0x0  }
0x66: {  	s29 =	simm.s32 @!p0 $0x100;
	[sflag:s26] =	ssyncadd.s32 @!p0 $0xFFFFFF80  }
0x67: {  	[tilespmem:s29], [sflag:$0x1] =	stream.indirect.gather @!p0 [hbm4b:s1+s28], $0x80, s25, s28, $0xb8;
	[tilespmem:$0x1D100] =	vst v63  }
0x68: {  	s25 =	simm.s32 @!p0 $0x1  }
0x69: {  	_ =	swait.ge @!p0 [sflag:s25], $0x4000  }
0x6a: {  	[sflag:s25] =	ssyncset.done @!p0 $0x0  }
0x6b: {  	[sflag:s25] =	ssyncadd.s32 @!p0 $0xFFFFC000  }
0x6c: {  	[spmem:s3] =	stream.indirect.scatter.add.f32 @!p0 [tilespmem:s29], [sflag:$0x2], $0x80, s28, s28, $0xb8;
	[tilespmem:$0x1D100] =	vst v63  }
0x6d: {  	_ =	swait.ge @!p0 [sflag:s26], $0x4000  }
0x6e: {  	[sflag:s26] =	ssyncset.done @!p0 $0x0  }
0x6f: {  	[sflag:s26] =	ssyncadd.s32 @!p0 $0xFFFFC000  }
0x70: {  	[bflag:$0x0] =	sbarrier.arrive $0xFFFF  }
0x71: {  	[tilespmem:s19], [sflag:$0x2] =	stream.linear.gather [spmem:s6], $0x5000, $0x38;
	[tilespmem:$0x1D100] =	vst v63  }
0x72: {  	_ =	swait.ge [sflag:s20], $0x5000  }
0x73: {  	[sflag:s20] =	ssyncset.done $0x0  }
0x74: {  	[sflag:s20] =	ssyncadd.s32 $0xFFFFB000  }
0x75: {  	[hbm4b:s12+s4] =	stream.linear.scatter [tilespmem:s19], [sflag:$0x2], $0x5000, $0x38;
	[tilespmem:$0x1D100] =	vst v63  }
0x76: {  	_ =	swait.ge [sflag:s20], $0x5000  }
0x77: {  	[sflag:s20] =	ssyncset.done $0x0  }
0x78: {  	[sflag:s20] =	ssyncadd.s32 $0xFFFFB000  }
0x79: {  	[tilespmem:s19], [sflag:$0x2] =	stream.linear.gather [spmem:s7], $0x5000, $0x38;
	[tilespmem:$0x1D100] =	vst v63  }
0x7a: {  	_ =	swait.ge [sflag:s20], $0x5000  }
0x7b: {  	[sflag:s20] =	ssyncset.done $0x0  }
0x7c: {  	[sflag:s20] =	ssyncadd.s32 $0xFFFFB000  }
0x7d: {  	[hbm4b:s13+s4] =	stream.linear.scatter [tilespmem:s19], [sflag:$0x2], $0x5000, $0x38;
	[tilespmem:$0x1D100] =	vst v63  }
0x7e: {  	_ =	swait.ge [sflag:s20], $0x5000  }
0x7f: {  	[sflag:s20] =	ssyncset.done $0x0  }
0x80: {  	[sflag:s20] =	ssyncadd.s32 $0xFFFFB000  }
0x81: {  	[tilespmem:s19], [sflag:$0x2] =	stream.linear.gather [spmem:s8], $0x5000, $0x38;
	[tilespmem:$0x1D100] =	vst v63  }
0x82: {  	_ =	swait.ge [sflag:s20], $0x5000  }
0x83: {  	[sflag:s20] =	ssyncset.done $0x0  }
0x84: {  	[sflag:s20] =	ssyncadd.s32 $0xFFFFB000  }
0x85: {  	[hbm4b:s14+s4] =	stream.linear.scatter [tilespmem:s19], [sflag:$0x2], $0x5000, $0x38;
	[tilespmem:$0x1D100] =	vst v63  }
0x86: {  	_ =	swait.ge [sflag:s20], $0x5000  }
0x87: {  	[sflag:s20] =	ssyncset.done $0x0  }
0x88: {  	[sflag:s20] =	ssyncadd.s32 $0xFFFFB000  }
0x89: {  	[tilespmem:s19], [sflag:$0x2] =	stream.linear.gather [spmem:s9], $0x5000, $0x38;
	[tilespmem:$0x1D100] =	vst v63  }
0x8a: {  	s24 =	sadd.s32 $0x1, s24;
	_ =	swait.ge [sflag:s20], $0x5000  }
0x8b: {  	p1 =	sne.s32 s24, s16;
	[sflag:s20] =	ssyncset.done $0x0  }
.Ltmp1:
0x8c: {  	[sflag:s20] =	ssyncadd.s32 $0xFFFFB000;
	(pc) =	sbr.rel @p1 .LBB2_1-.Ltmp1, $4  }
0x8d: {  	[hbm4b:s15+s4] =	stream.linear.scatter [tilespmem:s19], [sflag:$0x2], $0x5000, $0x38;
	[tilespmem:$0x1D100] =	vst v63  }
0x8e: {  	_ =	swait.ge [sflag:s20], $0x5000  }
0x8f: {  	[sflag:s20] =	ssyncset.done $0x0  }
0x90: {  	[sflag:s20] =	ssyncadd.s32 $0xFFFFB000  }
0x91: {  	_ =	sfence.sel $0x180000  }
0x92: {  	[bflag:$0x0] =	sbarrier.arrive $0xFFFF  }
0x93: {  	p0 =	sne.s32 s2, $0x0;
	_ =	strace $0x90000050  }
0x94: {  	s0 =	sadd.s32 @!p0 $0x100000, s0;
	[bflag:$0x2] =	sbarrier.arrive $0xFFFF  }
0x95: {  	[sflag:s0] =	ssyncadd.tile.s32 @!p0 $0x1;
	_ =	shalt  }
.Lfunc_end2:
_tile_overlayer_lowered:
.L_overlay_start_2:
0x96: {  	(tag) =	ssettag $0x2  }
0x97: {  	s0 =	rddreg [dreg:$0x0];
	s2 =	stileid.u32  }
0x98: {  	s1 =	rddreg [dreg:$0x1];
	p0 =	sne.s32 s2, $0x0  }
0x99: {  	s3 =	rddreg [dreg:$0x2];
	[bflag:$0x3] =	sbarrier.arrive $0xFFFF;
	s2 =	simm.s32 @!p0 $0x1C02  }
0x9a: {  	[timem:s3], [sflag:s2] =	dma.local @!p0 [hbm:s0], s1  }
0x9b: {  	s0 =	simm.s32 @!p0 $0x2  }
0x9c: {  	_ =	swait.ge @!p0 [sflag:s0], s1  }
0x9d: {  	s1 =	ssub.s32 @!p0 $0x0, s1;
	[sflag:s0] =	ssyncset.done @!p0 $0x0  }
0x9e: {  	[sflag:s0] =	ssyncadd.s32 @!p0 s1  }
0x9f: {  	[bflag:$0x3] =	sbarrier.arrive $0xFFFF  }
0xa0: {  	_ =	shalt  }

</sc_bundles>
